<compile_context>
chip_gen: v7x
topology: tpu7x:2x2x1
jax: 0.10.2.dev20260603
libtpu: 0.0.44.dev20260713+nightly
codegen_flags: <defaults>
</compile_context>

<pallas_src>
import functools
import math

import jax
import jax.numpy as jnp
from jax import lax
from jax.experimental import pallas as pl
from jax.experimental.pallas import tpu as pltpu
from jax.experimental.pallas import tpu_sc as plsc

_N = 16
_K = 1 << 20
_TEMP = 0.5
_N_SC = 4
_N_TC = _N - _N_SC
_NC = 2
_NS = 16
_LANES = 16
_ROWS_PER_CORE = _N_SC // _NC
_W = _K // _NS
_CH = 8192
_NCHUNK = _W // _CH
_GROUP = 8
_VPG = _CH // (_GROUP * _LANES)

_SUB = 8192

_LN2 = 0.6931471805599453
_SQRT2 = 1.4142135623730951
_LOG_SCALE = math.lgamma(_K) + (_K - 1) * math.log(_TEMP)


def _vlog_many(xs):
    f = jnp.float32
    xis = [plsc.bitcast(x, jnp.int32) for x in xs]
    es = [(xi >> jnp.int32(23)) - jnp.int32(127) for xi in xis]
    mis = [(xi & jnp.int32(0x007FFFFF)) | jnp.int32(0x3F800000) for xi in xis]
    ms = [plsc.bitcast(mi, jnp.float32) for mi in mis]
    bigs = [m > f(_SQRT2) for m in ms]
    ms = [jnp.where(b, m * f(0.5), m) for b, m in zip(bigs, ms)]
    es = [jnp.where(b, e + jnp.int32(1), e) for b, e in zip(bigs, es)]
    efs = [e.astype(jnp.float32) for e in es]
    ss = [(m - f(1.0)) / (m + f(1.0)) for m in ms]
    zs = [s * s for s in ss]
    ps = [z * f(2.0 / 9.0) + f(2.0 / 7.0) for z in zs]
    ps = [p * z + f(2.0 / 5.0) for p, z in zip(ps, zs)]
    ps = [p * z + f(2.0 / 3.0) for p, z in zip(ps, zs)]
    ps = [p * z + f(2.0) for p, z in zip(ps, zs)]
    return [ef * f(_LN2) + s * p for ef, s, p in zip(efs, ss, ps)]


def _tree_sum(vs):
    while len(vs) > 1:
        vs = [a + b for a, b in zip(vs[0::2], vs[1::2])]
    return vs[0]


@functools.partial(
    pl.kernel,
    out_type=(jax.ShapeDtypeStruct((_N_SC, _K), jnp.float32),
              jax.ShapeDtypeStruct((_N_SC, _LANES), jnp.float32)),
    mesh=plsc.VectorSubcoreMesh(core_axis_name="c", subcore_axis_name="s"),
    compiler_params=pltpu.CompilerParams(needs_layout_passes=False),
    scratch_types=[
        pltpu.VMEM((_W,), jnp.float32),
        pltpu.VMEM((2, _CH), jnp.float32),
        pltpu.VMEM((2, _CH), jnp.float32),
        pltpu.VMEM((_LANES,), jnp.float32),
        pltpu.VMEM((_NS * _LANES,), jnp.float32),
        pltpu.VMEM_SHARED((_NS * _LANES,), jnp.float32),
        pltpu.SemaphoreType.DMA((2,)),
        pltpu.SemaphoreType.DMA((2,)),
        pltpu.SemaphoreType.DMA,
    ],
)
def _sc_sample(u_hbm, lg_hbm, out_hbm, stats_hbm,
               ebuf, ubuf, lbuf, pbuf, sbuf, shared, usem, lsem, osem):
    c = lax.axis_index("c")
    s = lax.axis_index("s")
    col0 = s * _W
    lane = lax.iota(jnp.int32, 16)
    zero = jnp.zeros((_LANES,), jnp.float32)

    def row_step(r_local, carry):
        r = c * _ROWS_PER_CORE + r_local
        r_in = _N_TC + r

        def start_chunk(ci, b):
            off = col0 + ci * _CH
            pltpu.make_async_copy(
                u_hbm.at[r_in, pl.ds(off, _CH)], ubuf.at[b], usem.at[b]).start()
            pltpu.make_async_copy(
                lg_hbm.at[pl.ds(off, _CH)], lbuf.at[b], lsem.at[b]).start()

        def wait_chunk(ci, b):
            off = col0 + ci * _CH
            pltpu.make_async_copy(
                u_hbm.at[r_in, pl.ds(off, _CH)], ubuf.at[b], usem.at[b]).wait()
            pltpu.make_async_copy(
                lg_hbm.at[pl.ds(off, _CH)], lbuf.at[b], lsem.at[b]).wait()

        start_chunk(0, 0)

        def chunk_step(ci, accs):
            acc_t, acc_lnt, acc_e, acc_l = accs
            par = lax.rem(ci, 2)

            @pl.when(ci + 1 < _NCHUNK)
            def _():
                start_chunk(ci + 1, 1 - par)

            wait_chunk(ci, par)

            def group_step(gi, gaccs):
                g_t, g_lnt, g_e, g_l = gaccs
                base = gi * (_GROUP * _LANES)
                idxs = [base + k * _LANES for k in range(_GROUP)]
                uvs = [ubuf[par, pl.ds(i, _LANES)] for i in idxs]
                lnus = _vlog_many(uvs)
                ts = [zero - x for x in lnus]
                lvs = [lbuf[par, pl.ds(i, _LANES)] for i in idxs]
                ws = [jnp.exp(lv + lv) for lv in lvs]
                tts = [t * t for t in ts]
                evs = [w / tt for w, tt in zip(ws, tts)]
                for i, ev in zip(idxs, evs):
                    ebuf[pl.ds(ci * _CH + i, _LANES)] = ev
                prods = ts
                while len(prods) > 1:
                    prods = [a * b for a, b in zip(prods[0::2], prods[1::2])]
                g_t = g_t + _tree_sum(ts)
                g_e = g_e + _tree_sum(evs)
                g_l = g_l + _tree_sum(lvs)
                g_lnt = g_lnt + _vlog_many([prods[0]])[0]
                return g_t, g_lnt, g_e, g_l

            return plsc.parallel_loop(
                0, _VPG, unroll=2,
                carry=(acc_t, acc_lnt, acc_e, acc_l))(group_step)

        acc_t, acc_lnt, acc_e, acc_l = lax.fori_loop(
            0, _NCHUNK, chunk_step, (zero, zero, zero, zero))

        s1 = jnp.sum(acc_t)
        s2 = jnp.sum(acc_lnt)
        m = jnp.sum(acc_e)
        lsum = jnp.sum(acc_l)
        pvec = jnp.where(
            lane == 0, s1,
            jnp.where(lane == 1, s2,
                      jnp.where(lane == 2, m,
                                jnp.where(lane == 3, lsum,
                                          jnp.float32(0.0)))))
        pbuf[...] = pvec
        plsc.subcore_barrier()
        pltpu.sync_copy(pbuf, shared.at[pl.ds(s * _LANES, _LANES)])
        plsc.subcore_barrier()
        pltpu.sync_copy(shared, sbuf)

        def red_step(i, tot):
            return tot + sbuf[pl.ds(i * _LANES, _LANES)]

        tot = lax.fori_loop(0, _NS, red_step, zero)

        @pl.when(s == 0)
        def _():
            pbuf[...] = tot
            pltpu.sync_copy(pbuf, stats_hbm.at[r])

        mtot = jnp.sum(jnp.where(lane == 2, tot, jnp.float32(0.0)))
        invv = jnp.full((_LANES,), 1.0, jnp.float32) / jnp.broadcast_to(
            mtot, (_LANES,))

        def out_copy(ci):
            return pltpu.make_async_copy(
                ebuf.at[pl.ds(ci * _CH, _CH)],
                out_hbm.at[r, pl.ds(col0 + ci * _CH, _CH)], osem)

        def scale_chunk(ci, _):
            def scale_step(vi, _s):
                base = ci * _CH + vi * (_GROUP * _LANES)
                for k in range(_GROUP):
                    i = base + k * _LANES
                    ebuf[pl.ds(i, _LANES)] = ebuf[pl.ds(i, _LANES)] * invv
                return _s

            lax.fori_loop(0, _CH // (_GROUP * _LANES), scale_step, 0)
            out_copy(ci).start()
            return _

        lax.fori_loop(0, _NCHUNK, scale_chunk, 0)

        def drain_step(ci, _):
            out_copy(ci).wait()
            return _

        lax.fori_loop(0, _NCHUNK, drain_step, 0)
        return carry

    lax.fori_loop(0, _ROWS_PER_CORE, row_step, 0)


def _tc_body(u_ref, lg_ref, out_ref, st_ref):
    u = u_ref[...]
    lg = lg_ref[...]
    t = -jnp.log(u)
    lnt = jnp.log(t)
    e = jnp.exp((lg - lnt) * jnp.float32(2.0))
    m = jnp.sum(e)
    out_ref[...] = e * (jnp.float32(1.0) / m)
    s1 = jnp.sum(t)
    s2 = jnp.sum(lnt)
    lsum = jnp.sum(lg)
    lane = lax.broadcasted_iota(jnp.int32, (1, 1, 128), 2)
    st_ref[...] = jnp.where(
        lane == 0, s1,
        jnp.where(lane == 1, s2,
                  jnp.where(lane == 2, m,
                            jnp.where(lane == 3, lsum, jnp.float32(0.0)))))


_tc_rows = pl.pallas_call(
    _tc_body,
    grid=(_N_TC,),
    in_specs=[
        pl.BlockSpec((_SUB, 128), lambda i: (i, 0)),
        pl.BlockSpec((_SUB, 128), lambda i: (0, 0)),
    ],
    out_specs=[
        pl.BlockSpec((_SUB, 128), lambda i: (i, 0)),
        pl.BlockSpec((1, 1, 128), lambda i: (i, 0, 0)),
    ],
    out_shape=[
        jax.ShapeDtypeStruct((_N * _SUB, 128), jnp.float32),
        jax.ShapeDtypeStruct((_N_TC, 1, 128), jnp.float32),
    ],
    compiler_params=pltpu.CompilerParams(
        vmem_limit_bytes=100 * 1024 * 1024),
)


def kernel(input, logits):
    sc_sample, sc_stats = _sc_sample(input, logits)
    u2 = input.reshape(_N * _SUB, 128)
    lg2 = logits.reshape(_SUB, 128)
    tc_out, tc_stats = _tc_rows(u2, lg2)
    sample = lax.dynamic_update_slice(
        tc_out.reshape(_N, _K), sc_sample, (_N_TC, 0))
    stats = jnp.concatenate([tc_stats[:, 0, :4], sc_stats[:, :4]], axis=0)
    s1 = stats[:, 0]
    s2 = stats[:, 1]
    m = stats[:, 2]
    lsum = stats[:, 3]
    log_prob = (jnp.float32(3.0) * s2
                + jnp.float32(_K) * (jnp.log(m) - jnp.log(s1))
                - jnp.float32(2.0) * lsum
                + jnp.float32(_LOG_SCALE))
    return sample, log_prob

# --- scband reference (transcript-rebuilt; emitter-appended) ---
"""Pipeline reference for scband-combinatorial-gumbel-distribution-38139309589053 (READ-ONLY COPY).

The authoritative reference and input builder live on the scoring server;
editing this copy changes nothing except your own understanding.
"""

import jax, jax.numpy as jnp
import numpy as np

NUM_VARS = 20
K = 2 ** NUM_VARS
N = 16
TEMP = 0.5


def setup_inputs(seed: int = 0) -> dict:
    key = jax.random.key(seed)
    k1, k2 = jax.random.split(key)
    # uniform noise driving the reparameterized gumbel sample (forward 'input')
    u = jax.random.uniform(k1, (N, K), dtype=jnp.float32, minval=1e-10, maxval=1.0)
    # learned parameter: self.logits = nn.Parameter(torch.zeros(2**num_vars));
    # materialized with small random values so gradients are non-degenerate
    logits = 0.01 * jax.random.normal(k2, (K,), dtype=jnp.float32)
    return {"input": u, "logits": logits}


def reference(input, logits):
    # Faithful translation of CombinatorialGumbelDistribution.rsample(n):
    # RelaxedOneHotCategorical(temperature, logits).rsample((n,)) and its log_prob.
    temp = jnp.float32(TEMP)
    # Gumbel(0,1) noise from uniforms (reparameterization used by torch)
    gumbels = -jnp.log(-jnp.log(input))
    scores = (logits[None, :] + gumbels) / temp
    sample = jax.nn.softmax(scores, axis=-1)  # relaxed one-hot sample [N, K]
    # RelaxedOneHotCategorical.log_prob(sample):
    # = ExpRelaxedCategorical.log_prob(log(sample)) - sum(log(sample))
    lv = jnp.log(sample)
    score = logits[None, :] - lv * temp
    score = (score - jax.scipy.special.logsumexp(score, axis=-1, keepdims=True)).sum(-1)
    log_scale = jax.scipy.special.gammaln(jnp.float32(K)) + (K - 1) * jnp.log(temp)
    log_prob = score + log_scale - lv.sum(-1)
    return sample, log_prob

if __name__ == "__main__":
    import jax
    _d = setup_inputs()
    print(jax.jit(kernel)(*tuple(_d.values())))

</pallas_src>

<mosaic_0001>
#map = affine_map<(d0, d1) -> (0, 0)>
#map1 = affine_map<(d0, d1) -> (0)>
module attributes {stable_mosaic.version = 14 : i64} {
  func.func @_sc_sample(%arg0: i32, %arg1: i32, %arg2: memref<16x1048576xf32, #tpu.memory_space<hbm>>, %arg3: memref<1048576xf32, #tpu.memory_space<hbm>>, %arg4: memref<4x1048576xf32, #tpu.memory_space<hbm>>, %arg5: memref<4x16xf32, #tpu.memory_space<hbm>>, %arg6: memref<65536xf32, #tpu.memory_space<vmem>>, %arg7: memref<2x8192xf32, #tpu.memory_space<vmem>>, %arg8: memref<2x8192xf32, #tpu.memory_space<vmem>>, %arg9: memref<16xf32, #tpu.memory_space<vmem>>, %arg10: memref<256xf32, #tpu.memory_space<vmem>>, %arg11: memref<256xf32, #tpu.memory_space<vmem_shared>>, %arg12: memref<2x!tpu.dma_semaphore, #tpu.memory_space<semaphore_mem>>, %arg13: memref<2x!tpu.dma_semaphore, #tpu.memory_space<semaphore_mem>>, %arg14: memref<!tpu.dma_semaphore, #tpu.memory_space<semaphore_mem>>) attributes {dimension_semantics = [#tpu.dimension_semantics<core_parallel>, #tpu.dimension_semantics<subcore_parallel>], iteration_bounds = array<i64: 2, 16>, scalar_prefetch = 0 : i64, scratch_operands = 9 : i64, tpu.core_type = #tpu.core_type<sc_vector_subcore>, window_params = [{transform_indices = #map}, {transform_indices = #map1}, {transform_indices = #map}, {transform_indices = #map}]} {
    %mul3A = arith.constant 65536 : i32
    %mul3A_0 = arith.muli %arg1, %mul3A : i32
    %iota3A = tpu.iota {dimensions = array<i32: 0>} : vector<16xi32>
    %broadcast_in_dim3A = arith.constant 0.000000e+00 : f32
    %broadcast_in_dim3A_1 = vector.broadcast %broadcast_in_dim3A : f32 to vector<16xf32>
    %scan3A = arith.constant 0 : i32
    %scan3A_2 = arith.constant 0 : i32
    %scan3A_3 = arith.constant 2 : i32
    %scan3A_4 = arith.addi %scan3A_2, %scan3A_3 : i32
    %scan3A_5 = arith.constant 1 : i32
    scf.for %scan3A_7 = %scan3A_2 to %scan3A_4 step %scan3A_5  : i32 {
      %mul3A_8 = arith.constant 2 : i32
      %mul3A_9 = arith.muli %arg0, %mul3A_8 : i32
      %add3A = arith.addi %mul3A_9, %scan3A_7 : i32
      %add3A_10 = arith.constant 12 : i32
      %add3A_11 = arith.addi %add3A_10, %add3A : i32
      %add3A_12 = arith.constant 0 : i32
      %add3A_13 = arith.addi %mul3A_0, %add3A_12 : i32
      %dma_start3A = arith.constant 0 : i32
      %dma_start3A_14 = arith.constant 0 : i32
      %dma_start3A_15 = arith.constant 0 : i32
      %dma_start3A_16 = tpu.memref_slice %arg7[%dma_start3A, %dma_start3A_15] : memref<2x8192xf32, #tpu.memory_space<vmem>> -> memref<1x8192xf32, #tpu.memory_space<vmem>>
      %dma_start3A_17 = tpu.memref_squeeze %dma_start3A_16 : memref<1x8192xf32, #tpu.memory_space<vmem>> -> memref<8192xf32, #tpu.memory_space<vmem>>
      %dma_start3A_18 = tpu.memref_slice %arg2[%add3A_11, %add3A_13] : memref<16x1048576xf32, #tpu.memory_space<hbm>> -> memref<1x8192xf32, #tpu.memory_space<hbm>>
      %dma_start3A_19 = tpu.memref_squeeze %dma_start3A_18 : memref<1x8192xf32, #tpu.memory_space<hbm>> -> memref<8192xf32, #tpu.memory_space<hbm>>
      %dma_start3A_20 = tpu.memref_slice %arg12[%dma_start3A_14] : memref<2x!tpu.dma_semaphore, #tpu.memory_space<semaphore_mem>> -> memref<1x!tpu.dma_semaphore, #tpu.memory_space<semaphore_mem>>
      %dma_start3A_21 = tpu.memref_squeeze %dma_start3A_20 : memref<1x!tpu.dma_semaphore, #tpu.memory_space<semaphore_mem>> -> memref<!tpu.dma_semaphore, #tpu.memory_space<semaphore_mem>>
      %dma_start3A_22 = arith.constant 0 : i32
      %dma_start3A_23 = tpu.memref_slice %arg7[%dma_start3A, %dma_start3A_22] : memref<2x8192xf32, #tpu.memory_space<vmem>> -> memref<1x8192xf32, #tpu.memory_space<vmem>>
      %dma_start3A_24 = tpu.memref_squeeze %dma_start3A_23 : memref<1x8192xf32, #tpu.memory_space<vmem>> -> memref<8192xf32, #tpu.memory_space<vmem>>
      %dma_start3A_25 = tpu.memref_slice %arg2[%add3A_11, %add3A_13] : memref<16x1048576xf32, #tpu.memory_space<hbm>> -> memref<1x8192xf32, #tpu.memory_space<hbm>>
      %dma_start3A_26 = tpu.memref_squeeze %dma_start3A_25 : memref<1x8192xf32, #tpu.memory_space<hbm>> -> memref<8192xf32, #tpu.memory_space<hbm>>
      tpu.enqueue_dma source(%dma_start3A_26 : memref<8192xf32, #tpu.memory_space<hbm>>) target(%dma_start3A_24 : memref<8192xf32, #tpu.memory_space<vmem>>) target_semaphore(%dma_start3A_21 : memref<!tpu.dma_semaphore, #tpu.memory_space<semaphore_mem>>)
      %dma_start3A_27 = arith.constant 0 : i32
      %dma_start3A_28 = arith.constant 0 : i32
      %dma_start3A_29 = arith.constant 0 : i32
      %dma_start3A_30 = tpu.memref_slice %arg8[%dma_start3A_27, %dma_start3A_29] : memref<2x8192xf32, #tpu.memory_space<vmem>> -> memref<1x8192xf32, #tpu.memory_space<vmem>>
      %dma_start3A_31 = tpu.memref_squeeze %dma_start3A_30 : memref<1x8192xf32, #tpu.memory_space<vmem>> -> memref<8192xf32, #tpu.memory_space<vmem>>
      %dma_start3A_32 = tpu.memref_slice %arg3[%add3A_13] : memref<1048576xf32, #tpu.memory_space<hbm>> -> memref<8192xf32, #tpu.memory_space<hbm>>
      %dma_start3A_33 = tpu.memref_slice %arg13[%dma_start3A_28] : memref<2x!tpu.dma_semaphore, #tpu.memory_space<semaphore_mem>> -> memref<1x!tpu.dma_semaphore, #tpu.memory_space<semaphore_mem>>
      %dma_start3A_34 = tpu.memref_squeeze %dma_start3A_33 : memref<1x!tpu.dma_semaphore, #tpu.memory_space<semaphore_mem>> -> memref<!tpu.dma_semaphore, #tpu.memory_space<semaphore_mem>>
      %dma_start3A_35 = arith.constant 0 : i32
      %dma_start3A_36 = tpu.memref_slice %arg8[%dma_start3A_27, %dma_start3A_35] : memref<2x8192xf32, #tpu.memory_space<vmem>> -> memref<1x8192xf32, #tpu.memory_space<vmem>>
      %dma_start3A_37 = tpu.memref_squeeze %dma_start3A_36 : memref<1x8192xf32, #tpu.memory_space<vmem>> -> memref<8192xf32, #tpu.memory_space<vmem>>
      %dma_start3A_38 = tpu.memref_slice %arg3[%add3A_13] : memref<1048576xf32, #tpu.memory_space<hbm>> -> memref<8192xf32, #tpu.memory_space<hbm>>
      tpu.enqueue_dma source(%dma_start3A_38 : memref<8192xf32, #tpu.memory_space<hbm>>) target(%dma_start3A_37 : memref<8192xf32, #tpu.memory_space<vmem>>) target_semaphore(%dma_start3A_34 : memref<!tpu.dma_semaphore, #tpu.memory_space<semaphore_mem>>)
      %scan3A_39 = arith.constant 0 : i32
      %scan3A_40 = arith.constant 8 : i32
      %scan3A_41 = arith.addi %scan3A_39, %scan3A_40 : i32
      %scan3A_42 = arith.constant 1 : i32
      %scan3A_43:4 = scf.for %scan3A_117 = %scan3A_39 to %scan3A_41 step %scan3A_42 iter_args(%scan3A_118 = %broadcast_in_dim3A_1, %scan3A_119 = %broadcast_in_dim3A_1, %scan3A_120 = %broadcast_in_dim3A_1, %scan3A_121 = %broadcast_in_dim3A_1) -> (vector<16xf32>, vector<16xf32>, vector<16xf32>, vector<16xf32>)  : i32 {
        %rem3A = arith.constant 2 : i32
        %rem3A_122 = arith.remsi %scan3A_117, %rem3A : i32
        %add3A_123 = arith.constant 1 : i32
        %add3A_124 = arith.addi %scan3A_117, %add3A_123 : i32
        %lt3A = arith.constant 8 : i32
        %lt3A_125 = arith.cmpi slt, %add3A_124, %lt3A : i32
        %convert_element_type3A_126 = arith.extui %lt3A_125 : i1 to i32
        %cond3A_127 = arith.constant 0 : i32
        %cond3A_128 = arith.cmpi ne, %convert_element_type3A_126, %cond3A_127 : i32
        scf.if %cond3A_128 {
          %add3A_156 = arith.constant 1 : i32
          %add3A_157 = arith.addi %scan3A_117, %add3A_156 : i32
          %sub3A = arith.constant 1 : i32
          %sub3A_158 = arith.subi %sub3A, %rem3A_122 : i32
          %mul3A_159 = arith.constant 8192 : i32
          %mul3A_160 = arith.muli %add3A_157, %mul3A_159 : i32
          %add3A_161 = arith.addi %mul3A_0, %mul3A_160 : i32
          %dma_start3A_162 = arith.constant 0 : i32
          %dma_start3A_163 = tpu.memref_slice %arg7[%sub3A_158, %dma_start3A_162] : memref<2x8192xf32, #tpu.memory_space<vmem>> -> memref<1x8192xf32, #tpu.memory_space<vmem>>
          %dma_start3A_164 = tpu.memref_squeeze %dma_start3A_163 : memref<1x8192xf32, #tpu.memory_space<vmem>> -> memref<8192xf32, #tpu.memory_space<vmem>>
          %dma_start3A_165 = tpu.memref_slice %arg2[%add3A_11, %add3A_161] : memref<16x1048576xf32, #tpu.memory_space<hbm>> -> memref<1x8192xf32, #tpu.memory_space<hbm>>
          %dma_start3A_166 = tpu.memref_squeeze %dma_start3A_165 : memref<1x8192xf32, #tpu.memory_space<hbm>> -> memref<8192xf32, #tpu.memory_space<hbm>>
          %dma_start3A_167 = tpu.memref_slice %arg12[%sub3A_158] : memref<2x!tpu.dma_semaphore, #tpu.memory_space<semaphore_mem>> -> memref<1x!tpu.dma_semaphore, #tpu.memory_space<semaphore_mem>>
          %dma_start3A_168 = tpu.memref_squeeze %dma_start3A_167 : memref<1x!tpu.dma_semaphore, #tpu.memory_space<semaphore_mem>> -> memref<!tpu.dma_semaphore, #tpu.memory_space<semaphore_mem>>
          %dma_start3A_169 = arith.constant 0 : i32
          %dma_start3A_170 = tpu.memref_slice %arg7[%sub3A_158, %dma_start3A_169] : memref<2x8192xf32, #tpu.memory_space<vmem>> -> memref<1x8192xf32, #tpu.memory_space<vmem>>
          %dma_start3A_171 = tpu.memref_squeeze %dma_start3A_170 : memref<1x8192xf32, #tpu.memory_space<vmem>> -> memref<8192xf32, #tpu.memory_space<vmem>>
          %dma_start3A_172 = tpu.memref_slice %arg2[%add3A_11, %add3A_161] : memref<16x1048576xf32, #tpu.memory_space<hbm>> -> memref<1x8192xf32, #tpu.memory_space<hbm>>
          %dma_start3A_173 = tpu.memref_squeeze %dma_start3A_172 : memref<1x8192xf32, #tpu.memory_space<hbm>> -> memref<8192xf32, #tpu.memory_space<hbm>>
          tpu.enqueue_dma source(%dma_start3A_173 : memref<8192xf32, #tpu.memory_space<hbm>>) target(%dma_start3A_171 : memref<8192xf32, #tpu.memory_space<vmem>>) target_semaphore(%dma_start3A_168 : memref<!tpu.dma_semaphore, #tpu.memory_space<semaphore_mem>>)
          %dma_start3A_174 = arith.constant 0 : i32
          %dma_start3A_175 = tpu.memref_slice %arg8[%sub3A_158, %dma_start3A_174] : memref<2x8192xf32, #tpu.memory_space<vmem>> -> memref<1x8192xf32, #tpu.memory_space<vmem>>
          %dma_start3A_176 = tpu.memref_squeeze %dma_start3A_175 : memref<1x8192xf32, #tpu.memory_space<vmem>> -> memref<8192xf32, #tpu.memory_space<vmem>>
          %dma_start3A_177 = tpu.memref_slice %arg3[%add3A_161] : memref<1048576xf32, #tpu.memory_space<hbm>> -> memref<8192xf32, #tpu.memory_space<hbm>>
          %dma_start3A_178 = tpu.memref_slice %arg13[%sub3A_158] : memref<2x!tpu.dma_semaphore, #tpu.memory_space<semaphore_mem>> -> memref<1x!tpu.dma_semaphore, #tpu.memory_space<semaphore_mem>>
          %dma_start3A_179 = tpu.memref_squeeze %dma_start3A_178 : memref<1x!tpu.dma_semaphore, #tpu.memory_space<semaphore_mem>> -> memref<!tpu.dma_semaphore, #tpu.memory_space<semaphore_mem>>
          %dma_start3A_180 = arith.constant 0 : i32
          %dma_start3A_181 = tpu.memref_slice %arg8[%sub3A_158, %dma_start3A_180] : memref<2x8192xf32, #tpu.memory_space<vmem>> -> memref<1x8192xf32, #tpu.memory_space<vmem>>
          %dma_start3A_182 = tpu.memref_squeeze %dma_start3A_181 : memref<1x8192xf32, #tpu.memory_space<vmem>> -> memref<8192xf32, #tpu.memory_space<vmem>>
          %dma_start3A_183 = tpu.memref_slice %arg3[%add3A_161] : memref<1048576xf32, #tpu.memory_space<hbm>> -> memref<8192xf32, #tpu.memory_space<hbm>>
          tpu.enqueue_dma source(%dma_start3A_183 : memref<8192xf32, #tpu.memory_space<hbm>>) target(%dma_start3A_182 : memref<8192xf32, #tpu.memory_space<vmem>>) target_semaphore(%dma_start3A_179 : memref<!tpu.dma_semaphore, #tpu.memory_space<semaphore_mem>>)
        } else {
        }
        %mul3A_129 = arith.constant 8192 : i32
        %mul3A_130 = arith.muli %scan3A_117, %mul3A_129 : i32
        %add3A_131 = arith.addi %mul3A_0, %mul3A_130 : i32
        %dma_wait3A = arith.constant 0 : i32
        %dma_wait3A_132 = tpu.memref_slice %arg7[%rem3A_122, %dma_wait3A] : memref<2x8192xf32, #tpu.memory_space<vmem>> -> memref<1x8192xf32, #tpu.memory_space<vmem>>
        %dma_wait3A_133 = tpu.memref_squeeze %dma_wait3A_132 : memref<1x8192xf32, #tpu.memory_space<vmem>> -> memref<8192xf32, #tpu.memory_space<vmem>>
        %dma_wait3A_134 = tpu.memref_slice %arg2[%add3A_11, %add3A_131] : memref<16x1048576xf32, #tpu.memory_space<hbm>> -> memref<1x8192xf32, #tpu.memory_space<hbm>>
        %dma_wait3A_135 = tpu.memref_squeeze %dma_wait3A_134 : memref<1x8192xf32, #tpu.memory_space<hbm>> -> memref<8192xf32, #tpu.memory_space<hbm>>
        %dma_wait3A_136 = tpu.memref_slice %arg12[%rem3A_122] : memref<2x!tpu.dma_semaphore, #tpu.memory_space<semaphore_mem>> -> memref<1x!tpu.dma_semaphore, #tpu.memory_space<semaphore_mem>>
        %dma_wait3A_137 = tpu.memref_squeeze %dma_wait3A_136 : memref<1x!tpu.dma_semaphore, #tpu.memory_space<semaphore_mem>> -> memref<!tpu.dma_semaphore, #tpu.memory_space<semaphore_mem>>
        %dma_wait3A_138 = arith.constant 0 : i32
        %dma_wait3A_139 = tpu.memref_slice %arg7[%rem3A_122, %dma_wait3A_138] : memref<2x8192xf32, #tpu.memory_space<vmem>> -> memref<1x8192xf32, #tpu.memory_space<vmem>>
        %dma_wait3A_140 = tpu.memref_squeeze %dma_wait3A_139 : memref<1x8192xf32, #tpu.memory_space<vmem>> -> memref<8192xf32, #tpu.memory_space<vmem>>
        %dma_wait3A_141 = tpu.memref_slice %arg2[%add3A_11, %add3A_131] : memref<16x1048576xf32, #tpu.memory_space<hbm>> -> memref<1x8192xf32, #tpu.memory_space<hbm>>
        %dma_wait3A_142 = tpu.memref_squeeze %dma_wait3A_141 : memref<1x8192xf32, #tpu.memory_space<hbm>> -> memref<8192xf32, #tpu.memory_space<hbm>>
        tpu.wait_dma2 semaphore(%dma_wait3A_137 : memref<!tpu.dma_semaphore, #tpu.memory_space<semaphore_mem>>) src(%dma_wait3A_142 : memref<8192xf32, #tpu.memory_space<hbm>>) dst(%dma_wait3A_140 : memref<8192xf32, #tpu.memory_space<vmem>>)
        %dma_wait3A_143 = arith.constant 0 : i32
        %dma_wait3A_144 = tpu.memref_slice %arg8[%rem3A_122, %dma_wait3A_143] : memref<2x8192xf32, #tpu.memory_space<vmem>> -> memref<1x8192xf32, #tpu.memory_space<vmem>>
        %dma_wait3A_145 = tpu.memref_squeeze %dma_wait3A_144 : memref<1x8192xf32, #tpu.memory_space<vmem>> -> memref<8192xf32, #tpu.memory_space<vmem>>
        %dma_wait3A_146 = tpu.memref_slice %arg3[%add3A_131] : memref<1048576xf32, #tpu.memory_space<hbm>> -> memref<8192xf32, #tpu.memory_space<hbm>>
        %dma_wait3A_147 = tpu.memref_slice %arg13[%rem3A_122] : memref<2x!tpu.dma_semaphore, #tpu.memory_space<semaphore_mem>> -> memref<1x!tpu.dma_semaphore, #tpu.memory_space<semaphore_mem>>
        %dma_wait3A_148 = tpu.memref_squeeze %dma_wait3A_147 : memref<1x!tpu.dma_semaphore, #tpu.memory_space<semaphore_mem>> -> memref<!tpu.dma_semaphore, #tpu.memory_space<semaphore_mem>>
        %dma_wait3A_149 = arith.constant 0 : i32
        %dma_wait3A_150 = tpu.memref_slice %arg8[%rem3A_122, %dma_wait3A_149] : memref<2x8192xf32, #tpu.memory_space<vmem>> -> memref<1x8192xf32, #tpu.memory_space<vmem>>
        %dma_wait3A_151 = tpu.memref_squeeze %dma_wait3A_150 : memref<1x8192xf32, #tpu.memory_space<vmem>> -> memref<8192xf32, #tpu.memory_space<vmem>>
        %dma_wait3A_152 = tpu.memref_slice %arg3[%add3A_131] : memref<1048576xf32, #tpu.memory_space<hbm>> -> memref<8192xf32, #tpu.memory_space<hbm>>
        tpu.wait_dma2 semaphore(%dma_wait3A_148 : memref<!tpu.dma_semaphore, #tpu.memory_space<semaphore_mem>>) src(%dma_wait3A_152 : memref<8192xf32, #tpu.memory_space<hbm>>) dst(%dma_wait3A_151 : memref<8192xf32, #tpu.memory_space<vmem>>)
        %parallel_loop3A = arith.constant 0 : i32
        %parallel_loop3A_153 = arith.constant 64 : i32
        %parallel_loop3A_154 = arith.constant 1 : i32
        %parallel_loop3A_155:4 = scf.for %parallel_loop3A_156 = %parallel_loop3A to %parallel_loop3A_153 step %parallel_loop3A_154 iter_args(%parallel_loop3A_157 = %scan3A_118, %parallel_loop3A_158 = %scan3A_119, %parallel_loop3A_159 = %scan3A_120, %parallel_loop3A_160 = %scan3A_121) -> (vector<16xf32>, vector<16xf32>, vector<16xf32>, vector<16xf32>)  : i32 {
          %parallel_loop3A_161 = arith.constant 128 : i32
          %parallel_loop3A_162 = arith.muli %parallel_loop3A_156, %parallel_loop3A_161 : i32
          %parallel_loop3A_163 = arith.constant 0 : i32
          %parallel_loop3A_164 = arith.addi %parallel_loop3A_162, %parallel_loop3A_163 : i32
          %parallel_loop3A_165 = arith.constant 16 : i32
          %parallel_loop3A_166 = arith.addi %parallel_loop3A_162, %parallel_loop3A_165 : i32
          %parallel_loop3A_167 = arith.constant 32 : i32
          %parallel_loop3A_168 = arith.addi %parallel_loop3A_162, %parallel_loop3A_167 : i32
          %parallel_loop3A_169 = arith.constant 48 : i32
          %parallel_loop3A_170 = arith.addi %parallel_loop3A_162, %parallel_loop3A_169 : i32
          %parallel_loop3A_171 = arith.constant 64 : i32
          %parallel_loop3A_172 = arith.addi %parallel_loop3A_162, %parallel_loop3A_171 : i32
          %parallel_loop3A_173 = arith.constant 80 : i32
          %parallel_loop3A_174 = arith.addi %parallel_loop3A_162, %parallel_loop3A_173 : i32
          %parallel_loop3A_175 = arith.constant 96 : i32
          %parallel_loop3A_176 = arith.addi %parallel_loop3A_162, %parallel_loop3A_175 : i32
          %parallel_loop3A_177 = arith.constant 112 : i32
          %parallel_loop3A_178 = arith.addi %parallel_loop3A_162, %parallel_loop3A_177 : i32
          %parallel_loop3A_179 = arith.index_cast %rem3A_122 : i32 to index
          %parallel_loop3A_180 = arith.index_cast %parallel_loop3A_164 : i32 to index
          %parallel_loop3A_181 = tpu.vector_load %arg7[%parallel_loop3A_179, %parallel_loop3A_180] {strides = array<i32>} : memref<2x8192xf32, #tpu.memory_space<vmem>>, vector<16xf32>,
          %parallel_loop3A_182 = arith.index_cast %rem3A_122 : i32 to index
          %parallel_loop3A_183 = arith.index_cast %parallel_loop3A_166 : i32 to index
          %parallel_loop3A_184 = tpu.vector_load %arg7[%parallel_loop3A_182, %parallel_loop3A_183] {strides = array<i32>} : memref<2x8192xf32, #tpu.memory_space<vmem>>, vector<16xf32>,
          %parallel_loop3A_185 = arith.index_cast %rem3A_122 : i32 to index
          %parallel_loop3A_186 = arith.index_cast %parallel_loop3A_168 : i32 to index
          %parallel_loop3A_187 = tpu.vector_load %arg7[%parallel_loop3A_185, %parallel_loop3A_186] {strides = array<i32>} : memref<2x8192xf32, #tpu.memory_space<vmem>>, vector<16xf32>,
          %parallel_loop3A_188 = arith.index_cast %rem3A_122 : i32 to index
          %parallel_loop3A_189 = arith.index_cast %parallel_loop3A_170 : i32 to index
          %parallel_loop3A_190 = tpu.vector_load %arg7[%parallel_loop3A_188, %parallel_loop3A_189] {strides = array<i32>} : memref<2x8192xf32, #tpu.memory_space<vmem>>, vector<16xf32>,
          %parallel_loop3A_191 = arith.index_cast %rem3A_122 : i32 to index
          %parallel_loop3A_192 = arith.index_cast %parallel_loop3A_172 : i32 to index
          %parallel_loop3A_193 = tpu.vector_load %arg7[%parallel_loop3A_191, %parallel_loop3A_192] {strides = array<i32>} : memref<2x8192xf32, #tpu.memory_space<vmem>>, vector<16xf32>,
          %parallel_loop3A_194 = arith.index_cast %rem3A_122 : i32 to index
          %parallel_loop3A_195 = arith.index_cast %parallel_loop3A_174 : i32 to index
          %parallel_loop3A_196 = tpu.vector_load %arg7[%parallel_loop3A_194, %parallel_loop3A_195] {strides = array<i32>} : memref<2x8192xf32, #tpu.memory_space<vmem>>, vector<16xf32>,
          %parallel_loop3A_197 = arith.index_cast %rem3A_122 : i32 to index
          %parallel_loop3A_198 = arith.index_cast %parallel_loop3A_176 : i32 to index
          %parallel_loop3A_199 = tpu.vector_load %arg7[%parallel_loop3A_197, %parallel_loop3A_198] {strides = array<i32>} : memref<2x8192xf32, #tpu.memory_space<vmem>>, vector<16xf32>,
          %parallel_loop3A_200 = arith.index_cast %rem3A_122 : i32 to index
          %parallel_loop3A_201 = arith.index_cast %parallel_loop3A_178 : i32 to index
          %parallel_loop3A_202 = tpu.vector_load %arg7[%parallel_loop3A_200, %parallel_loop3A_201] {strides = array<i32>} : memref<2x8192xf32, #tpu.memory_space<vmem>>, vector<16xf32>,
          %parallel_loop3A_203 = vector.bitcast %parallel_loop3A_181 : vector<16xf32> to vector<16xi32>
          %parallel_loop3A_204 = vector.bitcast %parallel_loop3A_184 : vector<16xf32> to vector<16xi32>
          %parallel_loop3A_205 = vector.bitcast %parallel_loop3A_187 : vector<16xf32> to vector<16xi32>
          %parallel_loop3A_206 = vector.bitcast %parallel_loop3A_190 : vector<16xf32> to vector<16xi32>
          %parallel_loop3A_207 = vector.bitcast %parallel_loop3A_193 : vector<16xf32> to vector<16xi32>
          %parallel_loop3A_208 = vector.bitcast %parallel_loop3A_196 : vector<16xf32> to vector<16xi32>
          %parallel_loop3A_209 = vector.bitcast %parallel_loop3A_199 : vector<16xf32> to vector<16xi32>
          %parallel_loop3A_210 = vector.bitcast %parallel_loop3A_202 : vector<16xf32> to vector<16xi32>
          %parallel_loop3A_211 = arith.constant 23 : i32
          %parallel_loop3A_212 = vector.broadcast %parallel_loop3A_211 : i32 to vector<16xi32>
          %parallel_loop3A_213 = arith.shrsi %parallel_loop3A_203, %parallel_loop3A_212 : vector<16xi32>
          %parallel_loop3A_214 = arith.constant 127 : i32
          %parallel_loop3A_215 = vector.broadcast %parallel_loop3A_214 : i32 to vector<16xi32>
          %parallel_loop3A_216 = arith.subi %parallel_loop3A_213, %parallel_loop3A_215 : vector<16xi32>
          %parallel_loop3A_217 = arith.constant 23 : i32
          %parallel_loop3A_218 = vector.broadcast %parallel_loop3A_217 : i32 to vector<16xi32>
          %parallel_loop3A_219 = arith.shrsi %parallel_loop3A_204, %parallel_loop3A_218 : vector<16xi32>
          %parallel_loop3A_220 = arith.constant 127 : i32
          %parallel_loop3A_221 = vector.broadcast %parallel_loop3A_220 : i32 to vector<16xi32>
          %parallel_loop3A_222 = arith.subi %parallel_loop3A_219, %parallel_loop3A_221 : vector<16xi32>
          %parallel_loop3A_223 = arith.constant 23 : i32
          %parallel_loop3A_224 = vector.broadcast %parallel_loop3A_223 : i32 to vector<16xi32>
          %parallel_loop3A_225 = arith.shrsi %parallel_loop3A_205, %parallel_loop3A_224 : vector<16xi32>
          %parallel_loop3A_226 = arith.constant 127 : i32
          %parallel_loop3A_227 = vector.broadcast %parallel_loop3A_226 : i32 to vector<16xi32>
          %parallel_loop3A_228 = arith.subi %parallel_loop3A_225, %parallel_loop3A_227 : vector<16xi32>
          %parallel_loop3A_229 = arith.constant 23 : i32
          %parallel_loop3A_230 = vector.broadcast %parallel_loop3A_229 : i32 to vector<16xi32>
          %parallel_loop3A_231 = arith.shrsi %parallel_loop3A_206, %parallel_loop3A_230 : vector<16xi32>
          %parallel_loop3A_232 = arith.constant 127 : i32
          %parallel_loop3A_233 = vector.broadcast %parallel_loop3A_232 : i32 to vector<16xi32>
          %parallel_loop3A_234 = arith.subi %parallel_loop3A_231, %parallel_loop3A_233 : vector<16xi32>
          %parallel_loop3A_235 = arith.constant 23 : i32
          %parallel_loop3A_236 = vector.broadcast %parallel_loop3A_235 : i32 to vector<16xi32>
          %parallel_loop3A_237 = arith.shrsi %parallel_loop3A_207, %parallel_loop3A_236 : vector<16xi32>
          %parallel_loop3A_238 = arith.constant 127 : i32
          %parallel_loop3A_239 = vector.broadcast %parallel_loop3A_238 : i32 to vector<16xi32>
          %parallel_loop3A_240 = arith.subi %parallel_loop3A_237, %parallel_loop3A_239 : vector<16xi32>
          %parallel_loop3A_241 = arith.constant 23 : i32
          %parallel_loop3A_242 = vector.broadcast %parallel_loop3A_241 : i32 to vector<16xi32>
          %parallel_loop3A_243 = arith.shrsi %parallel_loop3A_208, %parallel_loop3A_242 : vector<16xi32>
          %parallel_loop3A_244 = arith.constant 127 : i32
          %parallel_loop3A_245 = vector.broadcast %parallel_loop3A_244 : i32 to vector<16xi32>
          %parallel_loop3A_246 = arith.subi %parallel_loop3A_243, %parallel_loop3A_245 : vector<16xi32>
          %parallel_loop3A_247 = arith.constant 23 : i32
          %parallel_loop3A_248 = vector.broadcast %parallel_loop3A_247 : i32 to vector<16xi32>
          %parallel_loop3A_249 = arith.shrsi %parallel_loop3A_209, %parallel_loop3A_248 : vector<16xi32>
          %parallel_loop3A_250 = arith.constant 127 : i32
          %parallel_loop3A_251 = vector.broadcast %parallel_loop3A_250 : i32 to vector<16xi32>
          %parallel_loop3A_252 = arith.subi %parallel_loop3A_249, %parallel_loop3A_251 : vector<16xi32>
          %parallel_loop3A_253 = arith.constant 23 : i32
          %parallel_loop3A_254 = vector.broadcast %parallel_loop3A_253 : i32 to vector<16xi32>
          %parallel_loop3A_255 = arith.shrsi %parallel_loop3A_210, %parallel_loop3A_254 : vector<16xi32>
          %parallel_loop3A_256 = arith.constant 127 : i32
          %parallel_loop3A_257 = vector.broadcast %parallel_loop3A_256 : i32 to vector<16xi32>
          %parallel_loop3A_258 = arith.subi %parallel_loop3A_255, %parallel_loop3A_257 : vector<16xi32>
          %parallel_loop3A_259 = arith.constant 8388607 : i32
          %parallel_loop3A_260 = vector.broadcast %parallel_loop3A_259 : i32 to vector<16xi32>
          %parallel_loop3A_261 = arith.andi %parallel_loop3A_203, %parallel_loop3A_260 : vector<16xi32>
          %parallel_loop3A_262 = arith.constant 1065353216 : i32
          %parallel_loop3A_263 = vector.broadcast %parallel_loop3A_262 : i32 to vector<16xi32>
          %parallel_loop3A_264 = arith.ori %parallel_loop3A_261, %parallel_loop3A_263 : vector<16xi32>
          %parallel_loop3A_265 = arith.constant 8388607 : i32
          %parallel_loop3A_266 = vector.broadcast %parallel_loop3A_265 : i32 to vector<16xi32>
          %parallel_loop3A_267 = arith.andi %parallel_loop3A_204, %parallel_loop3A_266 : vector<16xi32>
          %parallel_loop3A_268 = arith.constant 1065353216 : i32
          %parallel_loop3A_269 = vector.broadcast %parallel_loop3A_268 : i32 to vector<16xi32>
          %parallel_loop3A_270 = arith.ori %parallel_loop3A_267, %parallel_loop3A_269 : vector<16xi32>
          %parallel_loop3A_271 = arith.constant 8388607 : i32
          %parallel_loop3A_272 = vector.broadcast %parallel_loop3A_271 : i32 to vector<16xi32>
          %parallel_loop3A_273 = arith.andi %parallel_loop3A_205, %parallel_loop3A_272 : vector<16xi32>
          %parallel_loop3A_274 = arith.constant 1065353216 : i32
          %parallel_loop3A_275 = vector.broadcast %parallel_loop3A_274 : i32 to vector<16xi32>
          %parallel_loop3A_276 = arith.ori %parallel_loop3A_273, %parallel_loop3A_275 : vector<16xi32>
          %parallel_loop3A_277 = arith.constant 8388607 : i32
          %parallel_loop3A_278 = vector.broadcast %parallel_loop3A_277 : i32 to vector<16xi32>
          %parallel_loop3A_279 = arith.andi %parallel_loop3A_206, %parallel_loop3A_278 : vector<16xi32>
          %parallel_loop3A_280 = arith.constant 1065353216 : i32
          %parallel_loop3A_281 = vector.broadcast %parallel_loop3A_280 : i32 to vector<16xi32>
          %parallel_loop3A_282 = arith.ori %parallel_loop3A_279, %parallel_loop3A_281 : vector<16xi32>
          %parallel_loop3A_283 = arith.constant 8388607 : i32
          %parallel_loop3A_284 = vector.broadcast %parallel_loop3A_283 : i32 to vector<16xi32>
          %parallel_loop3A_285 = arith.andi %parallel_loop3A_207, %parallel_loop3A_284 : vector<16xi32>
          %parallel_loop3A_286 = arith.constant 1065353216 : i32
          %parallel_loop3A_287 = vector.broadcast %parallel_loop3A_286 : i32 to vector<16xi32>
          %parallel_loop3A_288 = arith.ori %parallel_loop3A_285, %parallel_loop3A_287 : vector<16xi32>
          %parallel_loop3A_289 = arith.constant 8388607 : i32
          %parallel_loop3A_290 = vector.broadcast %parallel_loop3A_289 : i32 to vector<16xi32>
          %parallel_loop3A_291 = arith.andi %parallel_loop3A_208, %parallel_loop3A_290 : vector<16xi32>
          %parallel_loop3A_292 = arith.constant 1065353216 : i32
          %parallel_loop3A_293 = vector.broadcast %parallel_loop3A_292 : i32 to vector<16xi32>
          %parallel_loop3A_294 = arith.ori %parallel_loop3A_291, %parallel_loop3A_293 : vector<16xi32>
          %parallel_loop3A_295 = arith.constant 8388607 : i32
          %parallel_loop3A_296 = vector.broadcast %parallel_loop3A_295 : i32 to vector<16xi32>
          %parallel_loop3A_297 = arith.andi %parallel_loop3A_209, %parallel_loop3A_296 : vector<16xi32>
          %parallel_loop3A_298 = arith.constant 1065353216 : i32
          %parallel_loop3A_299 = vector.broadcast %parallel_loop3A_298 : i32 to vector<16xi32>
          %parallel_loop3A_300 = arith.ori %parallel_loop3A_297, %parallel_loop3A_299 : vector<16xi32>
          %parallel_loop3A_301 = arith.constant 8388607 : i32
          %parallel_loop3A_302 = vector.broadcast %parallel_loop3A_301 : i32 to vector<16xi32>
          %parallel_loop3A_303 = arith.andi %parallel_loop3A_210, %parallel_loop3A_302 : vector<16xi32>
          %parallel_loop3A_304 = arith.constant 1065353216 : i32
          %parallel_loop3A_305 = vector.broadcast %parallel_loop3A_304 : i32 to vector<16xi32>
          %parallel_loop3A_306 = arith.ori %parallel_loop3A_303, %parallel_loop3A_305 : vector<16xi32>
          %parallel_loop3A_307 = vector.bitcast %parallel_loop3A_264 : vector<16xi32> to vector<16xf32>
          %parallel_loop3A_308 = vector.bitcast %parallel_loop3A_270 : vector<16xi32> to vector<16xf32>
          %parallel_loop3A_309 = vector.bitcast %parallel_loop3A_276 : vector<16xi32> to vector<16xf32>
          %parallel_loop3A_310 = vector.bitcast %parallel_loop3A_282 : vector<16xi32> to vector<16xf32>
          %parallel_loop3A_311 = vector.bitcast %parallel_loop3A_288 : vector<16xi32> to vector<16xf32>
          %parallel_loop3A_312 = vector.bitcast %parallel_loop3A_294 : vector<16xi32> to vector<16xf32>
          %parallel_loop3A_313 = vector.bitcast %parallel_loop3A_300 : vector<16xi32> to vector<16xf32>
          %parallel_loop3A_314 = vector.bitcast %parallel_loop3A_306 : vector<16xi32> to vector<16xf32>
          %parallel_loop3A_315 = arith.constant 1.41421354 : f32
          %parallel_loop3A_316 = vector.broadcast %parallel_loop3A_315 : f32 to vector<16xf32>
          %parallel_loop3A_317 = arith.cmpf ogt, %parallel_loop3A_307, %parallel_loop3A_316 : vector<16xf32>
          %parallel_loop3A_318 = arith.constant 1.41421354 : f32
          %parallel_loop3A_319 = vector.broadcast %parallel_loop3A_318 : f32 to vector<16xf32>
          %parallel_loop3A_320 = arith.cmpf ogt, %parallel_loop3A_308, %parallel_loop3A_319 : vector<16xf32>
          %parallel_loop3A_321 = arith.constant 1.41421354 : f32
          %parallel_loop3A_322 = vector.broadcast %parallel_loop3A_321 : f32 to vector<16xf32>
          %parallel_loop3A_323 = arith.cmpf ogt, %parallel_loop3A_309, %parallel_loop3A_322 : vector<16xf32>
          %parallel_loop3A_324 = arith.constant 1.41421354 : f32
          %parallel_loop3A_325 = vector.broadcast %parallel_loop3A_324 : f32 to vector<16xf32>
          %parallel_loop3A_326 = arith.cmpf ogt, %parallel_loop3A_310, %parallel_loop3A_325 : vector<16xf32>
          %parallel_loop3A_327 = arith.constant 1.41421354 : f32
          %parallel_loop3A_328 = vector.broadcast %parallel_loop3A_327 : f32 to vector<16xf32>
          %parallel_loop3A_329 = arith.cmpf ogt, %parallel_loop3A_311, %parallel_loop3A_328 : vector<16xf32>
          %parallel_loop3A_330 = arith.constant 1.41421354 : f32
          %parallel_loop3A_331 = vector.broadcast %parallel_loop3A_330 : f32 to vector<16xf32>
          %parallel_loop3A_332 = arith.cmpf ogt, %parallel_loop3A_312, %parallel_loop3A_331 : vector<16xf32>
          %parallel_loop3A_333 = arith.constant 1.41421354 : f32
          %parallel_loop3A_334 = vector.broadcast %parallel_loop3A_333 : f32 to vector<16xf32>
          %parallel_loop3A_335 = arith.cmpf ogt, %parallel_loop3A_313, %parallel_loop3A_334 : vector<16xf32>
          %parallel_loop3A_336 = arith.constant 1.41421354 : f32
          %parallel_loop3A_337 = vector.broadcast %parallel_loop3A_336 : f32 to vector<16xf32>
          %parallel_loop3A_338 = arith.cmpf ogt, %parallel_loop3A_314, %parallel_loop3A_337 : vector<16xf32>
          %parallel_loop3A_339 = arith.constant 5.000000e-01 : f32
          %parallel_loop3A_340 = vector.broadcast %parallel_loop3A_339 : f32 to vector<16xf32>
          %parallel_loop3A_341 = arith.mulf %parallel_loop3A_307, %parallel_loop3A_340 : vector<16xf32>
          %parallel_loop3A_342 = arith.select %parallel_loop3A_317, %parallel_loop3A_341, %parallel_loop3A_307 : vector<16xi1>, vector<16xf32>
          %parallel_loop3A_343 = arith.constant 5.000000e-01 : f32
          %parallel_loop3A_344 = vector.broadcast %parallel_loop3A_343 : f32 to vector<16xf32>
          %parallel_loop3A_345 = arith.mulf %parallel_loop3A_308, %parallel_loop3A_344 : vector<16xf32>
          %parallel_loop3A_346 = arith.select %parallel_loop3A_320, %parallel_loop3A_345, %parallel_loop3A_308 : vector<16xi1>, vector<16xf32>
          %parallel_loop3A_347 = arith.constant 5.000000e-01 : f32
          %parallel_loop3A_348 = vector.broadcast %parallel_loop3A_347 : f32 to vector<16xf32>
          %parallel_loop3A_349 = arith.mulf %parallel_loop3A_309, %parallel_loop3A_348 : vector<16xf32>
          %parallel_loop3A_350 = arith.select %parallel_loop3A_323, %parallel_loop3A_349, %parallel_loop3A_309 : vector<16xi1>, vector<16xf32>
          %parallel_loop3A_351 = arith.constant 5.000000e-01 : f32
          %parallel_loop3A_352 = vector.broadcast %parallel_loop3A_351 : f32 to vector<16xf32>
          %parallel_loop3A_353 = arith.mulf %parallel_loop3A_310, %parallel_loop3A_352 : vector<16xf32>
          %parallel_loop3A_354 = arith.select %parallel_loop3A_326, %parallel_loop3A_353, %parallel_loop3A_310 : vector<16xi1>, vector<16xf32>
          %parallel_loop3A_355 = arith.constant 5.000000e-01 : f32
          %parallel_loop3A_356 = vector.broadcast %parallel_loop3A_355 : f32 to vector<16xf32>
          %parallel_loop3A_357 = arith.mulf %parallel_loop3A_311, %parallel_loop3A_356 : vector<16xf32>
          %parallel_loop3A_358 = arith.select %parallel_loop3A_329, %parallel_loop3A_357, %parallel_loop3A_311 : vector<16xi1>, vector<16xf32>
          %parallel_loop3A_359 = arith.constant 5.000000e-01 : f32
          %parallel_loop3A_360 = vector.broadcast %parallel_loop3A_359 : f32 to vector<16xf32>
          %parallel_loop3A_361 = arith.mulf %parallel_loop3A_312, %parallel_loop3A_360 : vector<16xf32>
          %parallel_loop3A_362 = arith.select %parallel_loop3A_332, %parallel_loop3A_361, %parallel_loop3A_312 : vector<16xi1>, vector<16xf32>
          %parallel_loop3A_363 = arith.constant 5.000000e-01 : f32
          %parallel_loop3A_364 = vector.broadcast %parallel_loop3A_363 : f32 to vector<16xf32>
          %parallel_loop3A_365 = arith.mulf %parallel_loop3A_313, %parallel_loop3A_364 : vector<16xf32>
          %parallel_loop3A_366 = arith.select %parallel_loop3A_335, %parallel_loop3A_365, %parallel_loop3A_313 : vector<16xi1>, vector<16xf32>
          %parallel_loop3A_367 = arith.constant 5.000000e-01 : f32
          %parallel_loop3A_368 = vector.broadcast %parallel_loop3A_367 : f32 to vector<16xf32>
          %parallel_loop3A_369 = arith.mulf %parallel_loop3A_314, %parallel_loop3A_368 : vector<16xf32>
          %parallel_loop3A_370 = arith.select %parallel_loop3A_338, %parallel_loop3A_369, %parallel_loop3A_314 : vector<16xi1>, vector<16xf32>
          %parallel_loop3A_371 = arith.constant 1 : i32
          %parallel_loop3A_372 = vector.broadcast %parallel_loop3A_371 : i32 to vector<16xi32>
          %parallel_loop3A_373 = arith.addi %parallel_loop3A_216, %parallel_loop3A_372 : vector<16xi32>
          %parallel_loop3A_374 = arith.select %parallel_loop3A_317, %parallel_loop3A_373, %parallel_loop3A_216 : vector<16xi1>, vector<16xi32>
          %parallel_loop3A_375 = arith.constant 1 : i32
          %parallel_loop3A_376 = vector.broadcast %parallel_loop3A_375 : i32 to vector<16xi32>
          %parallel_loop3A_377 = arith.addi %parallel_loop3A_222, %parallel_loop3A_376 : vector<16xi32>
          %parallel_loop3A_378 = arith.select %parallel_loop3A_320, %parallel_loop3A_377, %parallel_loop3A_222 : vector<16xi1>, vector<16xi32>
          %parallel_loop3A_379 = arith.constant 1 : i32
          %parallel_loop3A_380 = vector.broadcast %parallel_loop3A_379 : i32 to vector<16xi32>
          %parallel_loop3A_381 = arith.addi %parallel_loop3A_228, %parallel_loop3A_380 : vector<16xi32>
          %parallel_loop3A_382 = arith.select %parallel_loop3A_323, %parallel_loop3A_381, %parallel_loop3A_228 : vector<16xi1>, vector<16xi32>
          %parallel_loop3A_383 = arith.constant 1 : i32
          %parallel_loop3A_384 = vector.broadcast %parallel_loop3A_383 : i32 to vector<16xi32>
          %parallel_loop3A_385 = arith.addi %parallel_loop3A_234, %parallel_loop3A_384 : vector<16xi32>
          %parallel_loop3A_386 = arith.select %parallel_loop3A_326, %parallel_loop3A_385, %parallel_loop3A_234 : vector<16xi1>, vector<16xi32>
          %parallel_loop3A_387 = arith.constant 1 : i32
          %parallel_loop3A_388 = vector.broadcast %parallel_loop3A_387 : i32 to vector<16xi32>
          %parallel_loop3A_389 = arith.addi %parallel_loop3A_240, %parallel_loop3A_388 : vector<16xi32>
          %parallel_loop3A_390 = arith.select %parallel_loop3A_329, %parallel_loop3A_389, %parallel_loop3A_240 : vector<16xi1>, vector<16xi32>
          %parallel_loop3A_391 = arith.constant 1 : i32
          %parallel_loop3A_392 = vector.broadcast %parallel_loop3A_391 : i32 to vector<16xi32>
          %parallel_loop3A_393 = arith.addi %parallel_loop3A_246, %parallel_loop3A_392 : vector<16xi32>
          %parallel_loop3A_394 = arith.select %parallel_loop3A_332, %parallel_loop3A_393, %parallel_loop3A_246 : vector<16xi1>, vector<16xi32>
          %parallel_loop3A_395 = arith.constant 1 : i32
          %parallel_loop3A_396 = vector.broadcast %parallel_loop3A_395 : i32 to vector<16xi32>
          %parallel_loop3A_397 = arith.addi %parallel_loop3A_252, %parallel_loop3A_396 : vector<16xi32>
          %parallel_loop3A_398 = arith.select %parallel_loop3A_335, %parallel_loop3A_397, %parallel_loop3A_252 : vector<16xi1>, vector<16xi32>
          %parallel_loop3A_399 = arith.constant 1 : i32
          %parallel_loop3A_400 = vector.broadcast %parallel_loop3A_399 : i32 to vector<16xi32>
          %parallel_loop3A_401 = arith.addi %parallel_loop3A_258, %parallel_loop3A_400 : vector<16xi32>
          %parallel_loop3A_402 = arith.select %parallel_loop3A_338, %parallel_loop3A_401, %parallel_loop3A_258 : vector<16xi1>, vector<16xi32>
          %parallel_loop3A_403 = arith.sitofp %parallel_loop3A_374 : vector<16xi32> to vector<16xf32>
          %parallel_loop3A_404 = arith.sitofp %parallel_loop3A_378 : vector<16xi32> to vector<16xf32>
          %parallel_loop3A_405 = arith.sitofp %parallel_loop3A_382 : vector<16xi32> to vector<16xf32>
          %parallel_loop3A_406 = arith.sitofp %parallel_loop3A_386 : vector<16xi32> to vector<16xf32>
          %parallel_loop3A_407 = arith.sitofp %parallel_loop3A_390 : vector<16xi32> to vector<16xf32>
          %parallel_loop3A_408 = arith.sitofp %parallel_loop3A_394 : vector<16xi32> to vector<16xf32>
          %parallel_loop3A_409 = arith.sitofp %parallel_loop3A_398 : vector<16xi32> to vector<16xf32>
          %parallel_loop3A_410 = arith.sitofp %parallel_loop3A_402 : vector<16xi32> to vector<16xf32>
          %parallel_loop3A_411 = arith.constant 1.000000e+00 : f32
          %parallel_loop3A_412 = vector.broadcast %parallel_loop3A_411 : f32 to vector<16xf32>
          %parallel_loop3A_413 = arith.subf %parallel_loop3A_342, %parallel_loop3A_412 : vector<16xf32>
          %parallel_loop3A_414 = arith.constant 1.000000e+00 : f32
          %parallel_loop3A_415 = vector.broadcast %parallel_loop3A_414 : f32 to vector<16xf32>
          %parallel_loop3A_416 = arith.addf %parallel_loop3A_342, %parallel_loop3A_415 : vector<16xf32>
          %parallel_loop3A_417 = arith.divf %parallel_loop3A_413, %parallel_loop3A_416 : vector<16xf32>
          %parallel_loop3A_418 = arith.constant 1.000000e+00 : f32
          %parallel_loop3A_419 = vector.broadcast %parallel_loop3A_418 : f32 to vector<16xf32>
          %parallel_loop3A_420 = arith.subf %parallel_loop3A_346, %parallel_loop3A_419 : vector<16xf32>
          %parallel_loop3A_421 = arith.constant 1.000000e+00 : f32
          %parallel_loop3A_422 = vector.broadcast %parallel_loop3A_421 : f32 to vector<16xf32>
          %parallel_loop3A_423 = arith.addf %parallel_loop3A_346, %parallel_loop3A_422 : vector<16xf32>
          %parallel_loop3A_424 = arith.divf %parallel_loop3A_420, %parallel_loop3A_423 : vector<16xf32>
          %parallel_loop3A_425 = arith.constant 1.000000e+00 : f32
          %parallel_loop3A_426 = vector.broadcast %parallel_loop3A_425 : f32 to vector<16xf32>
          %parallel_loop3A_427 = arith.subf %parallel_loop3A_350, %parallel_loop3A_426 : vector<16xf32>
          %parallel_loop3A_428 = arith.constant 1.000000e+00 : f32
          %parallel_loop3A_429 = vector.broadcast %parallel_loop3A_428 : f32 to vector<16xf32>
          %parallel_loop3A_430 = arith.addf %parallel_loop3A_350, %parallel_loop3A_429 : vector<16xf32>
          %parallel_loop3A_431 = arith.divf %parallel_loop3A_427, %parallel_loop3A_430 : vector<16xf32>
          %parallel_loop3A_432 = arith.constant 1.000000e+00 : f32
          %parallel_loop3A_433 = vector.broadcast %parallel_loop3A_432 : f32 to vector<16xf32>
          %parallel_loop3A_434 = arith.subf %parallel_loop3A_354, %parallel_loop3A_433 : vector<16xf32>
          %parallel_loop3A_435 = arith.constant 1.000000e+00 : f32
          %parallel_loop3A_436 = vector.broadcast %parallel_loop3A_435 : f32 to vector<16xf32>
          %parallel_loop3A_437 = arith.addf %parallel_loop3A_354, %parallel_loop3A_436 : vector<16xf32>
          %parallel_loop3A_438 = arith.divf %parallel_loop3A_434, %parallel_loop3A_437 : vector<16xf32>
          %parallel_loop3A_439 = arith.constant 1.000000e+00 : f32
          %parallel_loop3A_440 = vector.broadcast %parallel_loop3A_439 : f32 to vector<16xf32>
          %parallel_loop3A_441 = arith.subf %parallel_loop3A_358, %parallel_loop3A_440 : vector<16xf32>
          %parallel_loop3A_442 = arith.constant 1.000000e+00 : f32
          %parallel_loop3A_443 = vector.broadcast %parallel_loop3A_442 : f32 to vector<16xf32>
          %parallel_loop3A_444 = arith.addf %parallel_loop3A_358, %parallel_loop3A_443 : vector<16xf32>
          %parallel_loop3A_445 = arith.divf %parallel_loop3A_441, %parallel_loop3A_444 : vector<16xf32>
          %parallel_loop3A_446 = arith.constant 1.000000e+00 : f32
          %parallel_loop3A_447 = vector.broadcast %parallel_loop3A_446 : f32 to vector<16xf32>
          %parallel_loop3A_448 = arith.subf %parallel_loop3A_362, %parallel_loop3A_447 : vector<16xf32>
          %parallel_loop3A_449 = arith.constant 1.000000e+00 : f32
          %parallel_loop3A_450 = vector.broadcast %parallel_loop3A_449 : f32 to vector<16xf32>
          %parallel_loop3A_451 = arith.addf %parallel_loop3A_362, %parallel_loop3A_450 : vector<16xf32>
          %parallel_loop3A_452 = arith.divf %parallel_loop3A_448, %parallel_loop3A_451 : vector<16xf32>
          %parallel_loop3A_453 = arith.constant 1.000000e+00 : f32
          %parallel_loop3A_454 = vector.broadcast %parallel_loop3A_453 : f32 to vector<16xf32>
          %parallel_loop3A_455 = arith.subf %parallel_loop3A_366, %parallel_loop3A_454 : vector<16xf32>
          %parallel_loop3A_456 = arith.constant 1.000000e+00 : f32
          %parallel_loop3A_457 = vector.broadcast %parallel_loop3A_456 : f32 to vector<16xf32>
          %parallel_loop3A_458 = arith.addf %parallel_loop3A_366, %parallel_loop3A_457 : vector<16xf32>
          %parallel_loop3A_459 = arith.divf %parallel_loop3A_455, %parallel_loop3A_458 : vector<16xf32>
          %parallel_loop3A_460 = arith.constant 1.000000e+00 : f32
          %parallel_loop3A_461 = vector.broadcast %parallel_loop3A_460 : f32 to vector<16xf32>
          %parallel_loop3A_462 = arith.subf %parallel_loop3A_370, %parallel_loop3A_461 : vector<16xf32>
          %parallel_loop3A_463 = arith.constant 1.000000e+00 : f32
          %parallel_loop3A_464 = vector.broadcast %parallel_loop3A_463 : f32 to vector<16xf32>
          %parallel_loop3A_465 = arith.addf %parallel_loop3A_370, %parallel_loop3A_464 : vector<16xf32>
          %parallel_loop3A_466 = arith.divf %parallel_loop3A_462, %parallel_loop3A_465 : vector<16xf32>
          %parallel_loop3A_467 = arith.mulf %parallel_loop3A_417, %parallel_loop3A_417 : vector<16xf32>
          %parallel_loop3A_468 = arith.mulf %parallel_loop3A_424, %parallel_loop3A_424 : vector<16xf32>
          %parallel_loop3A_469 = arith.mulf %parallel_loop3A_431, %parallel_loop3A_431 : vector<16xf32>
          %parallel_loop3A_470 = arith.mulf %parallel_loop3A_438, %parallel_loop3A_438 : vector<16xf32>
          %parallel_loop3A_471 = arith.mulf %parallel_loop3A_445, %parallel_loop3A_445 : vector<16xf32>
          %parallel_loop3A_472 = arith.mulf %parallel_loop3A_452, %parallel_loop3A_452 : vector<16xf32>
          %parallel_loop3A_473 = arith.mulf %parallel_loop3A_459, %parallel_loop3A_459 : vector<16xf32>
          %parallel_loop3A_474 = arith.mulf %parallel_loop3A_466, %parallel_loop3A_466 : vector<16xf32>
          %parallel_loop3A_475 = arith.constant 0.222222224 : f32
          %parallel_loop3A_476 = vector.broadcast %parallel_loop3A_475 : f32 to vector<16xf32>
          %parallel_loop3A_477 = arith.mulf %parallel_loop3A_467, %parallel_loop3A_476 : vector<16xf32>
          %parallel_loop3A_478 = arith.constant 0.285714298 : f32
          %parallel_loop3A_479 = vector.broadcast %parallel_loop3A_478 : f32 to vector<16xf32>
          %parallel_loop3A_480 = arith.addf %parallel_loop3A_477, %parallel_loop3A_479 : vector<16xf32>
          %parallel_loop3A_481 = arith.constant 0.222222224 : f32
          %parallel_loop3A_482 = vector.broadcast %parallel_loop3A_481 : f32 to vector<16xf32>
          %parallel_loop3A_483 = arith.mulf %parallel_loop3A_468, %parallel_loop3A_482 : vector<16xf32>
          %parallel_loop3A_484 = arith.constant 0.285714298 : f32
          %parallel_loop3A_485 = vector.broadcast %parallel_loop3A_484 : f32 to vector<16xf32>
          %parallel_loop3A_486 = arith.addf %parallel_loop3A_483, %parallel_loop3A_485 : vector<16xf32>
          %parallel_loop3A_487 = arith.constant 0.222222224 : f32
          %parallel_loop3A_488 = vector.broadcast %parallel_loop3A_487 : f32 to vector<16xf32>
          %parallel_loop3A_489 = arith.mulf %parallel_loop3A_469, %parallel_loop3A_488 : vector<16xf32>
          %parallel_loop3A_490 = arith.constant 0.285714298 : f32
          %parallel_loop3A_491 = vector.broadcast %parallel_loop3A_490 : f32 to vector<16xf32>
          %parallel_loop3A_492 = arith.addf %parallel_loop3A_489, %parallel_loop3A_491 : vector<16xf32>
          %parallel_loop3A_493 = arith.constant 0.222222224 : f32
          %parallel_loop3A_494 = vector.broadcast %parallel_loop3A_493 : f32 to vector<16xf32>
          %parallel_loop3A_495 = arith.mulf %parallel_loop3A_470, %parallel_loop3A_494 : vector<16xf32>
          %parallel_loop3A_496 = arith.constant 0.285714298 : f32
          %parallel_loop3A_497 = vector.broadcast %parallel_loop3A_496 : f32 to vector<16xf32>
          %parallel_loop3A_498 = arith.addf %parallel_loop3A_495, %parallel_loop3A_497 : vector<16xf32>
          %parallel_loop3A_499 = arith.constant 0.222222224 : f32
          %parallel_loop3A_500 = vector.broadcast %parallel_loop3A_499 : f32 to vector<16xf32>
          %parallel_loop3A_501 = arith.mulf %parallel_loop3A_471, %parallel_loop3A_500 : vector<16xf32>
          %parallel_loop3A_502 = arith.constant 0.285714298 : f32
          %parallel_loop3A_503 = vector.broadcast %parallel_loop3A_502 : f32 to vector<16xf32>
          %parallel_loop3A_504 = arith.addf %parallel_loop3A_501, %parallel_loop3A_503 : vector<16xf32>
          %parallel_loop3A_505 = arith.constant 0.222222224 : f32
          %parallel_loop3A_506 = vector.broadcast %parallel_loop3A_505 : f32 to vector<16xf32>
          %parallel_loop3A_507 = arith.mulf %parallel_loop3A_472, %parallel_loop3A_506 : vector<16xf32>
          %parallel_loop3A_508 = arith.constant 0.285714298 : f32
          %parallel_loop3A_509 = vector.broadcast %parallel_loop3A_508 : f32 to vector<16xf32>
          %parallel_loop3A_510 = arith.addf %parallel_loop3A_507, %parallel_loop3A_509 : vector<16xf32>
          %parallel_loop3A_511 = arith.constant 0.222222224 : f32
          %parallel_loop3A_512 = vector.broadcast %parallel_loop3A_511 : f32 to vector<16xf32>
          %parallel_loop3A_513 = arith.mulf %parallel_loop3A_473, %parallel_loop3A_512 : vector<16xf32>
          %parallel_loop3A_514 = arith.constant 0.285714298 : f32
          %parallel_loop3A_515 = vector.broadcast %parallel_loop3A_514 : f32 to vector<16xf32>
          %parallel_loop3A_516 = arith.addf %parallel_loop3A_513, %parallel_loop3A_515 : vector<16xf32>
          %parallel_loop3A_517 = arith.constant 0.222222224 : f32
          %parallel_loop3A_518 = vector.broadcast %parallel_loop3A_517 : f32 to vector<16xf32>
          %parallel_loop3A_519 = arith.mulf %parallel_loop3A_474, %parallel_loop3A_518 : vector<16xf32>
          %parallel_loop3A_520 = arith.constant 0.285714298 : f32
          %parallel_loop3A_521 = vector.broadcast %parallel_loop3A_520 : f32 to vector<16xf32>
          %parallel_loop3A_522 = arith.addf %parallel_loop3A_519, %parallel_loop3A_521 : vector<16xf32>
          %parallel_loop3A_523 = arith.mulf %parallel_loop3A_480, %parallel_loop3A_467 : vector<16xf32>
          %parallel_loop3A_524 = arith.constant 4.000000e-01 : f32
          %parallel_loop3A_525 = vector.broadcast %parallel_loop3A_524 : f32 to vector<16xf32>
          %parallel_loop3A_526 = arith.addf %parallel_loop3A_523, %parallel_loop3A_525 : vector<16xf32>
          %parallel_loop3A_527 = arith.mulf %parallel_loop3A_486, %parallel_loop3A_468 : vector<16xf32>
          %parallel_loop3A_528 = arith.constant 4.000000e-01 : f32
          %parallel_loop3A_529 = vector.broadcast %parallel_loop3A_528 : f32 to vector<16xf32>
          %parallel_loop3A_530 = arith.addf %parallel_loop3A_527, %parallel_loop3A_529 : vector<16xf32>
          %parallel_loop3A_531 = arith.mulf %parallel_loop3A_492, %parallel_loop3A_469 : vector<16xf32>
          %parallel_loop3A_532 = arith.constant 4.000000e-01 : f32
          %parallel_loop3A_533 = vector.broadcast %parallel_loop3A_532 : f32 to vector<16xf32>
          %parallel_loop3A_534 = arith.addf %parallel_loop3A_531, %parallel_loop3A_533 : vector<16xf32>
          %parallel_loop3A_535 = arith.mulf %parallel_loop3A_498, %parallel_loop3A_470 : vector<16xf32>
          %parallel_loop3A_536 = arith.constant 4.000000e-01 : f32
          %parallel_loop3A_537 = vector.broadcast %parallel_loop3A_536 : f32 to vector<16xf32>
          %parallel_loop3A_538 = arith.addf %parallel_loop3A_535, %parallel_loop3A_537 : vector<16xf32>
          %parallel_loop3A_539 = arith.mulf %parallel_loop3A_504, %parallel_loop3A_471 : vector<16xf32>
          %parallel_loop3A_540 = arith.constant 4.000000e-01 : f32
          %parallel_loop3A_541 = vector.broadcast %parallel_loop3A_540 : f32 to vector<16xf32>
          %parallel_loop3A_542 = arith.addf %parallel_loop3A_539, %parallel_loop3A_541 : vector<16xf32>
          %parallel_loop3A_543 = arith.mulf %parallel_loop3A_510, %parallel_loop3A_472 : vector<16xf32>
          %parallel_loop3A_544 = arith.constant 4.000000e-01 : f32
          %parallel_loop3A_545 = vector.broadcast %parallel_loop3A_544 : f32 to vector<16xf32>
          %parallel_loop3A_546 = arith.addf %parallel_loop3A_543, %parallel_loop3A_545 : vector<16xf32>
          %parallel_loop3A_547 = arith.mulf %parallel_loop3A_516, %parallel_loop3A_473 : vector<16xf32>
          %parallel_loop3A_548 = arith.constant 4.000000e-01 : f32
          %parallel_loop3A_549 = vector.broadcast %parallel_loop3A_548 : f32 to vector<16xf32>
          %parallel_loop3A_550 = arith.addf %parallel_loop3A_547, %parallel_loop3A_549 : vector<16xf32>
          %parallel_loop3A_551 = arith.mulf %parallel_loop3A_522, %parallel_loop3A_474 : vector<16xf32>
          %parallel_loop3A_552 = arith.constant 4.000000e-01 : f32
          %parallel_loop3A_553 = vector.broadcast %parallel_loop3A_552 : f32 to vector<16xf32>
          %parallel_loop3A_554 = arith.addf %parallel_loop3A_551, %parallel_loop3A_553 : vector<16xf32>
          %parallel_loop3A_555 = arith.mulf %parallel_loop3A_526, %parallel_loop3A_467 : vector<16xf32>
          %parallel_loop3A_556 = arith.constant 0.666666686 : f32
          %parallel_loop3A_557 = vector.broadcast %parallel_loop3A_556 : f32 to vector<16xf32>
          %parallel_loop3A_558 = arith.addf %parallel_loop3A_555, %parallel_loop3A_557 : vector<16xf32>
          %parallel_loop3A_559 = arith.mulf %parallel_loop3A_530, %parallel_loop3A_468 : vector<16xf32>
          %parallel_loop3A_560 = arith.constant 0.666666686 : f32
          %parallel_loop3A_561 = vector.broadcast %parallel_loop3A_560 : f32 to vector<16xf32>
          %parallel_loop3A_562 = arith.addf %parallel_loop3A_559, %parallel_loop3A_561 : vector<16xf32>
          %parallel_loop3A_563 = arith.mulf %parallel_loop3A_534, %parallel_loop3A_469 : vector<16xf32>
          %parallel_loop3A_564 = arith.constant 0.666666686 : f32
          %parallel_loop3A_565 = vector.broadcast %parallel_loop3A_564 : f32 to vector<16xf32>
          %parallel_loop3A_566 = arith.addf %parallel_loop3A_563, %parallel_loop3A_565 : vector<16xf32>
          %parallel_loop3A_567 = arith.mulf %parallel_loop3A_538, %parallel_loop3A_470 : vector<16xf32>
          %parallel_loop3A_568 = arith.constant 0.666666686 : f32
          %parallel_loop3A_569 = vector.broadcast %parallel_loop3A_568 : f32 to vector<16xf32>
          %parallel_loop3A_570 = arith.addf %parallel_loop3A_567, %parallel_loop3A_569 : vector<16xf32>
          %parallel_loop3A_571 = arith.mulf %parallel_loop3A_542, %parallel_loop3A_471 : vector<16xf32>
          %parallel_loop3A_572 = arith.constant 0.666666686 : f32
          %parallel_loop3A_573 = vector.broadcast %parallel_loop3A_572 : f32 to vector<16xf32>
          %parallel_loop3A_574 = arith.addf %parallel_loop3A_571, %parallel_loop3A_573 : vector<16xf32>
          %parallel_loop3A_575 = arith.mulf %parallel_loop3A_546, %parallel_loop3A_472 : vector<16xf32>
          %parallel_loop3A_576 = arith.constant 0.666666686 : f32
          %parallel_loop3A_577 = vector.broadcast %parallel_loop3A_576 : f32 to vector<16xf32>
          %parallel_loop3A_578 = arith.addf %parallel_loop3A_575, %parallel_loop3A_577 : vector<16xf32>
          %parallel_loop3A_579 = arith.mulf %parallel_loop3A_550, %parallel_loop3A_473 : vector<16xf32>
          %parallel_loop3A_580 = arith.constant 0.666666686 : f32
          %parallel_loop3A_581 = vector.broadcast %parallel_loop3A_580 : f32 to vector<16xf32>
          %parallel_loop3A_582 = arith.addf %parallel_loop3A_579, %parallel_loop3A_581 : vector<16xf32>
          %parallel_loop3A_583 = arith.mulf %parallel_loop3A_554, %parallel_loop3A_474 : vector<16xf32>
          %parallel_loop3A_584 = arith.constant 0.666666686 : f32
          %parallel_loop3A_585 = vector.broadcast %parallel_loop3A_584 : f32 to vector<16xf32>
          %parallel_loop3A_586 = arith.addf %parallel_loop3A_583, %parallel_loop3A_585 : vector<16xf32>
          %parallel_loop3A_587 = arith.mulf %parallel_loop3A_558, %parallel_loop3A_467 : vector<16xf32>
          %parallel_loop3A_588 = arith.constant 2.000000e+00 : f32
          %parallel_loop3A_589 = vector.broadcast %parallel_loop3A_588 : f32 to vector<16xf32>
          %parallel_loop3A_590 = arith.addf %parallel_loop3A_587, %parallel_loop3A_589 : vector<16xf32>
          %parallel_loop3A_591 = arith.mulf %parallel_loop3A_562, %parallel_loop3A_468 : vector<16xf32>
          %parallel_loop3A_592 = arith.constant 2.000000e+00 : f32
          %parallel_loop3A_593 = vector.broadcast %parallel_loop3A_592 : f32 to vector<16xf32>
          %parallel_loop3A_594 = arith.addf %parallel_loop3A_591, %parallel_loop3A_593 : vector<16xf32>
          %parallel_loop3A_595 = arith.mulf %parallel_loop3A_566, %parallel_loop3A_469 : vector<16xf32>
          %parallel_loop3A_596 = arith.constant 2.000000e+00 : f32
          %parallel_loop3A_597 = vector.broadcast %parallel_loop3A_596 : f32 to vector<16xf32>
          %parallel_loop3A_598 = arith.addf %parallel_loop3A_595, %parallel_loop3A_597 : vector<16xf32>
          %parallel_loop3A_599 = arith.mulf %parallel_loop3A_570, %parallel_loop3A_470 : vector<16xf32>
          %parallel_loop3A_600 = arith.constant 2.000000e+00 : f32
          %parallel_loop3A_601 = vector.broadcast %parallel_loop3A_600 : f32 to vector<16xf32>
          %parallel_loop3A_602 = arith.addf %parallel_loop3A_599, %parallel_loop3A_601 : vector<16xf32>
          %parallel_loop3A_603 = arith.mulf %parallel_loop3A_574, %parallel_loop3A_471 : vector<16xf32>
          %parallel_loop3A_604 = arith.constant 2.000000e+00 : f32
          %parallel_loop3A_605 = vector.broadcast %parallel_loop3A_604 : f32 to vector<16xf32>
          %parallel_loop3A_606 = arith.addf %parallel_loop3A_603, %parallel_loop3A_605 : vector<16xf32>
          %parallel_loop3A_607 = arith.mulf %parallel_loop3A_578, %parallel_loop3A_472 : vector<16xf32>
          %parallel_loop3A_608 = arith.constant 2.000000e+00 : f32
          %parallel_loop3A_609 = vector.broadcast %parallel_loop3A_608 : f32 to vector<16xf32>
          %parallel_loop3A_610 = arith.addf %parallel_loop3A_607, %parallel_loop3A_609 : vector<16xf32>
          %parallel_loop3A_611 = arith.mulf %parallel_loop3A_582, %parallel_loop3A_473 : vector<16xf32>
          %parallel_loop3A_612 = arith.constant 2.000000e+00 : f32
          %parallel_loop3A_613 = vector.broadcast %parallel_loop3A_612 : f32 to vector<16xf32>
          %parallel_loop3A_614 = arith.addf %parallel_loop3A_611, %parallel_loop3A_613 : vector<16xf32>
          %parallel_loop3A_615 = arith.mulf %parallel_loop3A_586, %parallel_loop3A_474 : vector<16xf32>
          %parallel_loop3A_616 = arith.constant 2.000000e+00 : f32
          %parallel_loop3A_617 = vector.broadcast %parallel_loop3A_616 : f32 to vector<16xf32>
          %parallel_loop3A_618 = arith.addf %parallel_loop3A_615, %parallel_loop3A_617 : vector<16xf32>
          %parallel_loop3A_619 = arith.constant 0.693147182 : f32
          %parallel_loop3A_620 = vector.broadcast %parallel_loop3A_619 : f32 to vector<16xf32>
          %parallel_loop3A_621 = arith.mulf %parallel_loop3A_403, %parallel_loop3A_620 : vector<16xf32>
          %parallel_loop3A_622 = arith.mulf %parallel_loop3A_417, %parallel_loop3A_590 : vector<16xf32>
          %parallel_loop3A_623 = arith.addf %parallel_loop3A_621, %parallel_loop3A_622 : vector<16xf32>
          %parallel_loop3A_624 = arith.constant 0.693147182 : f32
          %parallel_loop3A_625 = vector.broadcast %parallel_loop3A_624 : f32 to vector<16xf32>
          %parallel_loop3A_626 = arith.mulf %parallel_loop3A_404, %parallel_loop3A_625 : vector<16xf32>
          %parallel_loop3A_627 = arith.mulf %parallel_loop3A_424, %parallel_loop3A_594 : vector<16xf32>
          %parallel_loop3A_628 = arith.addf %parallel_loop3A_626, %parallel_loop3A_627 : vector<16xf32>
          %parallel_loop3A_629 = arith.constant 0.693147182 : f32
          %parallel_loop3A_630 = vector.broadcast %parallel_loop3A_629 : f32 to vector<16xf32>
          %parallel_loop3A_631 = arith.mulf %parallel_loop3A_405, %parallel_loop3A_630 : vector<16xf32>
          %parallel_loop3A_632 = arith.mulf %parallel_loop3A_431, %parallel_loop3A_598 : vector<16xf32>
          %parallel_loop3A_633 = arith.addf %parallel_loop3A_631, %parallel_loop3A_632 : vector<16xf32>
          %parallel_loop3A_634 = arith.constant 0.693147182 : f32
          %parallel_loop3A_635 = vector.broadcast %parallel_loop3A_634 : f32 to vector<16xf32>
          %parallel_loop3A_636 = arith.mulf %parallel_loop3A_406, %parallel_loop3A_635 : vector<16xf32>
          %parallel_loop3A_637 = arith.mulf %parallel_loop3A_438, %parallel_loop3A_602 : vector<16xf32>
          %parallel_loop3A_638 = arith.addf %parallel_loop3A_636, %parallel_loop3A_637 : vector<16xf32>
          %parallel_loop3A_639 = arith.constant 0.693147182 : f32
          %parallel_loop3A_640 = vector.broadcast %parallel_loop3A_639 : f32 to vector<16xf32>
          %parallel_loop3A_641 = arith.mulf %parallel_loop3A_407, %parallel_loop3A_640 : vector<16xf32>
          %parallel_loop3A_642 = arith.mulf %parallel_loop3A_445, %parallel_loop3A_606 : vector<16xf32>
          %parallel_loop3A_643 = arith.addf %parallel_loop3A_641, %parallel_loop3A_642 : vector<16xf32>
          %parallel_loop3A_644 = arith.constant 0.693147182 : f32
          %parallel_loop3A_645 = vector.broadcast %parallel_loop3A_644 : f32 to vector<16xf32>
          %parallel_loop3A_646 = arith.mulf %parallel_loop3A_408, %parallel_loop3A_645 : vector<16xf32>
          %parallel_loop3A_647 = arith.mulf %parallel_loop3A_452, %parallel_loop3A_610 : vector<16xf32>
          %parallel_loop3A_648 = arith.addf %parallel_loop3A_646, %parallel_loop3A_647 : vector<16xf32>
          %parallel_loop3A_649 = arith.constant 0.693147182 : f32
          %parallel_loop3A_650 = vector.broadcast %parallel_loop3A_649 : f32 to vector<16xf32>
          %parallel_loop3A_651 = arith.mulf %parallel_loop3A_409, %parallel_loop3A_650 : vector<16xf32>
          %parallel_loop3A_652 = arith.mulf %parallel_loop3A_459, %parallel_loop3A_614 : vector<16xf32>
          %parallel_loop3A_653 = arith.addf %parallel_loop3A_651, %parallel_loop3A_652 : vector<16xf32>
          %parallel_loop3A_654 = arith.constant 0.693147182 : f32
          %parallel_loop3A_655 = vector.broadcast %parallel_loop3A_654 : f32 to vector<16xf32>
          %parallel_loop3A_656 = arith.mulf %parallel_loop3A_410, %parallel_loop3A_655 : vector<16xf32>
          %parallel_loop3A_657 = arith.mulf %parallel_loop3A_466, %parallel_loop3A_618 : vector<16xf32>
          %parallel_loop3A_658 = arith.addf %parallel_loop3A_656, %parallel_loop3A_657 : vector<16xf32>
          %parallel_loop3A_659 = arith.subf %broadcast_in_dim3A_1, %parallel_loop3A_623 : vector<16xf32>
          %parallel_loop3A_660 = arith.subf %broadcast_in_dim3A_1, %parallel_loop3A_628 : vector<16xf32>
          %parallel_loop3A_661 = arith.subf %broadcast_in_dim3A_1, %parallel_loop3A_633 : vector<16xf32>
          %parallel_loop3A_662 = arith.subf %broadcast_in_dim3A_1, %parallel_loop3A_638 : vector<16xf32>
          %parallel_loop3A_663 = arith.subf %broadcast_in_dim3A_1, %parallel_loop3A_643 : vector<16xf32>
          %parallel_loop3A_664 = arith.subf %broadcast_in_dim3A_1, %parallel_loop3A_648 : vector<16xf32>
          %parallel_loop3A_665 = arith.subf %broadcast_in_dim3A_1, %parallel_loop3A_653 : vector<16xf32>
          %parallel_loop3A_666 = arith.subf %broadcast_in_dim3A_1, %parallel_loop3A_658 : vector<16xf32>
          %parallel_loop3A_667 = arith.index_cast %rem3A_122 : i32 to index
          %parallel_loop3A_668 = arith.index_cast %parallel_loop3A_164 : i32 to index
          %parallel_loop3A_669 = tpu.vector_load %arg8[%parallel_loop3A_667, %parallel_loop3A_668] {strides = array<i32>} : memref<2x8192xf32, #tpu.memory_space<vmem>>, vector<16xf32>,
          %parallel_loop3A_670 = arith.index_cast %rem3A_122 : i32 to index
          %parallel_loop3A_671 = arith.index_cast %parallel_loop3A_166 : i32 to index
          %parallel_loop3A_672 = tpu.vector_load %arg8[%parallel_loop3A_670, %parallel_loop3A_671] {strides = array<i32>} : memref<2x8192xf32, #tpu.memory_space<vmem>>, vector<16xf32>,
          %parallel_loop3A_673 = arith.index_cast %rem3A_122 : i32 to index
          %parallel_loop3A_674 = arith.index_cast %parallel_loop3A_168 : i32 to index
          %parallel_loop3A_675 = tpu.vector_load %arg8[%parallel_loop3A_673, %parallel_loop3A_674] {strides = array<i32>} : memref<2x8192xf32, #tpu.memory_space<vmem>>, vector<16xf32>,
          %parallel_loop3A_676 = arith.index_cast %rem3A_122 : i32 to index
          %parallel_loop3A_677 = arith.index_cast %parallel_loop3A_170 : i32 to index
          %parallel_loop3A_678 = tpu.vector_load %arg8[%parallel_loop3A_676, %parallel_loop3A_677] {strides = array<i32>} : memref<2x8192xf32, #tpu.memory_space<vmem>>, vector<16xf32>,
          %parallel_loop3A_679 = arith.index_cast %rem3A_122 : i32 to index
          %parallel_loop3A_680 = arith.index_cast %parallel_loop3A_172 : i32 to index
          %parallel_loop3A_681 = tpu.vector_load %arg8[%parallel_loop3A_679, %parallel_loop3A_680] {strides = array<i32>} : memref<2x8192xf32, #tpu.memory_space<vmem>>, vector<16xf32>,
          %parallel_loop3A_682 = arith.index_cast %rem3A_122 : i32 to index
          %parallel_loop3A_683 = arith.index_cast %parallel_loop3A_174 : i32 to index
          %parallel_loop3A_684 = tpu.vector_load %arg8[%parallel_loop3A_682, %parallel_loop3A_683] {strides = array<i32>} : memref<2x8192xf32, #tpu.memory_space<vmem>>, vector<16xf32>,
          %parallel_loop3A_685 = arith.index_cast %rem3A_122 : i32 to index
          %parallel_loop3A_686 = arith.index_cast %parallel_loop3A_176 : i32 to index
          %parallel_loop3A_687 = tpu.vector_load %arg8[%parallel_loop3A_685, %parallel_loop3A_686] {strides = array<i32>} : memref<2x8192xf32, #tpu.memory_space<vmem>>, vector<16xf32>,
          %parallel_loop3A_688 = arith.index_cast %rem3A_122 : i32 to index
          %parallel_loop3A_689 = arith.index_cast %parallel_loop3A_178 : i32 to index
          %parallel_loop3A_690 = tpu.vector_load %arg8[%parallel_loop3A_688, %parallel_loop3A_689] {strides = array<i32>} : memref<2x8192xf32, #tpu.memory_space<vmem>>, vector<16xf32>,
          %parallel_loop3A_691 = arith.addf %parallel_loop3A_669, %parallel_loop3A_669 : vector<16xf32>
          %parallel_loop3A_692 = math.exp %parallel_loop3A_691 : vector<16xf32>
          %parallel_loop3A_693 = arith.addf %parallel_loop3A_672, %parallel_loop3A_672 : vector<16xf32>
          %parallel_loop3A_694 = math.exp %parallel_loop3A_693 : vector<16xf32>
          %parallel_loop3A_695 = arith.addf %parallel_loop3A_675, %parallel_loop3A_675 : vector<16xf32>
          %parallel_loop3A_696 = math.exp %parallel_loop3A_695 : vector<16xf32>
          %parallel_loop3A_697 = arith.addf %parallel_loop3A_678, %parallel_loop3A_678 : vector<16xf32>
          %parallel_loop3A_698 = math.exp %parallel_loop3A_697 : vector<16xf32>
          %parallel_loop3A_699 = arith.addf %parallel_loop3A_681, %parallel_loop3A_681 : vector<16xf32>
          %parallel_loop3A_700 = math.exp %parallel_loop3A_699 : vector<16xf32>
          %parallel_loop3A_701 = arith.addf %parallel_loop3A_684, %parallel_loop3A_684 : vector<16xf32>
          %parallel_loop3A_702 = math.exp %parallel_loop3A_701 : vector<16xf32>
          %parallel_loop3A_703 = arith.addf %parallel_loop3A_687, %parallel_loop3A_687 : vector<16xf32>
          %parallel_loop3A_704 = math.exp %parallel_loop3A_703 : vector<16xf32>
          %parallel_loop3A_705 = arith.addf %parallel_loop3A_690, %parallel_loop3A_690 : vector<16xf32>
          %parallel_loop3A_706 = math.exp %parallel_loop3A_705 : vector<16xf32>
          %parallel_loop3A_707 = arith.mulf %parallel_loop3A_659, %parallel_loop3A_659 : vector<16xf32>
          %parallel_loop3A_708 = arith.mulf %parallel_loop3A_660, %parallel_loop3A_660 : vector<16xf32>
          %parallel_loop3A_709 = arith.mulf %parallel_loop3A_661, %parallel_loop3A_661 : vector<16xf32>
          %parallel_loop3A_710 = arith.mulf %parallel_loop3A_662, %parallel_loop3A_662 : vector<16xf32>
          %parallel_loop3A_711 = arith.mulf %parallel_loop3A_663, %parallel_loop3A_663 : vector<16xf32>
          %parallel_loop3A_712 = arith.mulf %parallel_loop3A_664, %parallel_loop3A_664 : vector<16xf32>
          %parallel_loop3A_713 = arith.mulf %parallel_loop3A_665, %parallel_loop3A_665 : vector<16xf32>
          %parallel_loop3A_714 = arith.mulf %parallel_loop3A_666, %parallel_loop3A_666 : vector<16xf32>
          %parallel_loop3A_715 = arith.divf %parallel_loop3A_692, %parallel_loop3A_707 : vector<16xf32>
          %parallel_loop3A_716 = arith.divf %parallel_loop3A_694, %parallel_loop3A_708 : vector<16xf32>
          %parallel_loop3A_717 = arith.divf %parallel_loop3A_696, %parallel_loop3A_709 : vector<16xf32>
          %parallel_loop3A_718 = arith.divf %parallel_loop3A_698, %parallel_loop3A_710 : vector<16xf32>
          %parallel_loop3A_719 = arith.divf %parallel_loop3A_700, %parallel_loop3A_711 : vector<16xf32>
          %parallel_loop3A_720 = arith.divf %parallel_loop3A_702, %parallel_loop3A_712 : vector<16xf32>
          %parallel_loop3A_721 = arith.divf %parallel_loop3A_704, %parallel_loop3A_713 : vector<16xf32>
          %parallel_loop3A_722 = arith.divf %parallel_loop3A_706, %parallel_loop3A_714 : vector<16xf32>
          %parallel_loop3A_723 = arith.constant 8192 : i32
          %parallel_loop3A_724 = arith.muli %scan3A_117, %parallel_loop3A_723 : i32
          %parallel_loop3A_725 = arith.addi %parallel_loop3A_724, %parallel_loop3A_164 : i32
          %parallel_loop3A_726 = arith.index_cast %parallel_loop3A_725 : i32 to index
          %parallel_loop3A_727 = tpu.vector_load %arg6[%parallel_loop3A_726] {strides = array<i32>} : memref<65536xf32, #tpu.memory_space<vmem>>, vector<16xf32>,
          tpu.vector_store %arg6[%parallel_loop3A_726], %parallel_loop3A_715 {strides = array<i32>} : memref<65536xf32, #tpu.memory_space<vmem>>, vector<16xf32>,
          %parallel_loop3A_728 = arith.constant 8192 : i32
          %parallel_loop3A_729 = arith.muli %scan3A_117, %parallel_loop3A_728 : i32
          %parallel_loop3A_730 = arith.addi %parallel_loop3A_729, %parallel_loop3A_166 : i32
          %parallel_loop3A_731 = arith.index_cast %parallel_loop3A_730 : i32 to index
          %parallel_loop3A_732 = tpu.vector_load %arg6[%parallel_loop3A_731] {strides = array<i32>} : memref<65536xf32, #tpu.memory_space<vmem>>, vector<16xf32>,
          tpu.vector_store %arg6[%parallel_loop3A_731], %parallel_loop3A_716 {strides = array<i32>} : memref<65536xf32, #tpu.memory_space<vmem>>, vector<16xf32>,
          %parallel_loop3A_733 = arith.constant 8192 : i32
          %parallel_loop3A_734 = arith.muli %scan3A_117, %parallel_loop3A_733 : i32
          %parallel_loop3A_735 = arith.addi %parallel_loop3A_734, %parallel_loop3A_168 : i32
          %parallel_loop3A_736 = arith.index_cast %parallel_loop3A_735 : i32 to index
          %parallel_loop3A_737 = tpu.vector_load %arg6[%parallel_loop3A_736] {strides = array<i32>} : memref<65536xf32, #tpu.memory_space<vmem>>, vector<16xf32>,
          tpu.vector_store %arg6[%parallel_loop3A_736], %parallel_loop3A_717 {strides = array<i32>} : memref<65536xf32, #tpu.memory_space<vmem>>, vector<16xf32>,
          %parallel_loop3A_738 = arith.constant 8192 : i32
          %parallel_loop3A_739 = arith.muli %scan3A_117, %parallel_loop3A_738 : i32
          %parallel_loop3A_740 = arith.addi %parallel_loop3A_739, %parallel_loop3A_170 : i32
          %parallel_loop3A_741 = arith.index_cast %parallel_loop3A_740 : i32 to index
          %parallel_loop3A_742 = tpu.vector_load %arg6[%parallel_loop3A_741] {strides = array<i32>} : memref<65536xf32, #tpu.memory_space<vmem>>, vector<16xf32>,
          tpu.vector_store %arg6[%parallel_loop3A_741], %parallel_loop3A_718 {strides = array<i32>} : memref<65536xf32, #tpu.memory_space<vmem>>, vector<16xf32>,
          %parallel_loop3A_743 = arith.constant 8192 : i32
          %parallel_loop3A_744 = arith.muli %scan3A_117, %parallel_loop3A_743 : i32
          %parallel_loop3A_745 = arith.addi %parallel_loop3A_744, %parallel_loop3A_172 : i32
          %parallel_loop3A_746 = arith.index_cast %parallel_loop3A_745 : i32 to index
          %parallel_loop3A_747 = tpu.vector_load %arg6[%parallel_loop3A_746] {strides = array<i32>} : memref<65536xf32, #tpu.memory_space<vmem>>, vector<16xf32>,
          tpu.vector_store %arg6[%parallel_loop3A_746], %parallel_loop3A_719 {strides = array<i32>} : memref<65536xf32, #tpu.memory_space<vmem>>, vector<16xf32>,
          %parallel_loop3A_748 = arith.constant 8192 : i32
          %parallel_loop3A_749 = arith.muli %scan3A_117, %parallel_loop3A_748 : i32
          %parallel_loop3A_750 = arith.addi %parallel_loop3A_749, %parallel_loop3A_174 : i32
          %parallel_loop3A_751 = arith.index_cast %parallel_loop3A_750 : i32 to index
          %parallel_loop3A_752 = tpu.vector_load %arg6[%parallel_loop3A_751] {strides = array<i32>} : memref<65536xf32, #tpu.memory_space<vmem>>, vector<16xf32>,
          tpu.vector_store %arg6[%parallel_loop3A_751], %parallel_loop3A_720 {strides = array<i32>} : memref<65536xf32, #tpu.memory_space<vmem>>, vector<16xf32>,
          %parallel_loop3A_753 = arith.constant 8192 : i32
          %parallel_loop3A_754 = arith.muli %scan3A_117, %parallel_loop3A_753 : i32
          %parallel_loop3A_755 = arith.addi %parallel_loop3A_754, %parallel_loop3A_176 : i32
          %parallel_loop3A_756 = arith.index_cast %parallel_loop3A_755 : i32 to index
          %parallel_loop3A_757 = tpu.vector_load %arg6[%parallel_loop3A_756] {strides = array<i32>} : memref<65536xf32, #tpu.memory_space<vmem>>, vector<16xf32>,
          tpu.vector_store %arg6[%parallel_loop3A_756], %parallel_loop3A_721 {strides = array<i32>} : memref<65536xf32, #tpu.memory_space<vmem>>, vector<16xf32>,
          %parallel_loop3A_758 = arith.constant 8192 : i32
          %parallel_loop3A_759 = arith.muli %scan3A_117, %parallel_loop3A_758 : i32
          %parallel_loop3A_760 = arith.addi %parallel_loop3A_759, %parallel_loop3A_178 : i32
          %parallel_loop3A_761 = arith.index_cast %parallel_loop3A_760 : i32 to index
          %parallel_loop3A_762 = tpu.vector_load %arg6[%parallel_loop3A_761] {strides = array<i32>} : memref<65536xf32, #tpu.memory_space<vmem>>, vector<16xf32>,
          tpu.vector_store %arg6[%parallel_loop3A_761], %parallel_loop3A_722 {strides = array<i32>} : memref<65536xf32, #tpu.memory_space<vmem>>, vector<16xf32>,
          %parallel_loop3A_763 = arith.mulf %parallel_loop3A_659, %parallel_loop3A_660 : vector<16xf32>
          %parallel_loop3A_764 = arith.mulf %parallel_loop3A_661, %parallel_loop3A_662 : vector<16xf32>
          %parallel_loop3A_765 = arith.mulf %parallel_loop3A_663, %parallel_loop3A_664 : vector<16xf32>
          %parallel_loop3A_766 = arith.mulf %parallel_loop3A_665, %parallel_loop3A_666 : vector<16xf32>
          %parallel_loop3A_767 = arith.mulf %parallel_loop3A_763, %parallel_loop3A_764 : vector<16xf32>
          %parallel_loop3A_768 = arith.mulf %parallel_loop3A_765, %parallel_loop3A_766 : vector<16xf32>
          %parallel_loop3A_769 = arith.mulf %parallel_loop3A_767, %parallel_loop3A_768 : vector<16xf32>
          %parallel_loop3A_770 = arith.addf %parallel_loop3A_659, %parallel_loop3A_660 : vector<16xf32>
          %parallel_loop3A_771 = arith.addf %parallel_loop3A_661, %parallel_loop3A_662 : vector<16xf32>
          %parallel_loop3A_772 = arith.addf %parallel_loop3A_663, %parallel_loop3A_664 : vector<16xf32>
          %parallel_loop3A_773 = arith.addf %parallel_loop3A_665, %parallel_loop3A_666 : vector<16xf32>
          %parallel_loop3A_774 = arith.addf %parallel_loop3A_770, %parallel_loop3A_771 : vector<16xf32>
          %parallel_loop3A_775 = arith.addf %parallel_loop3A_772, %parallel_loop3A_773 : vector<16xf32>
          %parallel_loop3A_776 = arith.addf %parallel_loop3A_774, %parallel_loop3A_775 : vector<16xf32>
          %parallel_loop3A_777 = arith.addf %parallel_loop3A_157, %parallel_loop3A_776 : vector<16xf32>
          %parallel_loop3A_778 = arith.addf %parallel_loop3A_715, %parallel_loop3A_716 : vector<16xf32>
          %parallel_loop3A_779 = arith.addf %parallel_loop3A_717, %parallel_loop3A_718 : vector<16xf32>
          %parallel_loop3A_780 = arith.addf %parallel_loop3A_719, %parallel_loop3A_720 : vector<16xf32>
          %parallel_loop3A_781 = arith.addf %parallel_loop3A_721, %parallel_loop3A_722 : vector<16xf32>
          %parallel_loop3A_782 = arith.addf %parallel_loop3A_778, %parallel_loop3A_779 : vector<16xf32>
          %parallel_loop3A_783 = arith.addf %parallel_loop3A_780, %parallel_loop3A_781 : vector<16xf32>
          %parallel_loop3A_784 = arith.addf %parallel_loop3A_782, %parallel_loop3A_783 : vector<16xf32>
          %parallel_loop3A_785 = arith.addf %parallel_loop3A_159, %parallel_loop3A_784 : vector<16xf32>
          %parallel_loop3A_786 = arith.addf %parallel_loop3A_669, %parallel_loop3A_672 : vector<16xf32>
          %parallel_loop3A_787 = arith.addf %parallel_loop3A_675, %parallel_loop3A_678 : vector<16xf32>
          %parallel_loop3A_788 = arith.addf %parallel_loop3A_681, %parallel_loop3A_684 : vector<16xf32>
          %parallel_loop3A_789 = arith.addf %parallel_loop3A_687, %parallel_loop3A_690 : vector<16xf32>
          %parallel_loop3A_790 = arith.addf %parallel_loop3A_786, %parallel_loop3A_787 : vector<16xf32>
          %parallel_loop3A_791 = arith.addf %parallel_loop3A_788, %parallel_loop3A_789 : vector<16xf32>
          %parallel_loop3A_792 = arith.addf %parallel_loop3A_790, %parallel_loop3A_791 : vector<16xf32>
          %parallel_loop3A_793 = arith.addf %parallel_loop3A_160, %parallel_loop3A_792 : vector<16xf32>
          %parallel_loop3A_794 = vector.bitcast %parallel_loop3A_769 : vector<16xf32> to vector<16xi32>
          %parallel_loop3A_795 = arith.constant 23 : i32
          %parallel_loop3A_796 = vector.broadcast %parallel_loop3A_795 : i32 to vector<16xi32>
          %parallel_loop3A_797 = arith.shrsi %parallel_loop3A_794, %parallel_loop3A_796 : vector<16xi32>
          %parallel_loop3A_798 = arith.constant 127 : i32
          %parallel_loop3A_799 = vector.broadcast %parallel_loop3A_798 : i32 to vector<16xi32>
          %parallel_loop3A_800 = arith.subi %parallel_loop3A_797, %parallel_loop3A_799 : vector<16xi32>
          %parallel_loop3A_801 = arith.constant 8388607 : i32
          %parallel_loop3A_802 = vector.broadcast %parallel_loop3A_801 : i32 to vector<16xi32>
          %parallel_loop3A_803 = arith.andi %parallel_loop3A_794, %parallel_loop3A_802 : vector<16xi32>
          %parallel_loop3A_804 = arith.constant 1065353216 : i32
          %parallel_loop3A_805 = vector.broadcast %parallel_loop3A_804 : i32 to vector<16xi32>
          %parallel_loop3A_806 = arith.ori %parallel_loop3A_803, %parallel_loop3A_805 : vector<16xi32>
          %parallel_loop3A_807 = vector.bitcast %parallel_loop3A_806 : vector<16xi32> to vector<16xf32>
          %parallel_loop3A_808 = arith.constant 1.41421354 : f32
          %parallel_loop3A_809 = vector.broadcast %parallel_loop3A_808 : f32 to vector<16xf32>
          %parallel_loop3A_810 = arith.cmpf ogt, %parallel_loop3A_807, %parallel_loop3A_809 : vector<16xf32>
          %parallel_loop3A_811 = arith.constant 5.000000e-01 : f32
          %parallel_loop3A_812 = vector.broadcast %parallel_loop3A_811 : f32 to vector<16xf32>
          %parallel_loop3A_813 = arith.mulf %parallel_loop3A_807, %parallel_loop3A_812 : vector<16xf32>
          %parallel_loop3A_814 = arith.select %parallel_loop3A_810, %parallel_loop3A_813, %parallel_loop3A_807 : vector<16xi1>, vector<16xf32>
          %parallel_loop3A_815 = arith.constant 1 : i32
          %parallel_loop3A_816 = vector.broadcast %parallel_loop3A_815 : i32 to vector<16xi32>
          %parallel_loop3A_817 = arith.addi %parallel_loop3A_800, %parallel_loop3A_816 : vector<16xi32>
          %parallel_loop3A_818 = arith.select %parallel_loop3A_810, %parallel_loop3A_817, %parallel_loop3A_800 : vector<16xi1>, vector<16xi32>
          %parallel_loop3A_819 = arith.sitofp %parallel_loop3A_818 : vector<16xi32> to vector<16xf32>
          %parallel_loop3A_820 = arith.constant 1.000000e+00 : f32
          %parallel_loop3A_821 = vector.broadcast %parallel_loop3A_820 : f32 to vector<16xf32>
          %parallel_loop3A_822 = arith.subf %parallel_loop3A_814, %parallel_loop3A_821 : vector<16xf32>
          %parallel_loop3A_823 = arith.constant 1.000000e+00 : f32
          %parallel_loop3A_824 = vector.broadcast %parallel_loop3A_823 : f32 to vector<16xf32>
          %parallel_loop3A_825 = arith.addf %parallel_loop3A_814, %parallel_loop3A_824 : vector<16xf32>
          %parallel_loop3A_826 = arith.divf %parallel_loop3A_822, %parallel_loop3A_825 : vector<16xf32>
          %parallel_loop3A_827 = arith.mulf %parallel_loop3A_826, %parallel_loop3A_826 : vector<16xf32>
          %parallel_loop3A_828 = arith.constant 0.222222224 : f32
          %parallel_loop3A_829 = vector.broadcast %parallel_loop3A_828 : f32 to vector<16xf32>
          %parallel_loop3A_830 = arith.mulf %parallel_loop3A_827, %parallel_loop3A_829 : vector<16xf32>
          %parallel_loop3A_831 = arith.constant 0.285714298 : f32
          %parallel_loop3A_832 = vector.broadcast %parallel_loop3A_831 : f32 to vector<16xf32>
          %parallel_loop3A_833 = arith.addf %parallel_loop3A_830, %parallel_loop3A_832 : vector<16xf32>
          %parallel_loop3A_834 = arith.mulf %parallel_loop3A_833, %parallel_loop3A_827 : vector<16xf32>
          %parallel_loop3A_835 = arith.constant 4.000000e-01 : f32
          %parallel_loop3A_836 = vector.broadcast %parallel_loop3A_835 : f32 to vector<16xf32>
          %parallel_loop3A_837 = arith.addf %parallel_loop3A_834, %parallel_loop3A_836 : vector<16xf32>
          %parallel_loop3A_838 = arith.mulf %parallel_loop3A_837, %parallel_loop3A_827 : vector<16xf32>
          %parallel_loop3A_839 = arith.constant 0.666666686 : f32
          %parallel_loop3A_840 = vector.broadcast %parallel_loop3A_839 : f32 to vector<16xf32>
          %parallel_loop3A_841 = arith.addf %parallel_loop3A_838, %parallel_loop3A_840 : vector<16xf32>
          %parallel_loop3A_842 = arith.mulf %parallel_loop3A_841, %parallel_loop3A_827 : vector<16xf32>
          %parallel_loop3A_843 = arith.constant 2.000000e+00 : f32
          %parallel_loop3A_844 = vector.broadcast %parallel_loop3A_843 : f32 to vector<16xf32>
          %parallel_loop3A_845 = arith.addf %parallel_loop3A_842, %parallel_loop3A_844 : vector<16xf32>
          %parallel_loop3A_846 = arith.constant 0.693147182 : f32
          %parallel_loop3A_847 = vector.broadcast %parallel_loop3A_846 : f32 to vector<16xf32>
          %parallel_loop3A_848 = arith.mulf %parallel_loop3A_819, %parallel_loop3A_847 : vector<16xf32>
          %parallel_loop3A_849 = arith.mulf %parallel_loop3A_826, %parallel_loop3A_845 : vector<16xf32>
          %parallel_loop3A_850 = arith.addf %parallel_loop3A_848, %parallel_loop3A_849 : vector<16xf32>
          %parallel_loop3A_851 = arith.addf %parallel_loop3A_158, %parallel_loop3A_850 : vector<16xf32>
          scf.yield %parallel_loop3A_777, %parallel_loop3A_851, %parallel_loop3A_785, %parallel_loop3A_793 : vector<16xf32>, vector<16xf32>, vector<16xf32>, vector<16xf32>
        } {sc.loop_unroll_factor = 2 : i64, sc.parallel_access}
        scf.yield %parallel_loop3A_155#0, %parallel_loop3A_155#1, %parallel_loop3A_155#2, %parallel_loop3A_155#3 : vector<16xf32>, vector<16xf32>, vector<16xf32>, vector<16xf32>
      }
      %scan3A_44 = arith.constant 8 : i32
      %reduce_sum3A = arith.constant true
      %reduce_sum3A_45 = vector.broadcast %reduce_sum3A : i1 to vector<16xi1>
      %reduce_sum3A_46 = tpu.scan <sum>, %scan3A_43#0 masked %reduce_sum3A_45 : vector<16xf32>, vector<16xi1> -> vector<16xf32>
      %reduce_sum3A_47 = vector.extract %reduce_sum3A_46[15] : f32 from vector<16xf32>
      %reduce_sum3A_48 = arith.constant true
      %reduce_sum3A_49 = vector.broadcast %reduce_sum3A_48 : i1 to vector<16xi1>
      %reduce_sum3A_50 = tpu.scan <sum>, %scan3A_43#1 masked %reduce_sum3A_49 : vector<16xf32>, vector<16xi1> -> vector<16xf32>
      %reduce_sum3A_51 = vector.extract %reduce_sum3A_50[15] : f32 from vector<16xf32>
      %reduce_sum3A_52 = arith.constant true
      %reduce_sum3A_53 = vector.broadcast %reduce_sum3A_52 : i1 to vector<16xi1>
      %reduce_sum3A_54 = tpu.scan <sum>, %scan3A_43#2 masked %reduce_sum3A_53 : vector<16xf32>, vector<16xi1> -> vector<16xf32>
      %reduce_sum3A_55 = vector.extract %reduce_sum3A_54[15] : f32 from vector<16xf32>
      %reduce_sum3A_56 = arith.constant true
      %reduce_sum3A_57 = vector.broadcast %reduce_sum3A_56 : i1 to vector<16xi1>
      %reduce_sum3A_58 = tpu.scan <sum>, %scan3A_43#3 masked %reduce_sum3A_57 : vector<16xf32>, vector<16xi1> -> vector<16xf32>
      %reduce_sum3A_59 = vector.extract %reduce_sum3A_58[15] : f32 from vector<16xf32>
      %eq3A = arith.constant 0 : i32
      %eq3A_60 = vector.broadcast %eq3A : i32 to vector<16xi32>
      %eq3A_61 = arith.cmpi eq, %iota3A, %eq3A_60 : vector<16xi32>
      %eq3A_62 = arith.constant 1 : i32
      %eq3A_63 = vector.broadcast %eq3A_62 : i32 to vector<16xi32>
      %eq3A_64 = arith.cmpi eq, %iota3A, %eq3A_63 : vector<16xi32>
      %eq3A_65 = arith.constant 2 : i32
      %eq3A_66 = vector.broadcast %eq3A_65 : i32 to vector<16xi32>
      %eq3A_67 = arith.cmpi eq, %iota3A, %eq3A_66 : vector<16xi32>
      %eq3A_68 = arith.constant 3 : i32
      %eq3A_69 = vector.broadcast %eq3A_68 : i32 to vector<16xi32>
      %eq3A_70 = arith.cmpi eq, %iota3A, %eq3A_69 : vector<16xi32>
      %jit3A = arith.constant 0.000000e+00 : f32
      %broadcast_in_dim3A_71 = vector.broadcast %reduce_sum3A_59 : f32 to vector<16xf32>
      %broadcast_in_dim3A_72 = vector.broadcast %jit3A : f32 to vector<16xf32>
      %select_n3A = arith.select %eq3A_70, %broadcast_in_dim3A_71, %broadcast_in_dim3A_72 : vector<16xi1>, vector<16xf32>
      %broadcast_in_dim3A_73 = vector.broadcast %reduce_sum3A_55 : f32 to vector<16xf32>
      %select_n3A_74 = arith.select %eq3A_67, %broadcast_in_dim3A_73, %select_n3A : vector<16xi1>, vector<16xf32>
      %broadcast_in_dim3A_75 = vector.broadcast %reduce_sum3A_51 : f32 to vector<16xf32>
      %select_n3A_76 = arith.select %eq3A_64, %broadcast_in_dim3A_75, %select_n3A_74 : vector<16xi1>, vector<16xf32>
      %broadcast_in_dim3A_77 = vector.broadcast %reduce_sum3A_47 : f32 to vector<16xf32>
      %select_n3A_78 = arith.select %eq3A_61, %broadcast_in_dim3A_77, %select_n3A_76 : vector<16xi1>, vector<16xf32>
      %swap3A = arith.constant 0 : index
      %swap3A_79 = tpu.vector_load %arg9[%swap3A] {strides = array<i32>} : memref<16xf32, #tpu.memory_space<vmem>>, vector<16xf32>,
      tpu.vector_store %arg9[%swap3A], %select_n3A_78 {strides = array<i32>} : memref<16xf32, #tpu.memory_space<vmem>>, vector<16xf32>,
      %barrier3A = arith.constant 0 : index
      tpu.barrier barrier_id(%barrier3A)
      %mul3A_80 = arith.constant 16 : i32
      %mul3A_81 = arith.muli %arg1, %mul3A_80 : i32
      "tpu.region"() ({
        %run_scoped3A = tpu.sem_alloc : memref<!tpu.dma_semaphore, #tpu.memory_space<semaphore_mem>>
        %dma_start3A_117 = tpu.memref_slice %arg11[%mul3A_81] : memref<256xf32, #tpu.memory_space<vmem_shared>> -> memref<16xf32, #tpu.memory_space<vmem_shared>>
        %dma_start3A_118 = tpu.memref_slice %arg11[%mul3A_81] : memref<256xf32, #tpu.memory_space<vmem_shared>> -> memref<16xf32, #tpu.memory_space<vmem_shared>>
        tpu.enqueue_dma source(%arg9 : memref<16xf32, #tpu.memory_space<vmem>>) target(%dma_start3A_118 : memref<16xf32, #tpu.memory_space<vmem_shared>>) target_semaphore(%run_scoped3A : memref<!tpu.dma_semaphore, #tpu.memory_space<semaphore_mem>>)
        %dma_wait3A = tpu.memref_slice %arg11[%mul3A_81] : memref<256xf32, #tpu.memory_space<vmem_shared>> -> memref<16xf32, #tpu.memory_space<vmem_shared>>
        %dma_wait3A_119 = tpu.memref_slice %arg11[%mul3A_81] : memref<256xf32, #tpu.memory_space<vmem_shared>> -> memref<16xf32, #tpu.memory_space<vmem_shared>>
        tpu.wait_dma2 semaphore(%run_scoped3A : memref<!tpu.dma_semaphore, #tpu.memory_space<semaphore_mem>>) src(%arg9 : memref<16xf32, #tpu.memory_space<vmem>>) dst(%dma_wait3A_119 : memref<16xf32, #tpu.memory_space<vmem_shared>>)
        tpu.yield
      }) : () -> ()
      %barrier3A_82 = arith.constant 0 : index
      tpu.barrier barrier_id(%barrier3A_82)
      "tpu.region"() ({
        %run_scoped3A = tpu.sem_alloc : memref<!tpu.dma_semaphore, #tpu.memory_space<semaphore_mem>>
        tpu.enqueue_dma source(%arg11 : memref<256xf32, #tpu.memory_space<vmem_shared>>) target(%arg10 : memref<256xf32, #tpu.memory_space<vmem>>) target_semaphore(%run_scoped3A : memref<!tpu.dma_semaphore, #tpu.memory_space<semaphore_mem>>)
        tpu.wait_dma2 semaphore(%run_scoped3A : memref<!tpu.dma_semaphore, #tpu.memory_space<semaphore_mem>>) src(%arg11 : memref<256xf32, #tpu.memory_space<vmem_shared>>) dst(%arg10 : memref<256xf32, #tpu.memory_space<vmem>>)
        tpu.yield
      }) : () -> ()
      %scan3A_83 = arith.constant 0 : i32
      %scan3A_84 = arith.constant 16 : i32
      %scan3A_85 = arith.addi %scan3A_83, %scan3A_84 : i32
      %scan3A_86 = arith.constant 1 : i32
      %scan3A_87 = scf.for %scan3A_117 = %scan3A_83 to %scan3A_85 step %scan3A_86 iter_args(%scan3A_118 = %broadcast_in_dim3A_1) -> (vector<16xf32>)  : i32 {
        %mul3A_119 = arith.constant 16 : i32
        %mul3A_120 = arith.muli %scan3A_117, %mul3A_119 : i32
        %get3A = arith.index_cast %mul3A_120 : i32 to index
        %get3A_121 = tpu.vector_load %arg10[%get3A] {strides = array<i32>} : memref<256xf32, #tpu.memory_space<vmem>>, vector<16xf32>,
        %add3A_122 = arith.addf %scan3A_118, %get3A_121 : vector<16xf32>
        scf.yield %add3A_122 : vector<16xf32>
      }
      %scan3A_88 = arith.constant 16 : i32
      %eq3A_89 = arith.constant 0 : i32
      %eq3A_90 = arith.cmpi eq, %arg1, %eq3A_89 : i32
      %convert_element_type3A = arith.extui %eq3A_90 : i1 to i32
      %cond3A = arith.constant 0 : i32
      %cond3A_91 = arith.cmpi ne, %convert_element_type3A, %cond3A : i32
      scf.if %cond3A_91 {
        %swap3A_117 = arith.constant 0 : index
        %swap3A_118 = tpu.vector_load %arg9[%swap3A_117] {strides = array<i32>} : memref<16xf32, #tpu.memory_space<vmem>>, vector<16xf32>,
        tpu.vector_store %arg9[%swap3A_117], %scan3A_87 {strides = array<i32>} : memref<16xf32, #tpu.memory_space<vmem>>, vector<16xf32>,
        "tpu.region"() ({
          %run_scoped3A = tpu.sem_alloc : memref<!tpu.dma_semaphore, #tpu.memory_space<semaphore_mem>>
          %dma_start3A_119 = arith.constant 0 : i32
          %dma_start3A_120 = tpu.memref_slice %arg5[%add3A, %dma_start3A_119] : memref<4x16xf32, #tpu.memory_space<hbm>> -> memref<1x16xf32, #tpu.memory_space<hbm>>
          %dma_start3A_121 = tpu.memref_squeeze %dma_start3A_120 : memref<1x16xf32, #tpu.memory_space<hbm>> -> memref<16xf32, #tpu.memory_space<hbm>>
          %dma_start3A_122 = arith.constant 0 : i32
          %dma_start3A_123 = tpu.memref_slice %arg5[%add3A, %dma_start3A_122] : memref<4x16xf32, #tpu.memory_space<hbm>> -> memref<1x16xf32, #tpu.memory_space<hbm>>
          %dma_start3A_124 = tpu.memref_squeeze %dma_start3A_123 : memref<1x16xf32, #tpu.memory_space<hbm>> -> memref<16xf32, #tpu.memory_space<hbm>>
          tpu.enqueue_dma source(%arg9 : memref<16xf32, #tpu.memory_space<vmem>>) target(%dma_start3A_124 : memref<16xf32, #tpu.memory_space<hbm>>) target_semaphore(%run_scoped3A : memref<!tpu.dma_semaphore, #tpu.memory_space<semaphore_mem>>)
          %dma_wait3A = arith.constant 0 : i32
          %dma_wait3A_125 = tpu.memref_slice %arg5[%add3A, %dma_wait3A] : memref<4x16xf32, #tpu.memory_space<hbm>> -> memref<1x16xf32, #tpu.memory_space<hbm>>
          %dma_wait3A_126 = tpu.memref_squeeze %dma_wait3A_125 : memref<1x16xf32, #tpu.memory_space<hbm>> -> memref<16xf32, #tpu.memory_space<hbm>>
          %dma_wait3A_127 = arith.constant 0 : i32
          %dma_wait3A_128 = tpu.memref_slice %arg5[%add3A, %dma_wait3A_127] : memref<4x16xf32, #tpu.memory_space<hbm>> -> memref<1x16xf32, #tpu.memory_space<hbm>>
          %dma_wait3A_129 = tpu.memref_squeeze %dma_wait3A_128 : memref<1x16xf32, #tpu.memory_space<hbm>> -> memref<16xf32, #tpu.memory_space<hbm>>
          tpu.wait_dma2 semaphore(%run_scoped3A : memref<!tpu.dma_semaphore, #tpu.memory_space<semaphore_mem>>) src(%arg9 : memref<16xf32, #tpu.memory_space<vmem>>) dst(%dma_wait3A_129 : memref<16xf32, #tpu.memory_space<hbm>>)
          tpu.yield
        }) : () -> ()
      } else {
      }
      %eq3A_92 = arith.constant 2 : i32
      %eq3A_93 = vector.broadcast %eq3A_92 : i32 to vector<16xi32>
      %eq3A_94 = arith.cmpi eq, %iota3A, %eq3A_93 : vector<16xi32>
      %jit3A_95 = arith.constant 0.000000e+00 : f32
      %broadcast_in_dim3A_96 = vector.broadcast %jit3A_95 : f32 to vector<16xf32>
      %select_n3A_97 = arith.select %eq3A_94, %scan3A_87, %broadcast_in_dim3A_96 : vector<16xi1>, vector<16xf32>
      %reduce_sum3A_98 = arith.constant true
      %reduce_sum3A_99 = vector.broadcast %reduce_sum3A_98 : i1 to vector<16xi1>
      %reduce_sum3A_100 = tpu.scan <sum>, %select_n3A_97 masked %reduce_sum3A_99 : vector<16xf32>, vector<16xi1> -> vector<16xf32>
      %reduce_sum3A_101 = vector.extract %reduce_sum3A_100[15] : f32 from vector<16xf32>
      %broadcast_in_dim3A_102 = arith.constant 1.000000e+00 : f32
      %broadcast_in_dim3A_103 = vector.broadcast %broadcast_in_dim3A_102 : f32 to vector<16xf32>
      %broadcast_in_dim3A_104 = vector.broadcast %reduce_sum3A_101 : f32 to vector<16xf32>
      %div3A = arith.divf %broadcast_in_dim3A_103, %broadcast_in_dim3A_104 : vector<16xf32>
      %scan3A_105 = arith.constant 0 : i32
      %scan3A_106 = arith.constant 0 : i32
      %scan3A_107 = arith.constant 8 : i32
      %scan3A_108 = arith.addi %scan3A_106, %scan3A_107 : i32
      %scan3A_109 = arith.constant 1 : i32
      scf.for %scan3A_117 = %scan3A_106 to %scan3A_108 step %scan3A_109  : i32 {
        %scan3A_118 = arith.constant 0 : i32
        %scan3A_119 = arith.constant 0 : i32
        %scan3A_120 = arith.constant 64 : i32
        %scan3A_121 = arith.addi %scan3A_119, %scan3A_120 : i32
        %scan3A_122 = arith.constant 1 : i32
        scf.for %scan3A_135 = %scan3A_119 to %scan3A_121 step %scan3A_122  : i32 {
          %mul3A_136 = arith.constant 8192 : i32
          %mul3A_137 = arith.muli %scan3A_117, %mul3A_136 : i32
          %mul3A_138 = arith.constant 128 : i32
          %mul3A_139 = arith.muli %scan3A_135, %mul3A_138 : i32
          %add3A_140 = arith.addi %mul3A_137, %mul3A_139 : i32
          %add3A_141 = arith.constant 0 : i32
          %add3A_142 = arith.addi %add3A_140, %add3A_141 : i32
          %get3A = arith.index_cast %add3A_142 : i32 to index
          %get3A_143 = tpu.vector_load %arg6[%get3A] {strides = array<i32>} : memref<65536xf32, #tpu.memory_space<vmem>>, vector<16xf32>,
          %mul3A_144 = arith.mulf %get3A_143, %div3A : vector<16xf32>
          %swap3A_145 = arith.index_cast %add3A_142 : i32 to index
          %swap3A_146 = tpu.vector_load %arg6[%swap3A_145] {strides = array<i32>} : memref<65536xf32, #tpu.memory_space<vmem>>, vector<16xf32>,
          tpu.vector_store %arg6[%swap3A_145], %mul3A_144 {strides = array<i32>} : memref<65536xf32, #tpu.memory_space<vmem>>, vector<16xf32>,
          %add3A_147 = arith.constant 16 : i32
          %add3A_148 = arith.addi %add3A_140, %add3A_147 : i32
          %get3A_149 = arith.index_cast %add3A_148 : i32 to index
          %get3A_150 = tpu.vector_load %arg6[%get3A_149] {strides = array<i32>} : memref<65536xf32, #tpu.memory_space<vmem>>, vector<16xf32>,
          %mul3A_151 = arith.mulf %get3A_150, %div3A : vector<16xf32>
          %swap3A_152 = arith.index_cast %add3A_148 : i32 to index
          %swap3A_153 = tpu.vector_load %arg6[%swap3A_152] {strides = array<i32>} : memref<65536xf32, #tpu.memory_space<vmem>>, vector<16xf32>,
          tpu.vector_store %arg6[%swap3A_152], %mul3A_151 {strides = array<i32>} : memref<65536xf32, #tpu.memory_space<vmem>>, vector<16xf32>,
          %add3A_154 = arith.constant 32 : i32
          %add3A_155 = arith.addi %add3A_140, %add3A_154 : i32
          %get3A_156 = arith.index_cast %add3A_155 : i32 to index
          %get3A_157 = tpu.vector_load %arg6[%get3A_156] {strides = array<i32>} : memref<65536xf32, #tpu.memory_space<vmem>>, vector<16xf32>,
          %mul3A_158 = arith.mulf %get3A_157, %div3A : vector<16xf32>
          %swap3A_159 = arith.index_cast %add3A_155 : i32 to index
          %swap3A_160 = tpu.vector_load %arg6[%swap3A_159] {strides = array<i32>} : memref<65536xf32, #tpu.memory_space<vmem>>, vector<16xf32>,
          tpu.vector_store %arg6[%swap3A_159], %mul3A_158 {strides = array<i32>} : memref<65536xf32, #tpu.memory_space<vmem>>, vector<16xf32>,
          %add3A_161 = arith.constant 48 : i32
          %add3A_162 = arith.addi %add3A_140, %add3A_161 : i32
          %get3A_163 = arith.index_cast %add3A_162 : i32 to index
          %get3A_164 = tpu.vector_load %arg6[%get3A_163] {strides = array<i32>} : memref<65536xf32, #tpu.memory_space<vmem>>, vector<16xf32>,
          %mul3A_165 = arith.mulf %get3A_164, %div3A : vector<16xf32>
          %swap3A_166 = arith.index_cast %add3A_162 : i32 to index
          %swap3A_167 = tpu.vector_load %arg6[%swap3A_166] {strides = array<i32>} : memref<65536xf32, #tpu.memory_space<vmem>>, vector<16xf32>,
          tpu.vector_store %arg6[%swap3A_166], %mul3A_165 {strides = array<i32>} : memref<65536xf32, #tpu.memory_space<vmem>>, vector<16xf32>,
          %add3A_168 = arith.constant 64 : i32
          %add3A_169 = arith.addi %add3A_140, %add3A_168 : i32
          %get3A_170 = arith.index_cast %add3A_169 : i32 to index
          %get3A_171 = tpu.vector_load %arg6[%get3A_170] {strides = array<i32>} : memref<65536xf32, #tpu.memory_space<vmem>>, vector<16xf32>,
          %mul3A_172 = arith.mulf %get3A_171, %div3A : vector<16xf32>
          %swap3A_173 = arith.index_cast %add3A_169 : i32 to index
          %swap3A_174 = tpu.vector_load %arg6[%swap3A_173] {strides = array<i32>} : memref<65536xf32, #tpu.memory_space<vmem>>, vector<16xf32>,
          tpu.vector_store %arg6[%swap3A_173], %mul3A_172 {strides = array<i32>} : memref<65536xf32, #tpu.memory_space<vmem>>, vector<16xf32>,
          %add3A_175 = arith.constant 80 : i32
          %add3A_176 = arith.addi %add3A_140, %add3A_175 : i32
          %get3A_177 = arith.index_cast %add3A_176 : i32 to index
          %get3A_178 = tpu.vector_load %arg6[%get3A_177] {strides = array<i32>} : memref<65536xf32, #tpu.memory_space<vmem>>, vector<16xf32>,
          %mul3A_179 = arith.mulf %get3A_178, %div3A : vector<16xf32>
          %swap3A_180 = arith.index_cast %add3A_176 : i32 to index
          %swap3A_181 = tpu.vector_load %arg6[%swap3A_180] {strides = array<i32>} : memref<65536xf32, #tpu.memory_space<vmem>>, vector<16xf32>,
          tpu.vector_store %arg6[%swap3A_180], %mul3A_179 {strides = array<i32>} : memref<65536xf32, #tpu.memory_space<vmem>>, vector<16xf32>,
          %add3A_182 = arith.constant 96 : i32
          %add3A_183 = arith.addi %add3A_140, %add3A_182 : i32
          %get3A_184 = arith.index_cast %add3A_183 : i32 to index
          %get3A_185 = tpu.vector_load %arg6[%get3A_184] {strides = array<i32>} : memref<65536xf32, #tpu.memory_space<vmem>>, vector<16xf32>,
          %mul3A_186 = arith.mulf %get3A_185, %div3A : vector<16xf32>
          %swap3A_187 = arith.index_cast %add3A_183 : i32 to index
          %swap3A_188 = tpu.vector_load %arg6[%swap3A_187] {strides = array<i32>} : memref<65536xf32, #tpu.memory_space<vmem>>, vector<16xf32>,
          tpu.vector_store %arg6[%swap3A_187], %mul3A_186 {strides = array<i32>} : memref<65536xf32, #tpu.memory_space<vmem>>, vector<16xf32>,
          %add3A_189 = arith.constant 112 : i32
          %add3A_190 = arith.addi %add3A_140, %add3A_189 : i32
          %get3A_191 = arith.index_cast %add3A_190 : i32 to index
          %get3A_192 = tpu.vector_load %arg6[%get3A_191] {strides = array<i32>} : memref<65536xf32, #tpu.memory_space<vmem>>, vector<16xf32>,
          %mul3A_193 = arith.mulf %get3A_192, %div3A : vector<16xf32>
          %swap3A_194 = arith.index_cast %add3A_190 : i32 to index
          %swap3A_195 = tpu.vector_load %arg6[%swap3A_194] {strides = array<i32>} : memref<65536xf32, #tpu.memory_space<vmem>>, vector<16xf32>,
          tpu.vector_store %arg6[%swap3A_194], %mul3A_193 {strides = array<i32>} : memref<65536xf32, #tpu.memory_space<vmem>>, vector<16xf32>,
        }
        %scan3A_123 = arith.constant 64 : i32
        %mul3A_124 = arith.constant 8192 : i32
        %mul3A_125 = arith.muli %scan3A_117, %mul3A_124 : i32
        %mul3A_126 = arith.constant 8192 : i32
        %mul3A_127 = arith.muli %scan3A_117, %mul3A_126 : i32
        %add3A_128 = arith.addi %mul3A_0, %mul3A_127 : i32
        %dma_start3A_129 = tpu.memref_slice %arg6[%mul3A_125] : memref<65536xf32, #tpu.memory_space<vmem>> -> memref<8192xf32, #tpu.memory_space<vmem>>
        %dma_start3A_130 = tpu.memref_slice %arg4[%add3A, %add3A_128] : memref<4x1048576xf32, #tpu.memory_space<hbm>> -> memref<1x8192xf32, #tpu.memory_space<hbm>>
        %dma_start3A_131 = tpu.memref_squeeze %dma_start3A_130 : memref<1x8192xf32, #tpu.memory_space<hbm>> -> memref<8192xf32, #tpu.memory_space<hbm>>
        %dma_start3A_132 = tpu.memref_slice %arg4[%add3A, %add3A_128] : memref<4x1048576xf32, #tpu.memory_space<hbm>> -> memref<1x8192xf32, #tpu.memory_space<hbm>>
        %dma_start3A_133 = tpu.memref_squeeze %dma_start3A_132 : memref<1x8192xf32, #tpu.memory_space<hbm>> -> memref<8192xf32, #tpu.memory_space<hbm>>
        %dma_start3A_134 = tpu.memref_slice %arg6[%mul3A_125] : memref<65536xf32, #tpu.memory_space<vmem>> -> memref<8192xf32, #tpu.memory_space<vmem>>
        tpu.enqueue_dma source(%dma_start3A_134 : memref<8192xf32, #tpu.memory_space<vmem>>) target(%dma_start3A_133 : memref<8192xf32, #tpu.memory_space<hbm>>) target_semaphore(%arg14 : memref<!tpu.dma_semaphore, #tpu.memory_space<semaphore_mem>>)
      }
      %scan3A_110 = arith.constant 8 : i32
      %scan3A_111 = arith.constant 0 : i32
      %scan3A_112 = arith.constant 0 : i32
      %scan3A_113 = arith.constant 8 : i32
      %scan3A_114 = arith.addi %scan3A_112, %scan3A_113 : i32
      %scan3A_115 = arith.constant 1 : i32
      scf.for %scan3A_117 = %scan3A_112 to %scan3A_114 step %scan3A_115  : i32 {
        %mul3A_118 = arith.constant 8192 : i32
        %mul3A_119 = arith.muli %scan3A_117, %mul3A_118 : i32
        %mul3A_120 = arith.constant 8192 : i32
        %mul3A_121 = arith.muli %scan3A_117, %mul3A_120 : i32
        %add3A_122 = arith.addi %mul3A_0, %mul3A_121 : i32
        %dma_wait3A = tpu.memref_slice %arg6[%mul3A_119] : memref<65536xf32, #tpu.memory_space<vmem>> -> memref<8192xf32, #tpu.memory_space<vmem>>
        %dma_wait3A_123 = tpu.memref_slice %arg4[%add3A, %add3A_122] : memref<4x1048576xf32, #tpu.memory_space<hbm>> -> memref<1x8192xf32, #tpu.memory_space<hbm>>
        %dma_wait3A_124 = tpu.memref_squeeze %dma_wait3A_123 : memref<1x8192xf32, #tpu.memory_space<hbm>> -> memref<8192xf32, #tpu.memory_space<hbm>>
        %dma_wait3A_125 = tpu.memref_slice %arg4[%add3A, %add3A_122] : memref<4x1048576xf32, #tpu.memory_space<hbm>> -> memref<1x8192xf32, #tpu.memory_space<hbm>>
        %dma_wait3A_126 = tpu.memref_squeeze %dma_wait3A_125 : memref<1x8192xf32, #tpu.memory_space<hbm>> -> memref<8192xf32, #tpu.memory_space<hbm>>
        %dma_wait3A_127 = tpu.memref_slice %arg6[%mul3A_119] : memref<65536xf32, #tpu.memory_space<vmem>> -> memref<8192xf32, #tpu.memory_space<vmem>>
        tpu.wait_dma2 semaphore(%arg14 : memref<!tpu.dma_semaphore, #tpu.memory_space<semaphore_mem>>) src(%dma_wait3A_127 : memref<8192xf32, #tpu.memory_space<vmem>>) dst(%dma_wait3A_126 : memref<8192xf32, #tpu.memory_space<hbm>>)
      }
      %scan3A_116 = arith.constant 8 : i32
    }
    %scan3A_6 = arith.constant 2 : i32
    return
  }
}

module attributes {stable_mosaic.version = 14 : i64} {
  func.func @_tc_body(%arg0: i32, %arg1: memref<8192x128xf32, #tpu.memory_space<vmem>>, %arg2: memref<8192x128xf32, #tpu.memory_space<vmem>>, %arg3: memref<8192x128xf32, #tpu.memory_space<vmem>>, %arg4: memref<1x1x128xf32, #tpu.memory_space<vmem>>) attributes {dimension_semantics = [#tpu.dimension_semantics<arbitrary>], iteration_bounds = array<i64: 12>, scalar_prefetch = 0 : i64, scratch_operands = 0 : i64, tpu.core_type = #tpu.core_type<tc>, window_params = [{transform_indices = @transform_0, window_bounds = array<i64: 8192, 128>}, {pipeline_mode = #tpu.pipeline_mode<synchronous>, transform_indices = @transform_1, window_bounds = array<i64: 8192, 128>}, {transform_indices = @transform_2, window_bounds = array<i64: 8192, 128>}, {transform_indices = @transform_3, window_bounds = array<i64: 1, 1, 128>}]} {
    %get3A = arith.constant 0 : index
    %get3A_0 = arith.constant 0 : index
    %get3A_1 = vector.load %arg1[%get3A, %get3A_0] : memref<8192x128xf32, #tpu.memory_space<vmem>>, vector<8192x128xf32>
    %get3A_2 = arith.constant 0 : index
    %get3A_3 = arith.constant 0 : index
    %get3A_4 = vector.load %arg2[%get3A_2, %get3A_3] : memref<8192x128xf32, #tpu.memory_space<vmem>>, vector<8192x128xf32>
    %log3A = math.log %get3A_1 : vector<8192x128xf32>
    %neg3A = arith.constant 0.000000e+00 : f32
    %neg3A_5 = vector.broadcast %neg3A : f32 to vector<8192x128xf32>
    %neg3A_6 = arith.subf %neg3A_5, %log3A : vector<8192x128xf32>
    %log3A_7 = math.log %neg3A_6 : vector<8192x128xf32>
    %sub3A = arith.subf %get3A_4, %log3A_7 : vector<8192x128xf32>
    %mul3A = arith.constant 2.000000e+00 : f32
    %mul3A_8 = vector.broadcast %mul3A : f32 to vector<8192x128xf32>
    %mul3A_9 = arith.mulf %sub3A, %mul3A_8 : vector<8192x128xf32>
    %exp3A = math.exp %mul3A_9 : vector<8192x128xf32>
    %reduce_sum3A = vector.shape_cast %exp3A : vector<8192x128xf32> to vector<1x8192x128xf32>
    %reduce_sum3A_10 = arith.constant dense<0.000000e+00> : vector<1xf32>
    %reduce_sum3A_11 = vector.multi_reduction <add>, %reduce_sum3A, %reduce_sum3A_10 [1, 2] : vector<1x8192x128xf32> to vector<1xf32>
    %reduce_sum3A_12 = vector.shape_cast %reduce_sum3A_11 : vector<1xf32> to vector<1x1x1xf32>
    %reduce_sum3A_13 = vector.extract %reduce_sum3A_12[0, 0, 0] : f32 from vector<1x1x1xf32>
    %div3A = arith.constant 1.000000e+00 : f32
    %div3A_14 = arith.divf %div3A, %reduce_sum3A_13 : f32
    %mul3A_15 = vector.broadcast %div3A_14 : f32 to vector<8192x128xf32>
    %mul3A_16 = arith.mulf %exp3A, %mul3A_15 : vector<8192x128xf32>
    %swap3A = arith.constant 0 : index
    %swap3A_17 = arith.constant 0 : index
    %swap3A_18 = vector.load %arg3[%swap3A, %swap3A_17] : memref<8192x128xf32, #tpu.memory_space<vmem>>, vector<8192x128xf32>
    tpu.vector_store %arg3[%swap3A, %swap3A_17], %mul3A_16 {strides = array<i32>} : memref<8192x128xf32, #tpu.memory_space<vmem>>, vector<8192x128xf32>,
    %reduce_sum3A_19 = vector.shape_cast %neg3A_6 : vector<8192x128xf32> to vector<1x8192x128xf32>
    %reduce_sum3A_20 = arith.constant dense<0.000000e+00> : vector<1xf32>
    %reduce_sum3A_21 = vector.multi_reduction <add>, %reduce_sum3A_19, %reduce_sum3A_20 [1, 2] : vector<1x8192x128xf32> to vector<1xf32>
    %reduce_sum3A_22 = vector.shape_cast %reduce_sum3A_21 : vector<1xf32> to vector<1x1x1xf32>
    %reduce_sum3A_23 = vector.extract %reduce_sum3A_22[0, 0, 0] : f32 from vector<1x1x1xf32>
    %reduce_sum3A_24 = vector.shape_cast %log3A_7 : vector<8192x128xf32> to vector<1x8192x128xf32>
    %reduce_sum3A_25 = arith.constant dense<0.000000e+00> : vector<1xf32>
    %reduce_sum3A_26 = vector.multi_reduction <add>, %reduce_sum3A_24, %reduce_sum3A_25 [1, 2] : vector<1x8192x128xf32> to vector<1xf32>
    %reduce_sum3A_27 = vector.shape_cast %reduce_sum3A_26 : vector<1xf32> to vector<1x1x1xf32>
    %reduce_sum3A_28 = vector.extract %reduce_sum3A_27[0, 0, 0] : f32 from vector<1x1x1xf32>
    %reduce_sum3A_29 = vector.shape_cast %get3A_4 : vector<8192x128xf32> to vector<1x8192x128xf32>
    %reduce_sum3A_30 = arith.constant dense<0.000000e+00> : vector<1xf32>
    %reduce_sum3A_31 = vector.multi_reduction <add>, %reduce_sum3A_29, %reduce_sum3A_30 [1, 2] : vector<1x8192x128xf32> to vector<1xf32>
    %reduce_sum3A_32 = vector.shape_cast %reduce_sum3A_31 : vector<1xf32> to vector<1x1x1xf32>
    %reduce_sum3A_33 = vector.extract %reduce_sum3A_32[0, 0, 0] : f32 from vector<1x1x1xf32>
    %iota3A = tpu.iota {dimensions = array<i32: 2>} : vector<1x1x128xi32>
    %eq3A = arith.constant 0 : i32
    %eq3A_34 = vector.broadcast %eq3A : i32 to vector<1x1x128xi32>
    %eq3A_35 = arith.cmpi eq, %iota3A, %eq3A_34 : vector<1x1x128xi32>
    %eq3A_36 = arith.constant 1 : i32
    %eq3A_37 = vector.broadcast %eq3A_36 : i32 to vector<1x1x128xi32>
    %eq3A_38 = arith.cmpi eq, %iota3A, %eq3A_37 : vector<1x1x128xi32>
    %eq3A_39 = arith.constant 2 : i32
    %eq3A_40 = vector.broadcast %eq3A_39 : i32 to vector<1x1x128xi32>
    %eq3A_41 = arith.cmpi eq, %iota3A, %eq3A_40 : vector<1x1x128xi32>
    %eq3A_42 = arith.constant 3 : i32
    %eq3A_43 = vector.broadcast %eq3A_42 : i32 to vector<1x1x128xi32>
    %eq3A_44 = arith.cmpi eq, %iota3A, %eq3A_43 : vector<1x1x128xi32>
    %jit3A = arith.constant 0.000000e+00 : f32
    %broadcast_in_dim3A = vector.broadcast %reduce_sum3A_33 : f32 to vector<1x1x128xf32>
    %broadcast_in_dim3A_45 = vector.broadcast %jit3A : f32 to vector<1x1x128xf32>
    %select_n3A = arith.select %eq3A_44, %broadcast_in_dim3A, %broadcast_in_dim3A_45 : vector<1x1x128xi1>, vector<1x1x128xf32>
    %broadcast_in_dim3A_46 = vector.broadcast %reduce_sum3A_13 : f32 to vector<1x1x128xf32>
    %select_n3A_47 = arith.select %eq3A_41, %broadcast_in_dim3A_46, %select_n3A : vector<1x1x128xi1>, vector<1x1x128xf32>
    %broadcast_in_dim3A_48 = vector.broadcast %reduce_sum3A_28 : f32 to vector<1x1x128xf32>
    %select_n3A_49 = arith.select %eq3A_38, %broadcast_in_dim3A_48, %select_n3A_47 : vector<1x1x128xi1>, vector<1x1x128xf32>
    %broadcast_in_dim3A_50 = vector.broadcast %reduce_sum3A_23 : f32 to vector<1x1x128xf32>
    %select_n3A_51 = arith.select %eq3A_35, %broadcast_in_dim3A_50, %select_n3A_49 : vector<1x1x128xi1>, vector<1x1x128xf32>
    %swap3A_52 = arith.constant 0 : index
    %swap3A_53 = arith.constant 0 : index
    %swap3A_54 = arith.constant 0 : index
    %swap3A_55 = vector.load %arg4[%swap3A_52, %swap3A_53, %swap3A_54] : memref<1x1x128xf32, #tpu.memory_space<vmem>>, vector<1x1x128xf32>
    tpu.vector_store %arg4[%swap3A_52, %swap3A_53, %swap3A_54], %select_n3A_51 {strides = array<i32>} : memref<1x1x128xf32, #tpu.memory_space<vmem>>, vector<1x1x128xf32>,
    return
  }
  func.func @transform_0(%arg0: i32) -> (i32, i32) {
    %c0_i32 = arith.constant 0 : i32
    %c0_i32_0 = arith.constant 0 : i32
    return %arg0, %c0_i32 : i32, i32
  }
  func.func @transform_1(%arg0: i32) -> (i32, i32) {
    %c0_i32 = arith.constant 0 : i32
    %c0_i32_0 = arith.constant 0 : i32
    %c0_i32_1 = arith.constant 0 : i32
    return %c0_i32, %c0_i32_0 : i32, i32
  }
  func.func @transform_2(%arg0: i32) -> (i32, i32) {
    %c0_i32 = arith.constant 0 : i32
    %c0_i32_0 = arith.constant 0 : i32
    return %arg0, %c0_i32 : i32, i32
  }
  func.func @transform_3(%arg0: i32) -> (i32, i32, i32) {
    %c0_i32 = arith.constant 0 : i32
    %c0_i32_0 = arith.constant 0 : i32
    %c0_i32_1 = arith.constant 0 : i32
    return %arg0, %c0_i32, %c0_i32_0 : i32, i32, i32
  }
}

</mosaic_0001>

<sc_bundles>
// kernel: kernel.4.cloned.1.call-start
scs
__scs_entry_jumppad:
0x0: {  	(pc) =	sbr.rel $0x88, $3  }
0x1: {  	(tag) =	ssettag $0x0;
	lr =	simm.s32 $0x1  }
0x2: {  	[smem:$0x3F9F] =	sst lr;
	_ =	strace $0xD0000000  }
0x3: {  	_ = 	snop  }
0x4: {  	_ = 	snop  }
0x5: {  	_ = 	snop  }
0x6: {  	_ = 	snop  }
0x7: {  	_ = 	snop  }
__scs_overlays_trampoline_lowered:
0x8: {  	[smem:$0x3FAE] =	sst s0  }
0x9: {  	[smem:$0x3FAF] =	sst s1  }
0xa: {  	[smem:$0x3FB0] =	sst s2  }
0xb: {  	[smem:$0x3FB1] =	sst s3  }
0xc: {  	[smem:$0x3FB2] =	sst s4  }
0xd: {  	[smem:$0x3FB3] =	sst s5  }
0xe: {  	[smem:$0x3FB4] =	sst s6  }
0xf: {  	[smem:$0x3FB5] =	sst s7  }
0x10: {  	[smem:$0x3FB6] =	sst s8  }
0x11: {  	[smem:$0x3FB7] =	sst s9;
	s0 =	simm.s32 @!p0 $0x0  }
0x12: {  	s1 =	sld [smem:$0x3F9D];
	s0 =	simm.s32 @p0 $0x1  }
0x13: {  	[smem:$0x3FB8] =	sst s0;
	s0 =	simm.s32 @!p1 $0x0  }
0x14: {  	s2 =	sld [smem:$0x3F9C];
	s0 =	simm.s32 @p1 $0x1  }
0x15: {  	[smem:$0x3FB9] =	sst s0;
	s0 =	simm.s32 @!p2 $0x0  }
0x16: {  	s3 =	sld [smem:$0x3FDB];
	s0 =	simm.s32 @p2 $0x1  }
0x17: {  	s4 =	simm.s32 $0x1BF5;
	[smem:$0x3FBB] =	sst s0  }
0x18: {  	s0 =	sld [smem:$0x3F9E];
	_ =	swait.ge [sflag:s4], $0x0  }
0x19: {  	s7 =	sld [smem:$0x3F9F]  }
0x1a: {  	s8 =	sadd.s32 $0xFFFFE003, lr  }
0x1b: {  	s9 =	sadd.s32 $0xFFFFFEF7, lr;
	s5 =	simm.s32 $0xFFFFFFFF;
	p2 =	slt.u32 s8, $0xFFFFF086  }
0x1c: {  	p1 =	slt.u32 s9, $0xF7A;
	s5 =	simm.s32 @!p2 $0x0  }
0x1d: {  	s5 =	simm.s32 @p1 $0x1;
	p0 =	seq.s32 s7, s2  }
0x1e: {  	s7 =	smul.u32 @!p0 $0xF7A, s2;
	p2 =	seq.s32 @!p0 s5, $0x0  }
0x1f: {  	s9 =	smul.u32 $0xF7A, s1;
	s8 =	simm.s32 @!p0 $0x1BF5;
	p2 =	por !p2, p0  }
0x20: {  	[sflag:s8] =	ssyncset.s32 @!p0 $0xFFFFF086;
	s6 =	sadd.s32 @!p0 s3, s7;
	s7 =	simm.s32 @!p0 $0x108  }
0x21: {  	s3 =	sadd.s32 s3, s9;
	s6 =	sadd.s32 @!p0 $0x88, s6;
	s7 =	simm.s32 @p2 $0x1082  }
0x22: {  	[simem:s7], [sflag:s8] =	dma.local @!p0 [hbm:s6], $0xF7A  }
0x23: {  	s9 =	sor.u32 $0xD0000000, s2;
	s6 =	simm.s32 $0x108;
	_ =	swait.ge @!p0 [sflag:s8], $0x0  }
0x24: {  	s3 =	sadd.s32 $0x88, s3;
	s6 =	simm.s32 @!p1 $0x1082;
	[sflag:s4] =	ssyncset.s32 $0xFFFFF086  }
0x25: {  	[simem:s6], [sflag:s4] =	dma.local [hbm:s3], $0xF7A  }
0x26: {  	[smem:$0x3F9F] =	sst s1;
	(tag) =	ssettag s2;
	_ =	strace s9  }
0x27: {  	s1 =	sld [smem:$0x3FAF]  }
0x28: {  	s2 =	sld [smem:$0x3FB0]  }
0x29: {  	s4 =	sld [smem:$0x3FB2]  }
0x2a: {  	p0 =	seq.s32 s5, $0x0;
	s5 =	sld [smem:$0x3FB3]  }
0x2b: {  	s6 =	sld [smem:$0x3FB4]  }
0x2c: {  	s7 =	sld [smem:$0x3FB5]  }
0x2d: {  	s3 =	simm.s32 $0x108;
	s8 =	sld [smem:$0x3FB6]  }
0x2e: {  	s3 =	simm.s32 @!p0 $0x1082;
	s9 =	sld [smem:$0x3FB7]  }
0x2f: {  	lr =	sadd.s32 s0, s3;
	s0 =	sld [smem:$0x3FAE]  }
0x30: {  	s3 =	sld [smem:$0x3FB1]  }
0x31: {  	[smem:$0x3FBA] =	sst s10  }
0x32: {  	s10 =	sld [smem:$0x3FB8];
	_ =	sdelay $0x3  }
0x33: {  	p0 =	seq.s32 s10, $0x1;
	s10 =	sld [smem:$0x3FBA];
	_ =	sdelay $0x3  }
0x34: {  	[smem:$0x3FBA] =	sst s10  }
0x35: {  	s10 =	sld [smem:$0x3FB9];
	_ =	sdelay $0x3  }
0x36: {  	p1 =	seq.s32 s10, $0x1;
	s10 =	sld [smem:$0x3FBA];
	_ =	sdelay $0x3  }
0x37: {  	[smem:$0x3FBA] =	sst s10  }
0x38: {  	s10 =	sld [smem:$0x3FBB]  }
0x39: {  	_ = 	snop;
	(pc) =	sbr.ind lr, $3  }
0x3a: {  	_ = 	snop  }
0x3b: {  	_ = 	snop  }
0x3c: {  	p2 =	seq.s32 s10, $0x1;
	s10 =	sld [smem:$0x3FBA]  }
0x3d: {  	_ =	shalt  }
0x3e: {  	_ =	shalt  }
0x3f: {  	_ =	shalt  }
0x40: {  	_ =	shalt  }
0x41: {  	_ =	shalt  }
0x42: {  	_ =	shalt  }
0x43: {  	_ =	shalt  }
0x44: {  	_ =	shalt  }
0x45: {  	_ =	shalt  }
0x46: {  	_ =	shalt  }
0x47: {  	_ =	shalt  }
0x48: {  	_ =	shalt  }
0x49: {  	_ =	shalt  }
0x4a: {  	_ =	shalt  }
0x4b: {  	_ =	shalt  }
0x4c: {  	_ =	shalt  }
0x4d: {  	_ =	shalt  }
0x4e: {  	_ =	shalt  }
0x4f: {  	_ =	shalt  }
0x50: {  	_ =	shalt  }
0x51: {  	_ =	shalt  }
0x52: {  	_ =	shalt  }
0x53: {  	_ =	shalt  }
0x54: {  	_ =	shalt  }
0x55: {  	_ =	shalt  }
0x56: {  	_ =	shalt  }
0x57: {  	_ =	shalt  }
0x58: {  	_ =	shalt  }
0x59: {  	_ =	shalt  }
0x5a: {  	_ =	shalt  }
0x5b: {  	_ =	shalt  }
0x5c: {  	_ =	shalt  }
0x5d: {  	_ =	shalt  }
0x5e: {  	_ =	shalt  }
0x5f: {  	_ =	shalt  }
0x60: {  	_ =	shalt  }
0x61: {  	_ =	shalt  }
0x62: {  	_ =	shalt  }
0x63: {  	_ =	shalt  }
0x64: {  	_ =	shalt  }
0x65: {  	_ =	shalt  }
0x66: {  	_ =	shalt  }
0x67: {  	_ =	shalt  }
0x68: {  	_ =	shalt  }
0x69: {  	_ =	shalt  }
0x6a: {  	_ =	shalt  }
0x6b: {  	_ =	shalt  }
0x6c: {  	_ =	shalt  }
0x6d: {  	_ =	shalt  }
0x6e: {  	_ =	shalt  }
0x6f: {  	_ =	shalt  }
0x70: {  	_ =	shalt  }
0x71: {  	_ =	shalt  }
0x72: {  	_ =	shalt  }
0x73: {  	_ =	shalt  }
0x74: {  	_ =	shalt  }
0x75: {  	_ =	shalt  }
0x76: {  	_ =	shalt  }
0x77: {  	_ =	shalt  }
0x78: {  	_ =	shalt  }
0x79: {  	_ =	shalt  }
0x7a: {  	_ =	shalt  }
0x7b: {  	_ =	shalt  }
0x7c: {  	_ =	shalt  }
0x7d: {  	_ =	shalt  }
0x7e: {  	_ =	shalt  }
0x7f: {  	_ =	shalt  }
0x80: {  	_ =	shalt  }
0x81: {  	_ =	shalt  }
0x82: {  	_ =	shalt  }
0x83: {  	_ =	shalt  }
0x84: {  	_ =	shalt  }
0x85: {  	_ =	shalt  }
0x86: {  	_ =	shalt  }
0x87: {  	_ =	shalt  }
.Lfunc_end0:
.L_simem_size_0:
called_computation_lowered:
.L_overlay_start_0:
0x88: {  	s2 =	sld [smem:$0x3FD9]  }
0x89: {  	s3 =	sld [smem:$0x3FFE];
	_ =	sdelay $0x1  }
0x8a: {  	s1 =	srdreg.scid  }
0x8b: {  	s0 =	sand.u32 $0x1, s1  }
0x8c: {  	s17 =	sshll.u32 s0, $0xA;
	s2 =	sadd.s32 s3, s2  }
0x8d: {  	s2 =	sadd.s32 s2, s17  }
0x8e: {  	[smem:$0x3FC6] =	sst s2  }
0x8f: {  	_ = 	snop  }
0x90: {  	s2 =	sld [smem:$0x3FC9]  }
0x91: {  	s18 =	sld [smem:$0x3FC8];
	(tm) =	ssettm $0x1  }
0x92: {  	s4 =	sld [smem:$0x3FFB];
	_ =	sdelay $0x3  }
0x93: {  	_ =	strace s4  }
0x94: {  	s4 =	sld [smem:$0x3FFC];
	_ =	sdelay $0x3  }
0x95: {  	_ =	strace s4  }
0x96: {  	s4 =	sld [smem:$0x3FFD];
	_ =	sdelay $0x3  }
0x97: {  	_ =	strace s4  }
0x98: {  	_ =	strace $0x8FFFFFFF  }
0x99: {  	s19 =	sld [smem:$0x3FDB];
	_ =	sdelay $0x1  }
0x9a: {  	s5 =	simm.s32 $_scs_section_size  }
0x9b: {  	s6 =	simm.s32 $_size__tile_overlayer_lowered;
	s7 =	simm.s32 $_tile_overlayer_lowered  }
0x9c: {  	s22 =	simm.s32 $0x1BFF;
	s21 =	sshll.u32 s7, $0x1;
	s4 =	sadd.s32 s5, s19  }
0x9d: {  	s8 =	simm.s32 $0x0;
	s20 =	sshll.u32 s6, $0x1;
	s6 =	sadd.s32 s21, s4  }
0x9e: {  	[timem:s8], [sflag:s22] =	dma.local [hbm:s6], s20  }
0x9f: {  	_ =	swait.ge [sflag:s22], s20  }
0xa0: {  	s5 =	ssub.s32 $0x0, s20;
	[sflag:s22] =	ssyncset.done $0x0  }
0xa1: {  	[sflag:s22] =	ssyncadd.s32 s5;
	_ =	sdelay $0x1  }
0xa2: {  	s23 =	simm.s32 $0x1B8B  }
0xa3: {  	_ =	swait.ge [sflag:s23], $0x1  }
0xa4: {  	[sflag:s23] =	ssyncset.done $0x0  }
0xa5: {  	s25 =	simm.s32 $0x1B8E;
	s24 =	sld [smem:$0x3FFE];
	[sflag:s23] =	ssyncadd.s32 $0xFFFFFFFF  }
0xa6: {  	s26 =	simm.s32 $execute0_lowered;
	[smem:$0x3FD2] =	sst s25  }
0xa7: {  	s6 =	sshll.u32 s26, $0x1;
	_ =	strace $0x80000046;
	[dreg:$0x1] =	wrdreg $0xFFFFFFFF  }
0xa8: {  	s28 =	simm.s32 $_size_execute0_lowered;
	s4 =	sadd.s32 s4, s6;
	[dreg:$0x0] =	wrdreg $0x0  }
0xa9: {  	s6 =	sshll.u32 s28, $0x1;
	[dreg:$0x2] =	wrdreg s4  }
0xaa: {  	[dreg:$0x3] =	wrdreg s6  }
0xab: {  	[dreg:$0x4] =	wrdreg $0xC0  }
0xac: {  	_ =	task [dreg:s8], $0x5FFFF  }
0xad: {  	[dreg:$0x1] =	wrdreg $0xFFFFFFFF  }
0xae: {  	[dreg:$0x0] =	wrdreg $0x60  }
0xaf: {  	[dreg:$0x2] =	wrdreg s2  }
0xb0: {  	[dreg:$0x3] =	wrdreg s18  }
0xb1: {  	[dreg:$0x4] =	wrdreg s24  }
0xb2: {  	[dreg:$0x5] =	wrdreg $0x181800  }
0xb3: {  	[dreg:$0x6] =	wrdreg $0x9  }
0xb4: {  	_ =	task.clear_ibuf [dreg:s8], $0x7FFFF;
	_ =	strace $0x90000046  }
0xb5: {  	s29 =	simm.s32 $0x9;
	_ =	strace $0x80000048  }
0xb6: {  	_ =	swait.ge [sflag:s29], $0x1  }
0xb7: {  	[sflag:s29] =	ssyncadd.s32 $0xFFFFFFFF  }
0xb8: {  	_ =	strace $0x90000048  }
0xb9: {  	_ =	sfence  }
0xba: {  	s30 =	sld [smem:$0x0];
	_ =	sdelay $0x2  }
0xbb: {  	s31 =	sshll.u32 s1, $0xD;
	s1 =	sshrl.u32 s1, $0x2  }
0xbc: {  	s3 =	sand.u32 $0x4000, s31;
	s1 =	sadd.s32 s1, s30  }
0xbd: {  	s0 =	sor.u32 s3, s0;
	s1 =	sshll.u32 s1, $0x11  }
0xbe: {  	s0 =	sor.u32 s1, s0  }
0xbf: {  	s0 =	sadd.s32 $0x8F2B, s0  }
0xc0: {  	[sflag:s0] =	ssyncadd.remote.s32 $0x1  }
0xc1: {  	_ =	sfence.sel $0xFFFF  }
0xc2: {  	[dreg:$0x0] =	wrdreg $0xFFFFFFFF;
	(pc) =	sbr.abs _section_cstart, $3  }
0xc3: {  	[dreg:$0x1] =	wrdreg $0xFFFFFFFF  }
0xc4: {  	_ =	task.clear_ibuf [dreg:s8], $0x2FFFF;
	_ =	strace $0x9FFFFFFF  }
0xc5: {  	(tm) =	ssettm $0x7FFFFFFF  }
tec
execute0_lowered:
.L_overlay_start_1:
0x0: {  	(tag) =	ssettag $0x1  }
0x1: {  	s1 =	rddreg [dreg:$0x0]  }
0x2: {  	s2 =	rddreg [dreg:$0x1]  }
0x3: {  	s0 =	rddreg [dreg:$0x2]  }
0x4: {  	s14 =	rddreg [dreg:$0x3];
	s4 =	simm.s32 $0x0  }
0x5: {  	s3 =	srdreg.scid;
	s12 =	stileid.u32;
	s15 =	simm.s32 $0x18080  }
0x6: {  	s16 =	simm.s32 $0x80;
	s17 =	simm.s32 $0x200;
	s18 =	simm.s32 $0x5  }
0x7: {  	[smem:$0x7FF] =	sst s4;
	s3 =	sand.u32 $0x1, s3;
	s5 =	sadd.s32 $0xE00, s0  }
0x8: {  	s6 =	sadd.s32 $0xC00, s0;
	s31 =	sshll.u32 s12, $0xD;
	s11 =	sshll.u32 s12, $0x4  }
0x9: {  	s9 =	sshll.u32 s12, $0x13;
	s13 =	smov.u32 s14;
	s7 =	ssub.s32 $0x2, s3  }
0xa: {  	p0 =	sne.s32 s12, $0x0;
	_ =	strace $0x80000047;
	s8 =	sshrl.u32 s7, $0x1  }
0xb: {  	s10 =	sadd.s32 s2, s31;
	s11 =	sadd.s32 s11, s14;
	s30 =	ssub.s32 s7, s8  }
0xc: {  	s14 =	simm.s32 $0x6;
	s7 =	sshll.u32 s12, $0x10;
	s0 =	smax.u32 s30, $0x1  }
0xd: {  	s8 =	sshll.u32 s3, $0x1;
	s3 =	simm.s32 $0x0;
	[dreg:$0x5] =	wrdreg s0  }
.LBB2_1:
0xe: {  	[dreg:$0x6] =	wrdreg s3;
	p2 =	por $0x1, $0x1;
	s0 =	simm.s32 $0x0  }
.LBB2_2:
0xf: {  	s21 =	sor.u32 s8, s0  }
0x10: {  	s20 =	sshll.u32 s21, $0x7  }
0x11: {  	s31 =	sor.u32 s9, s20  }
0x12: {  	s0 =	sshrl.u32 s31, $0x3  }
0x13: {  	s0 =	sor.u32 $0x100040, s0  }
0x14: {  	s23 =	simm.s32 $0x10000;
	p1 =	por p2, p2;
	s22 =	sadd.s32 s1, s0  }
0x15: {  	s12 =	simm.s32 $0x10100;
	s0 =	simm.s32 $0x80;
	s19 =	sadd.s32 $0x0, s22  }
.LBB2_3:
0x16: {  	[tilespmem:s23], [sflag:$0x1] =	stream.linear.gather [hbm4b:s19+s4], $0x80, $0x38;
	[tilespmem:$0x18190] =	vst v63  }
0x17: {  	s3 =	smov.u32 s0;
	s23 =	smov.u32 s12;
	p2 =	sne.s32 s0, $0x1F80  }
.Ltmp0:
0x18: {  	s0 =	sadd.s32 $0x80, s0;
	(pc) =	sbr.rel @p2 .LBB2_3-.Ltmp0, $2  }
0x19: {  	_ =	sdelay $0x2  }
0x1a: {  	s12 =	sadd.s32 $0x100, s12;
	s19 =	sadd.s32 s3, s22  }
0x1b: {  	[tilespmem:s23], [sflag:$0x1] =	stream.linear.gather [hbm4b:s19+s4], $0x80, $0x38;
	[tilespmem:$0x18190] =	vst v63  }
0x1c: {  	s22 =	simm.s32 $0x14000  }
0x1d: {  	s0 =	simm.s32 $0x10;
	s19 =	sadd.s32 $0x0, s10;
	s12 =	simm.s32 $0x14100  }
.LBB2_5:
0x1e: {  	[tilespmem:s22], [sflag:$0x3] =	stream.linear.gather [hbm4b:s19+s4], $0x80, $0x38;
	[tilespmem:$0x18190] =	vst v63  }
0x1f: {  	s3 =	smov.u32 s0;
	s22 =	smov.u32 s12;
	p2 =	seq.s32 s0, $0x3F0  }
.Ltmp1:
0x20: {  	s0 =	sadd.s32 $0x10, s0;
	(pc) =	sbr.rel @!p2 .LBB2_5-.Ltmp1, $2  }
0x21: {  	_ =	sdelay $0x2  }
0x22: {  	s12 =	sadd.s32 $0x100, s12;
	s19 =	sadd.s32 s3, s10  }
0x23: {  	[tilespmem:s22], [sflag:$0x3] =	stream.linear.gather [hbm4b:s19+s4], $0x80, $0x38;
	[tilespmem:$0x18190] =	vst v63  }
0x24: {  	s21 =	sshll.u32 s21, $0x4  }
0x25: {  	s24 =	simm.s32 $0x0;
	v0 =	vimm.f32 $0.0e+00;
	p2 =	por $0x1, $0x1;
	s0 =	sadd.s32 s21, s1  }
0x26: {  	s23 =	simm.s32 $0x80;
	p3 =	por $0x0, $0x0;
	v2 =	vimm.f32 $0.0e+00;
	v1 =	vimm.f32 $0.0e+00;
	v5 =	vimm.f32 $0.0e+00;
	s22 =	sadd.s32 $0x100040, s0  }
.LBB2_8:
0x27: {  	p4 =	seq.s32 s24, $0x7  }
.Ltmp2:
0x28: {  	_ = 	snop;
	(pc) =	sbr.rel @p4 .LBB2_14-.Ltmp2, $4  }
0x29: {  	[tilespmem:$0x1FFC0] =	vst v5  }
0x2a: {  	[tilespmem:$0x1FFD0] =	vst v1  }
0x2b: {  	[tilespmem:$0x1FFE0] =	vst v2  }
0x2c: {  	[tilespmem:$0x1FFF0] =	vst v0;
	s25 =	sand.u32 $0x1, s24;
	s24 =	sadd.s32 $0x1, s24  }
0x2d: {  	s0 =	simm.s32 $0x1  }
0x2e: {  	s3 =	sshll.u32 s24, $0xD;
	s28 =	sxor.u32 $0x1, s25;
	s0 =	simm.s32 @!p2 $0x0  }
0x2f: {  	s12 =	simm.s32 $0x80;
	s29 =	sadd.s32 s7, s3;
	s0 =	sshll.u32 s0, $0x7  }
0x30: {  	s26 =	sor.u32 $0x14000, s0;
	s31 =	sor.u32 $0x10000, s0;
	s0 =	sadd.s32 s22, s29  }
0x31: {  	s30 =	sadd.s32 $0x1, s28;
	s3 =	sadd.s32 $0x0, s0;
	s19 =	sadd.s32 $0x100, s31  }
.LBB2_10:
0x32: {  	[tilespmem:s31], [sflag:s30] =	stream.linear.gather [hbm4b:s3+s4], $0x80, $0x38;
	[tilespmem:$0x18190] =	vst v63  }
0x33: {  	s3 =	smov.u32 s12;
	s31 =	smov.u32 s19;
	p4 =	sne.s32 s12, $0x1F80  }
.Ltmp3:
0x34: {  	s12 =	sadd.s32 $0x80, s12;
	(pc) =	sbr.rel @p4 .LBB2_10-.Ltmp3, $2  }
0x35: {  	_ =	sdelay $0x2  }
0x36: {  	s19 =	sadd.s32 $0x100, s19;
	s3 =	sadd.s32 s3, s0  }
0x37: {  	[tilespmem:s31], [sflag:s30] =	stream.linear.gather [hbm4b:s3+s4], $0x80, $0x38;
	[tilespmem:$0x18190] =	vst v63  }
0x38: {  	s0 =	sshrl.u32 s29, $0x3  }
0x39: {  	s28 =	sadd.s32 $0x3, s28;
	s0 =	sadd.s32 s2, s0  }
0x3a: {  	s12 =	simm.s32 $0x10;
	s19 =	sadd.s32 $0x100, s26;
	s3 =	sadd.s32 $0x0, s0  }
.LBB2_12:
0x3b: {  	[tilespmem:s26], [sflag:s28] =	stream.linear.gather [hbm4b:s3+s4], $0x80, $0x38;
	[tilespmem:$0x18190] =	vst v63  }
0x3c: {  	s3 =	smov.u32 s12;
	s26 =	smov.u32 s19;
	p4 =	sne.s32 s12, $0x3F0  }
.Ltmp4:
0x3d: {  	s12 =	sadd.s32 $0x10, s12;
	(pc) =	sbr.rel @p4 .LBB2_12-.Ltmp4, $2  }
0x3e: {  	_ =	sdelay $0x2  }
0x3f: {  	s19 =	sadd.s32 $0x100, s19;
	s3 =	sadd.s32 s3, s0  }
0x40: {  	[tilespmem:s26], [sflag:s28] =	stream.linear.gather [hbm4b:s3+s4], $0x80, $0x38;
	[tilespmem:$0x18190] =	vst v63  }
.LBB2_14:
0x41: {  	s0 =	sadd.s32 $0x1, s25  }
0x42: {  	_ =	swait.ge [sflag:s0], $0x2000  }
0x43: {  	[sflag:s0] =	ssyncset.done $0x0  }
0x44: {  	s3 =	simm.s32 $0x1;
	s30 =	sadd.s32 $0x3, s25;
	[sflag:s0] =	ssyncadd.s32 $0xFFFFE000  }
0x45: {  	s3 =	simm.s32 @!p3 $0x0;
	_ =	swait.ge [sflag:s30], $0x2000  }
0x46: {  	s3 =	sshll.u32 s3, $0x7;
	[sflag:s30] =	ssyncset.done $0x0  }
0x47: {  	s26 =	sor.u32 $0x14100, s3;
	[sflag:s30] =	ssyncadd.s32 $0xFFFFE000  }
0x48: {  	v2 =	vld [tilespmem:s26+$0x20];
	_ =	sdelay $0x3  }
0x49: {  	v18 =	vld [tilespmem:s26+$0x0]  }
0x4a: {  	v20 =	vld [tilespmem:s26+$0x10];
	[tilespmem:$0x1FDA0] =	vst v2  }
0x4b: {  	v1 =	vld [tilespmem:s26+$0x40];
	_ =	sdelay $0x4  }
0x4c: {  	v19 =	vld [tilespmem:s26+$0x30];
	[tilespmem:$0x1FDB0] =	vst v1  }
0x4d: {  	v0 =	vld [tilespmem:s26+$0x60];
	_ =	sdelay $0x4  }
0x4e: {  	v16 =	vld [tilespmem:s26+$0x50];
	[tilespmem:$0x1FDC0] =	vst v0  }
0x4f: {  	s31 =	sor.u32 $0x10100, s3;
	v17 =	vld [tilespmem:s26+$0x70]  }
0x50: {  	v5 =	vld [tilespmem:s31+$0x0]  }
0x51: {  	v6 =	vld [tilespmem:s31+$0x10]  }
0x52: {  	v7 =	vld [tilespmem:s31+$0x20]  }
0x53: {  	v8 =	vld [tilespmem:s31+$0x30]  }
0x54: {  	v9 =	vld [tilespmem:s31+$0x40]  }
0x55: {  	v10 =	vld [tilespmem:s31+$0x50]  }
0x56: {  	v11 =	vld [tilespmem:s31+$0x60]  }
0x57: {  	v24 =	vadd.f32 v18, v18;
	v12 =	vld [tilespmem:s31+$0x70]  }
0x58: {  	v52 =	vimm.s32 $0xFFFFFF81;
	v26 =	vadd.f32 v20, v20;
	v25 =	vld [tilespmem:s31+$0xFFFFFF00]  }
0x59: {  	v27 =	vadd.f32 v2, v2;
	v18 =	vadd.f32 v20, v18;
	v24 =	vmul.f32 $1.442695020e+00, v24;
	v28 =	vld [tilespmem:s31+$0xFFFFFF10]  }
0x5a: {  	v15 =	vimm.s32 $0xFFFFFF81;
	v29 =	vadd.f32 v19, v19;
	v31 =	vadd.f32 v1, v1;
	v32 =	vld [tilespmem:s31+$0xFFFFFF20]  }
0x5b: {  	(erf) = vpow2.f32 v24;
	v36 =	vadd.f32 v16, v16;
	v37 =	vadd.f32 v0, v0  }
0x5c: {  	v33 =	vld [tilespmem:s31+$0xFFFFFF30];
	v38 =	vadd.f32 v17, v17;
	v39 =	vshra.s32 v5, $0x17;
	v40 =	vshra.s32 v6, $0x17  }
0x5d: {  	v30 =	vld [tilespmem:s31+$0xFFFFFF40];
	v41 =	vshra.s32 v7, $0x17;
	v42 =	vshra.s32 v8, $0x17;
	v43 =	vshra.s32 v9, $0x17  }
0x5e: {  	v23 =	vld [tilespmem:s31+$0xFFFFFF50];
	v44 =	vshra.s32 v10, $0x17;
	v45 =	vshra.s32 v11, $0x17;
	v46 =	vshra.s32 v12, $0x17  }
0x5f: {  	v22 =	vld [tilespmem:s31+$0xFFFFFF60];
	v14 =	vshra.s32 v25, $0x17;
	v35 =	vshra.s32 v28, $0x17;
	v34 =	vshra.s32 v32, $0x17  }
0x60: {  	v21 =	vld [tilespmem:s31+$0xFFFFFF70];
	v5 =	vand.u32 $0x7FFFFF, v5;
	v6 =	vand.u32 $0x7FFFFF, v6;
	v7 =	vand.u32 $0x7FFFFF, v7  }
0x61: {  	v8 =	vand.u32 $0x7FFFFF, v8;
	v9 =	vand.u32 $0x7FFFFF, v9;
	v10 =	vand.u32 $0x7FFFFF, v10  }
0x62: {  	v11 =	vand.u32 $0x7FFFFF, v11;
	v25 =	vand.u32 $0x7FFFFF, v25;
	v28 =	vand.u32 $0x7FFFFF, v28  }
0x63: {  	v12 =	vand.u32 $0x7FFFFF, v12;
	v32 =	vand.u32 $0x7FFFFF, v32;
	v47 =	vand.u32 $0x7FFFFF, v33  }
0x64: {  	v48 =	vand.u32 $0x7FFFFF, v30;
	v49 =	vand.u32 $0x7FFFFF, v23;
	v50 =	vand.u32 $0x7FFFFF, v22  }
0x65: {  	v51 =	vand.u32 $0x7FFFFF, v21;
	v33 =	vshra.s32 v33, $0x17;
	v30 =	vshra.s32 v30, $0x17  }
0x66: {  	v5 =	vor.u32 $0x3F800000, v5;
	v6 =	vor.u32 $0x3F800000, v6;
	v7 =	vor.u32 $0x3F800000, v7  }
0x67: {  	v8 =	vor.u32 $0x3F800000, v8;
	v9 =	vor.u32 $0x3F800000, v9;
	v10 =	vor.u32 $0x3F800000, v10  }
0x68: {  	v54 =	vor.u32 $0x3F800000, v25;
	v11 =	vor.u32 $0x3F800000, v11;
	v12 =	vor.u32 $0x3F800000, v12  }
0x69: {  	v55 =	vor.u32 $0x3F800000, v28;
	v25 =	vmul.f32 $1.442695020e+00, v26;
	v56 =	vor.u32 $0x3F800000, v32  }
0x6a: {  	v26 =	vmul.f32 $1.442695020e+00, v27;
	v27 =	vmul.f32 $1.442695020e+00, v29;
	v47 =	vor.u32 $0x3F800000, v47  }
0x6b: {  	v28 =	vmul.f32 $1.442695020e+00, v31;
	v29 =	vmul.f32 $1.442695020e+00, v36;
	v36 =	vor.u32 $0x3F800000, v48  }
0x6c: {  	v31 =	vmul.f32 $1.442695020e+00, v37;
	v37 =	vor.u32 $0x3F800000, v49;
	v48 =	vor.u32 $0x3F800000, v51  }
0x6d: {  	v32 =	vmul.f32 $1.442695020e+00, v38;
	v38 =	vor.u32 $0x3F800000, v50;
	vm4 =	vgt.f32 v5, $1.414213540e+00  }
0x6e: {  	vm11 =	vgt.f32 v6, $1.414213540e+00;
	vm12 =	vgt.f32 v7, $1.414213540e+00;
	vm1 =	vgt.f32 v8, $1.414213540e+00  }
0x6f: {  	vm2 =	vgt.f32 v9, $1.414213540e+00;
	v49 =	vmul.f32 $5.000000000e-01, v5;
	v50 =	vmul.f32 $5.000000000e-01, v6  }
0x70: {  	vm13 =	vgt.f32 v10, $1.414213540e+00;
	v51 =	vmul.f32 $5.000000000e-01, v7;
	v57 =	vmul.f32 $5.000000000e-01, v8  }
0x71: {  	vm14 =	vgt.f32 v11, $1.414213540e+00;
	v58 =	vmul.f32 $5.000000000e-01, v9;
	v59 =	vmul.f32 $5.000000000e-01, v10  }
0x72: {  	vm0 =	vgt.f32 v12, $1.414213540e+00;
	v60 =	vmul.f32 $5.000000000e-01, v11;
	v61 =	vmul.f32 $5.000000000e-01, v12  }
0x73: {  	vm15 =	vgt.f32 v54, $1.414213540e+00;
	vm3 =	vgt.f32 v55, $1.414213540e+00;
	v62 =	vmul.f32 $5.000000000e-01, v54  }
0x74: {  	v63 =	vmul.f32 $5.000000000e-01, v55;
	vm10 =	vgt.f32 v56, $1.414213540e+00;
	v1 =	vmul.f32 $5.000000000e-01, v56  }
0x75: {  	vm9 =	vgt.f32 v47, $1.414213540e+00;
	v2 =	vmul.f32 $5.000000000e-01, v47;
	vm8 =	vgt.f32 v36, $1.414213540e+00  }
0x76: {  	v3 =	vmul.f32 $5.000000000e-01, v36;
	vm7 =	vgt.f32 v37, $1.414213540e+00;
	v4 =	vmul.f32 $5.000000000e-01, v37  }
0x77: {  	vm5 =	vgt.f32 v48, $1.414213540e+00;
	v13 =	vmul.f32 $5.000000000e-01, v48;
	(erf) = vpow2.f32 v25  }
0x78: {  	vm6 =	vgt.f32 v38, $1.414213540e+00;
	v0 =	vmul.f32 $5.000000000e-01, v38;
	v24 =	vsel vm4, $0xFFFFFF82, v52  }
0x79: {  	v25 =	vsel vm11, $0xFFFFFF82, v52;
	v53 =	vsel vm15, $0xFFFFFF82, v52;
	(erf) = vpow2.f32 v26  }
0x7a: {  	v26 =	vsel vm12, $0xFFFFFF82, v52;
	v24 =	vadd.s32 v39, v24;
	v25 =	vadd.s32 v40, v25  }
0x7b: {  	v39 =	vsel vm4, v49, v5;
	v40 =	vsel vm11, v50, v6;
	v49 =	vsel vm3, v63, v55  }
0x7c: {  	v50 =	vsel vm0, v61, v12;
	v1 =	vsel vm10, v1, v56;
	v2 =	vsel vm9, v2, v47  }
0x7d: {  	v3 =	vsel vm8, v3, v36;
	v4 =	vsel vm7, v4, v37;
	v13 =	vsel vm5, v13, v48  }
0x7e: {  	(erf) = vpow2.f32 v27;
	v27 =	vsel vm1, $0xFFFFFF82, v52;
	v26 =	vadd.s32 v41, v26  }
0x7f: {  	v41 =	vsel vm12, v51, v7;
	v5 =	vadd.f32 $1.000000000e+00, v39;
	v6 =	vadd.f32 $1.000000000e+00, v40  }
0x80: {  	v12 =	vadd.f32 $1.000000000e+00, v50;
	v0 =	vsel vm6, v0, v38;
	v61 =	vadd.f32 $1.000000000e+00, v3  }
0x81: {  	v37 =	vadd.f32 $-1.000000000e+00, v39;
	v63 =	vadd.f32 $-1.000000000e+00, v40;
	v24 =	vcvt.s32.f32 v24  }
0x82: {  	v25 =	vcvt.s32.f32 v25;
	(erf) = vpow2.f32 v28;
	v28 =	vsel vm2, $0xFFFFFF82, v52  }
0x83: {  	v27 =	vadd.s32 v42, v27;
	v42 =	vsel vm0, $0xFFFFFF82, v52;
	v7 =	vadd.f32 $1.000000000e+00, v41  }
0x84: {  	v41 =	vadd.f32 $-1.000000000e+00, v41;
	v26 =	vcvt.s32.f32 v26;
	(erf) = vpow2.f32 v29  }
0x85: {  	v29 =	vsel vm13, $0xFFFFFF82, v52;
	v27 =	vcvt.s32.f32 v27;
	(erf) = vpow2.f32 v31  }
0x86: {  	v31 =	vadd.s32 v43, v28;
	v28 =	vadd.s32 v44, v29;
	v29 =	vadd.s32 v46, v42  }
0x87: {  	v42 =	vsel vm1, v57, v8;
	v43 =	vsel vm2, v58, v9;
	v44 =	vsel vm13, v59, v10  }
0x88: {  	v46 =	vsel vm15, v62, v54;
	v58 =	vadd.f32 $1.000000000e+00, v49;
	v59 =	vadd.f32 $1.000000000e+00, v1  }
0x89: {  	v62 =	vadd.f32 $1.000000000e+00, v4;
	v54 =	vadd.f32 $-1.000000000e+00, v50;
	v8 =	vadd.s32 v14, v53  }
0x8a: {  	(erf) = vpow2.f32 v32;
	v9 =	vadd.f32 $1.000000000e+00, v42;
	v31 =	vcvt.s32.f32 v31  }
0x8b: {  	v32 =	vsel vm14, $0xFFFFFF82, v52;
	v28 =	vcvt.s32.f32 v28;
	(erf) = vrcp.f32 v5  }
0x8c: {  	v29 =	vcvt.s32.f32 v29;
	v32 =	vadd.s32 v45, v32;
	v5 =	vpop (erf);
	(erf) = vrcp.f32 v6  }
0x8d: {  	v45 =	vsel vm14, v60, v11;
	[tilespmem:$0x1FDD0] =	vst v5;
	v6 =	vadd.f32 $1.000000000e+00, v43;
	(erf) = vrcp.f32 v7;
	v5 =	vpop (erf)  }
0x8e: {  	v11 =	vadd.f32 $1.000000000e+00, v45;
	v7 =	vadd.f32 $1.000000000e+00, v44;
	(erf) = vrcp.f32 v9;
	v9 =	vpop (erf)  }
0x8f: {  	v52 =	vsel vm3, $0xFFFFFF82, v52;
	v8 =	vcvt.s32.f32 v8;
	[tilespmem:$0x1FDE0] =	vst v5;
	(erf) = vrcp.f32 v6;
	v5 =	vpop (erf)  }
0x90: {  	v35 =	vadd.s32 v35, v52;
	v32 =	vcvt.s32.f32 v32;
	(erf) = vrcp.f32 v7;
	v10 =	vpop (erf)  }
0x91: {  	v57 =	vadd.f32 $1.000000000e+00, v46;
	v35 =	vcvt.s32.f32 v35;
	[tilespmem:$0x1FDF0] =	vst v5;
	(erf) = vrcp.f32 v11;
	v5 =	vpop (erf)  }
0x92: {  	v42 =	vadd.f32 $-1.000000000e+00, v42;
	v28 =	vmul.f32 $6.931471820e-01, v28;
	(erf) = vrcp.f32 v12;
	v11 =	vpop (erf)  }
0x93: {  	v51 =	vadd.f32 $-1.000000000e+00, v44;
	v29 =	vmul.f32 $6.931471820e-01, v29;
	(erf) = vrcp.f32 v57;
	v12 =	vpop (erf)  }
0x94: {  	v60 =	vadd.f32 $1.000000000e+00, v2;
	v8 =	vmul.f32 $6.931471820e-01, v8;
	(erf) = vrcp.f32 v58;
	v36 =	vpop (erf)  }
0x95: {  	v43 =	vadd.f32 $-1.000000000e+00, v43;
	(erf) = vrcp.f32 v59;
	v39 =	vpop (erf);
	v50 =	vmul.f32 v36, v37  }
0x96: {  	v56 =	vadd.f32 $-1.000000000e+00, v45;
	(erf) = vrcp.f32 v60;
	v40 =	vpop (erf);
	v48 =	vmul.f32 v39, v63  }
0x97: {  	v59 =	vadd.f32 $1.000000000e+00, v0;
	(erf) = vrcp.f32 v61;
	v47 =	vpop (erf);
	v44 =	vmul.f32 v40, v41  }
0x98: {  	v60 =	vadd.f32 $1.000000000e+00, v13;
	(erf) = vrcp.f32 v62;
	v55 =	vpop (erf);
	v45 =	vmul.f32 v47, v42  }
0x99: {  	v62 =	vadd.f32 $-1.000000000e+00, v46;
	(erf) = vrcp.f32 v59;
	v46 =	vmul.f32 v55, v43  }
0x9a: {  	v23 =	vshra.s32 v23, $0x17;
	v57 =	vpop (erf);
	v55 =	vmul.f32 v48, v48;
	(erf) = vrcp.f32 v60  }
0x9b: {  	v3 =	vadd.f32 $-1.000000000e+00, v3;
	v61 =	vpop (erf);
	v47 =	vmul.f32 v57, v51;
	v57 =	vmul.f32 v45, v45  }
0x9c: {  	v1 =	vadd.f32 $-1.000000000e+00, v1;
	v63 =	vpop (erf);
	v42 =	vmul.f32 v61, v56;
	v56 =	vmul.f32 v44, v44  }
0x9d: {  	v59 =	vadd.f32 $-1.000000000e+00, v49;
	v60 =	vpop (erf);
	v43 =	vmul.f32 v63, v54;
	v54 =	vmul.f32 v50, v50  }
0x9e: {  	v4 =	vadd.f32 $-1.000000000e+00, v4;
	v14 =	vmul.f32 v47, v47;
	v40 =	vmul.f32 v60, v62;
	v61 =	vpop (erf)  }
0x9f: {  	v2 =	vadd.f32 $-1.000000000e+00, v2;
	v53 =	vmul.f32 v42, v42;
	v41 =	vmul.f32 v61, v59;
	v62 =	vpop (erf)  }
0xa0: {  	v0 =	vadd.f32 $-1.000000000e+00, v0;
	v63 =	vmul.f32 $2.222222240e-01, v54;
	v60 =	vpop (erf);
	v49 =	vmul.f32 v62, v1  }
0xa1: {  	v13 =	vadd.f32 $-1.000000000e+00, v13;
	v1 =	vmul.f32 $2.222222240e-01, v55;
	v62 =	vmul.f32 $2.222222240e-01, v56;
	v61 =	vpop (erf)  }
0xa2: {  	v37 =	vadd.f32 $2.857142980e-01, v63;
	v51 =	vmul.f32 v60, v2;
	v36 =	vmul.f32 v61, v3  }
0xa3: {  	v1 =	vadd.f32 $2.857142980e-01, v1;
	v2 =	vpop (erf);
	v3 =	vmul.f32 $2.222222240e-01, v57;
	v39 =	vadd.f32 $2.857142980e-01, v62  }
0xa4: {  	v61 =	vsel vm10, $0xFFFFFF82, v15;
	v37 =	vmul.f32 v37, v54;
	v38 =	vmul.f32 v2, v4  }
0xa5: {  	v63 =	vpop (erf);
	v34 =	vadd.s32 v34, v61;
	v1 =	vmul.f32 v1, v55;
	v4 =	vmul.f32 v39, v56  }
0xa6: {  	v2 =	vpop (erf);
	v3 =	vadd.f32 $2.857142980e-01, v3;
	v39 =	vmul.f32 v63, v0;
	v63 =	vmul.f32 $2.222222240e-01, v14  }
0xa7: {  	v34 =	vcvt.s32.f32 v34;
	v60 =	vadd.f32 $4.000000060e-01, v37;
	v37 =	vmul.f32 v2, v13  }
0xa8: {  	v13 =	vmul.f32 v46, v46;
	v1 =	vadd.f32 $4.000000060e-01, v1;
	v2 =	vmul.f32 v3, v57  }
0xa9: {  	v3 =	vadd.f32 $4.000000060e-01, v4;
	v34 =	vmul.f32 $6.931471820e-01, v34;
	v4 =	vmul.f32 v60, v54  }
0xaa: {  	v58 =	vadd.f32 $2.857142980e-01, v63;
	v62 =	vmul.f32 $2.222222240e-01, v13;
	v60 =	vmul.f32 $2.222222240e-01, v53  }
0xab: {  	v1 =	vmul.f32 v1, v55;
	v2 =	vadd.f32 $4.000000060e-01, v2;
	v3 =	vmul.f32 v3, v56  }
0xac: {  	v58 =	vmul.f32 v58, v14;
	v4 =	vadd.f32 $6.666666860e-01, v4;
	v52 =	vadd.f32 $2.857142980e-01, v62  }
0xad: {  	v1 =	vadd.f32 $6.666666860e-01, v1;
	v2 =	vmul.f32 v2, v57;
	v3 =	vadd.f32 $6.666666860e-01, v3  }
0xae: {  	[tilespmem:$0x1FE00] =	vst v5;
	v58 =	vadd.f32 $4.000000060e-01, v58;
	v5 =	vmul.f32 v4, v54;
	v52 =	vmul.f32 v52, v13  }
0xaf: {  	v54 =	vadd.f32 $2.857142980e-01, v60;
	v6 =	vmul.f32 v1, v55;
	v55 =	vmul.f32 v40, v40  }
0xb0: {  	v7 =	vmul.f32 v3, v56;
	v56 =	vmul.f32 v43, v43;
	v2 =	vadd.f32 $6.666666860e-01, v2  }
0xb1: {  	v22 =	vshra.s32 v22, $0x17;
	v58 =	vmul.f32 v58, v14;
	v54 =	vmul.f32 v54, v53  }
0xb2: {  	v52 =	vadd.f32 $4.000000060e-01, v52;
	v5 =	vadd.f32 $2.000000000e+00, v5;
	v4 =	vmul.f32 v2, v57  }
0xb3: {  	v57 =	vmul.f32 v41, v41;
	v59 =	vmul.f32 $2.222222240e-01, v55;
	v58 =	vadd.f32 $6.666666860e-01, v58  }
0xb4: {  	v60 =	vmul.f32 $2.222222240e-01, v56;
	v6 =	vadd.f32 $2.000000000e+00, v6;
	v7 =	vadd.f32 $2.000000000e+00, v7  }
0xb5: {  	v54 =	vadd.f32 $4.000000060e-01, v54;
	v52 =	vmul.f32 v52, v13;
	v5 =	vmul.f32 v5, v50  }
0xb6: {  	v59 =	vadd.f32 $2.857142980e-01, v59;
	v61 =	vmul.f32 $2.222222240e-01, v57;
	v14 =	vmul.f32 v58, v14  }
0xb7: {  	v60 =	vadd.f32 $2.857142980e-01, v60;
	v58 =	vmul.f32 v49, v49;
	v6 =	vmul.f32 v6, v48  }
0xb8: {  	v4 =	vadd.f32 $2.000000000e+00, v4;
	v7 =	vmul.f32 v7, v44;
	v54 =	vmul.f32 v54, v53  }
0xb9: {  	v52 =	vadd.f32 $6.666666860e-01, v52;
	v61 =	vadd.f32 $2.857142980e-01, v61;
	v59 =	vmul.f32 v59, v55  }
0xba: {  	v60 =	vmul.f32 v60, v56;
	v14 =	vadd.f32 $2.000000000e+00, v14;
	v4 =	vmul.f32 v4, v45  }
0xbb: {  	v54 =	vadd.f32 $6.666666860e-01, v54;
	v13 =	vmul.f32 v52, v13;
	v61 =	vmul.f32 v61, v57  }
0xbc: {  	v59 =	vadd.f32 $4.000000060e-01, v59;
	v60 =	vadd.f32 $4.000000060e-01, v60;
	v14 =	vmul.f32 v14, v47  }
0xbd: {  	v53 =	vmul.f32 v54, v53;
	v13 =	vadd.f32 $2.000000000e+00, v13;
	v61 =	vadd.f32 $4.000000060e-01, v61  }
0xbe: {  	v63 =	vsel vm9, $0xFFFFFF82, v15;
	v59 =	vmul.f32 v59, v55;
	v60 =	vmul.f32 v60, v56  }
0xbf: {  	v53 =	vadd.f32 $2.000000000e+00, v53;
	v13 =	vmul.f32 v13, v46;
	v61 =	vmul.f32 v61, v57  }
0xc0: {  	v59 =	vadd.f32 $6.666666860e-01, v59;
	v62 =	vadd.f32 $6.666666860e-01, v60;
	v60 =	vsel vm8, $0xFFFFFF82, v15  }
0xc1: {  	v60 =	vadd.s32 v30, v60;
	v30 =	vmul.f32 v37, v37;
	v44 =	vmul.f32 v53, v42  }
0xc2: {  	v14 =	vadd.f32 v14, v28;
	v55 =	vmul.f32 v59, v55;
	v54 =	vmul.f32 v62, v56  }
0xc3: {  	v52 =	vadd.f32 $6.666666860e-01, v61;
	v59 =	vmul.f32 v38, v38;
	v61 =	vmul.f32 v39, v39  }
0xc4: {  	v56 =	vadd.s32 v33, v63;
	v62 =	vmul.f32 $2.222222240e-01, v58;
	v60 =	vcvt.s32.f32 v60  }
0xc5: {  	v21 =	vshra.s32 v21, $0x17;
	v3 =	vmul.f32 $2.222222240e-01, v30;
	v56 =	vcvt.s32.f32 v56  }
0xc6: {  	v14 =	vsub.f32 $0.0e+00, v14;
	v33 =	vmul.f32 v52, v57;
	v52 =	vmul.f32 v51, v51  }
0xc7: {  	v57 =	vmul.f32 v36, v36;
	v62 =	vadd.f32 $2.857142980e-01, v62;
	v1 =	vmul.f32 $2.222222240e-01, v59  }
0xc8: {  	v2 =	vmul.f32 $2.222222240e-01, v61;
	v3 =	vadd.f32 $2.857142980e-01, v3;
	v63 =	vmul.f32 $2.222222240e-01, v52  }
0xc9: {  	v0 =	vmul.f32 $2.222222240e-01, v57;
	v1 =	vadd.f32 $2.857142980e-01, v1;
	v62 =	vmul.f32 v62, v58  }
0xca: {  	v2 =	vadd.f32 $2.857142980e-01, v2;
	v3 =	vmul.f32 v3, v30;
	v63 =	vadd.f32 $2.857142980e-01, v63  }
0xcb: {  	v0 =	vadd.f32 $2.857142980e-01, v0;
	v1 =	vmul.f32 v1, v59;
	v62 =	vadd.f32 $4.000000060e-01, v62  }
0xcc: {  	v2 =	vmul.f32 v2, v61;
	v3 =	vadd.f32 $4.000000060e-01, v3;
	v63 =	vmul.f32 v63, v52  }
0xcd: {  	v0 =	vmul.f32 v0, v57;
	v1 =	vadd.f32 $4.000000060e-01, v1;
	v62 =	vmul.f32 v62, v58  }
0xce: {  	v2 =	vadd.f32 $4.000000060e-01, v2;
	v3 =	vmul.f32 v3, v30;
	v63 =	vadd.f32 $4.000000060e-01, v63  }
0xcf: {  	v0 =	vadd.f32 $4.000000060e-01, v0;
	v1 =	vmul.f32 v1, v59;
	v62 =	vadd.f32 $6.666666860e-01, v62  }
0xd0: {  	v45 =	vld [tilespmem:s26+$0xFFFFFF30];
	v2 =	vmul.f32 v2, v61;
	v3 =	vadd.f32 $6.666666860e-01, v3;
	v63 =	vmul.f32 v63, v52  }
0xd1: {  	v0 =	vmul.f32 v0, v57;
	v58 =	vmul.f32 v62, v58;
	v1 =	vadd.f32 $6.666666860e-01, v1  }
0xd2: {  	v50 =	vld [tilespmem:s26+$0xFFFFFF10];
	v2 =	vadd.f32 $6.666666860e-01, v2;
	v62 =	vadd.f32 $2.000000000e+00, v33;
	v3 =	vmul.f32 v3, v30  }
0xd3: {  	v48 =	vld [tilespmem:s26+$0xFFFFFF20];
	v63 =	vadd.f32 $6.666666860e-01, v63;
	v0 =	vadd.f32 $6.666666860e-01, v0;
	v1 =	vmul.f32 v1, v59  }
0xd4: {  	v2 =	vmul.f32 v2, v61;
	v59 =	vadd.f32 $2.000000000e+00, v54;
	v61 =	vadd.f32 $2.000000000e+00, v55  }
0xd5: {  	v41 =	vmul.f32 v62, v41;
	v62 =	vadd.f32 v45, v45;
	v52 =	vmul.f32 v63, v52  }
0xd6: {  	v30 =	vld [tilespmem:s26+$0xFFFFFF40];
	v3 =	vadd.f32 $2.000000000e+00, v3;
	v0 =	vmul.f32 v0, v57;
	v43 =	vmul.f32 v59, v43  }
0xd7: {  	v47 =	vld [tilespmem:s26+$0xFFFFFF70];
	v63 =	vadd.f32 $2.000000000e+00, v58;
	v40 =	vmul.f32 v61, v40;
	v59 =	vadd.f32 v50, v50  }
0xd8: {  	v61 =	vadd.f32 v48, v48;
	v54 =	vmul.f32 $1.442695020e+00, v62;
	v62 =	vsel vm7, $0xFFFFFF82, v15  }
0xd9: {  	v33 =	vld [tilespmem:s26+$0xFFFFFF50];
	v1 =	vadd.f32 $2.000000000e+00, v1;
	v2 =	vadd.f32 $2.000000000e+00, v2;
	v23 =	vadd.s32 v23, v62  }
0xda: {  	v62 =	vsel vm6, $0xFFFFFF82, v15;
	v3 =	vmul.f32 v3, v37;
	v52 =	vadd.f32 $2.000000000e+00, v52  }
0xdb: {  	v42 =	vld [tilespmem:s26+$0xFFFFFF60];
	v46 =	vmul.f32 v63, v49;
	v63 =	vadd.f32 v30, v30;
	v53 =	vmul.f32 $1.442695020e+00, v61  }
0xdc: {  	v57 =	vld [tilespmem:s26+$0xFFFFFF00];
	v61 =	vadd.f32 v47, v47;
	v22 =	vadd.s32 v22, v62;
	v62 =	vsel vm5, $0xFFFFFF82, v15  }
0xdd: {  	v20 =	vcvt.s32.f32 v23;
	v0 =	vadd.f32 $2.000000000e+00, v0;
	v1 =	vmul.f32 v1, v38  }
0xde: {  	v8 =	vadd.f32 v40, v8;
	v2 =	vmul.f32 v2, v39;
	v30 =	vadd.f32 v33, v30  }
0xdf: {  	v15 =	vld [tilespmem:$0x1FDA0];
	v21 =	vadd.s32 v21, v62;
	v22 =	vcvt.s32.f32 v22;
	v49 =	vmul.f32 v52, v51  }
0xe0: {  	v23 =	vld [tilespmem:$0x1FDB0];
	v51 =	vmul.f32 $1.442695020e+00, v59;
	v59 =	vadd.f32 v42, v42;
	v55 =	vmul.f32 $1.442695020e+00, v63  }
0xe1: {  	v61 =	vmul.f32 $1.442695020e+00, v61;
	v20 =	vmul.f32 $6.931471820e-01, v20;
	v58 =	vadd.f32 v57, v57  }
0xe2: {  	v0 =	vmul.f32 v0, v36;
	v8 =	vsub.f32 $0.0e+00, v8;
	v22 =	vmul.f32 $6.931471820e-01, v22  }
0xe3: {  	v59 =	vmul.f32 $1.442695020e+00, v59;
	v1 =	vadd.f32 v1, v20;
	v52 =	vmul.f32 $1.442695020e+00, v58  }
0xe4: {  	v58 =	vadd.f32 v33, v33;
	v15 =	vadd.f32 v19, v15;
	v19 =	vcvt.s32.f32 v21  }
0xe5: {  	v21 =	vmul.f32 $6.931471820e-01, v24;
	v16 =	vadd.f32 v16, v23;
	v23 =	vmul.f32 $6.931471820e-01, v25  }
0xe6: {  	v24 =	vmul.f32 $6.931471820e-01, v26;
	v26 =	vmul.f32 $6.931471820e-01, v31;
	v2 =	vadd.f32 v2, v22  }
0xe7: {  	v1 =	vsub.f32 $0.0e+00, v1;
	v58 =	vmul.f32 $1.442695020e+00, v58;
	v5 =	vadd.f32 v5, v21  }
0xe8: {  	v21 =	vmul.f32 $6.931471820e-01, v35;
	v6 =	vadd.f32 v6, v23;
	v23 =	vmul.f32 $6.931471820e-01, v56  }
0xe9: {  	v25 =	vld [tilespmem:$0x1FDC0];
	v19 =	vmul.f32 $6.931471820e-01, v19;
	v7 =	vadd.f32 v7, v24;
	v13 =	vadd.f32 v13, v26  }
0xea: {  	v26 =	vadd.f32 v46, v34;
	(erf) = vpow2.f32 v52;
	v2 =	vsub.f32 $0.0e+00, v2  }
0xeb: {  	(erf) = vpow2.f32 v51;
	v21 =	vadd.f32 v41, v21;
	v23 =	vadd.f32 v49, v23  }
0xec: {  	v51 =	vmul.f32 v14, v14;
	v3 =	vadd.f32 v3, v19;
	v5 =	vsub.f32 $0.0e+00, v5  }
0xed: {  	v6 =	vsub.f32 $0.0e+00, v6;
	(erf) = vpow2.f32 v53;
	v7 =	vsub.f32 $0.0e+00, v7  }
0xee: {  	v19 =	vsub.f32 $0.0e+00, v13;
	v17 =	vadd.f32 v17, v25;
	v25 =	vmul.f32 $6.931471820e-01, v27  }
0xef: {  	v27 =	vadd.f32 v50, v57;
	v50 =	vmul.f32 $6.931471820e-01, v32;
	(erf) = vpow2.f32 v54  }
0xf0: {  	v32 =	vadd.f32 v45, v48;
	v57 =	vmul.f32 $6.931471820e-01, v60;
	(erf) = vpow2.f32 v55  }
0xf1: {  	v21 =	vsub.f32 $0.0e+00, v21;
	v23 =	vsub.f32 $0.0e+00, v23;
	v28 =	vmul.f32 v6, v6  }
0xf2: {  	v60 =	vmul.f32 v6, v5;
	v3 =	vsub.f32 $0.0e+00, v3;
	v4 =	vadd.f32 v4, v25  }
0xf3: {  	v62 =	vmul.f32 v14, v19;
	v24 =	vadd.f32 v44, v50;
	v25 =	vadd.f32 v43, v29  }
0xf4: {  	v0 =	vadd.f32 v0, v57;
	(erf) = vpow2.f32 v58;
	v29 =	vmul.f32 v7, v7  }
0xf5: {  	v16 =	vadd.f32 v17, v16;
	v17 =	vmul.f32 v19, v19;
	(erf) = vpow2.f32 v59  }
0xf6: {  	v44 =	vmul.f32 v21, v8;
	v4 =	vsub.f32 $0.0e+00, v4;
	v20 =	vsub.f32 $0.0e+00, v24  }
0xf7: {  	v48 =	vmul.f32 v3, v2;
	v22 =	vsub.f32 $0.0e+00, v25;
	v24 =	vsub.f32 $0.0e+00, v26  }
0xf8: {  	(erf) = vpow2.f32 v61;
	v25 =	vsub.f32 $0.0e+00, v0;
	v26 =	vmul.f32 v5, v5  }
0xf9: {  	v46 =	vadd.f32 v47, v42;
	v61 =	vmul.f32 v4, v7;
	v63 =	vmul.f32 v22, v20  }
0xfa: {  	v15 =	vadd.f32 v15, v18;
	v45 =	vmul.f32 v23, v24;
	v47 =	vmul.f32 v1, v25  }
0xfb: {  	v30 =	vadd.f32 v46, v30;
	v34 =	vmul.f32 v61, v60;
	v49 =	vmul.f32 v63, v62  }
0xfc: {  	v27 =	vadd.f32 v32, v27;
	v18 =	vmul.f32 v45, v44;
	v50 =	vmul.f32 v48, v47  }
0xfd: {  	v37 =	vadd.f32 v16, v15;
	v16 =	vmul.f32 v8, v8;
	v34 =	vmul.f32 v49, v34  }
0xfe: {  	v5 =	vadd.f32 v6, v5;
	v59 =	vmul.f32 v4, v4;
	v18 =	vmul.f32 v50, v18  }
0xff: {  	v52 =	vmul.f32 v20, v20;
	(erf) = vrcp.f32 v26;
	v35 =	vand.u32 $0x7FFFFF, v34  }
0x100: {  	(erf) = vrcp.f32 v28;
	v26 =	vpop (erf);
	v53 =	vand.u32 $0x7FFFFF, v18;
	v35 =	vor.u32 $0x3F800000, v35  }
0x101: {  	(erf) = vrcp.f32 v29;
	v28 =	vpop (erf);
	v36 =	vor.u32 $0x3F800000, v53;
	v54 =	vmul.f32 $5.000000000e-01, v35  }
0x102: {  	(erf) = vrcp.f32 v59;
	v29 =	vpop (erf);
	v55 =	vmul.f32 $5.000000000e-01, v36;
	vm14 =	vgt.f32 v35, $1.414213540e+00  }
0x103: {  	(erf) = vrcp.f32 v17;
	v56 =	vpop (erf);
	vm15 =	vgt.f32 v36, $1.414213540e+00;
	v35 =	vsel vm14, v54, v35  }
0x104: {  	(erf) = vrcp.f32 v51;
	v57 =	vpop (erf);
	v17 =	vsel vm15, v55, v36;
	v58 =	vadd.f32 $1.000000000e+00, v35  }
0x105: {  	v6 =	vmul.f32 v21, v21;
	v59 =	vpop (erf);
	(erf) = vrcp.f32 v52;
	v60 =	vadd.f32 $1.000000000e+00, v17  }
0x106: {  	v14 =	vadd.f32 v14, v19;
	v15 =	vmul.f32 v22, v22;
	v61 =	vpop (erf);
	(erf) = vrcp.f32 v58  }
0x107: {  	v8 =	vadd.f32 v21, v8;
	v21 =	vmul.f32 v1, v1;
	v62 =	vpop (erf);
	(erf) = vrcp.f32 v60  }
0x108: {  	v4 =	vadd.f32 v4, v7;
	v7 =	vmul.f32 v24, v24;
	(erf) = vrcp.f32 v15  }
0x109: {  	v63 =	vadd.f32 v30, v27;
	v27 =	vpop (erf);
	(erf) = vrcp.f32 v16;
	v16 =	vmul.f32 v23, v23  }
0x10a: {  	v19 =	vadd.f32 v22, v20;
	v20 =	vmul.f32 v25, v25;
	v22 =	vadd.f32 v23, v24;
	v15 =	vpop (erf)  }
0x10b: {  	v1 =	vadd.f32 v1, v25;
	v25 =	vmul.f32 v3, v3;
	(erf) = vrcp.f32 v6;
	v6 =	vpop (erf)  }
0x10c: {  	v23 =	vmul.f32 v2, v2;
	v2 =	vadd.f32 v3, v2;
	v3 =	vld [tilespmem:$0x1FDD0];
	(erf) = vrcp.f32 v7;
	v7 =	vpop (erf)  }
0x10d: {  	v13 =	vld [tilespmem:$0x1FDE0];
	(erf) = vrcp.f32 v16;
	v16 =	vpop (erf)  }
0x10e: {  	s26 =	sadd.s32 $0x200, s26;
	(erf) = vrcp.f32 v20;
	v20 =	vpop (erf)  }
0x10f: {  	v0 =	vld [tilespmem:s26+$0x0];
	v54 =	vadd.f32 $-1.000000000e+00, v35;
	(erf) = vrcp.f32 v21;
	v21 =	vpop (erf)  }
0x110: {  	v17 =	vadd.f32 $-1.000000000e+00, v17;
	v1 =	vadd.f32 v2, v1;
	v2 =	vld [tilespmem:$0x1FDF0];
	(erf) = vrcp.f32 v23;
	v23 =	vpop (erf)  }
0x111: {  	v4 =	vadd.f32 v4, v5;
	v24 =	vmul.f32 v27, v3;
	v3 =	vpop (erf);
	v5 =	vmul.f32 v23, v54  }
0x112: {  	v55 =	vmul.f32 v15, v13;
	v13 =	vld [tilespmem:$0x1FE00];
	v3 =	vmul.f32 v3, v17  }
0x113: {  	v14 =	vadd.f32 v19, v14;
	v23 =	vmul.f32 v6, v9;
	v9 =	vmul.f32 v5, v5  }
0x114: {  	(erf) = vrcp.f32 v25;
	v6 =	vadd.f32 v22, v8;
	v8 =	vmul.f32 v3, v3  }
0x115: {  	[tilespmem:$0x1FED0] =	vst v0;
	v25 =	vmul.f32 v7, v2;
	v7 =	vmul.f32 $2.222222240e-01, v9  }
0x116: {  	[tilespmem:$0x1FEF0] =	vst v55;
	v17 =	vmul.f32 v16, v10;
	v2 =	vpop (erf);
	v10 =	vadd.f32 v14, v4;
	v4 =	vmul.f32 $2.222222240e-01, v8  }
0x117: {  	[tilespmem:$0x1FEE0] =	vst v24;
	v22 =	vmul.f32 v20, v13;
	v14 =	vmul.f32 v2, v12;
	v2 =	vadd.f32 $2.857142980e-01, v7  }
0x118: {  	v13 =	vimm.s32 $0xFFFFFF81;
	[tilespmem:$0x1FF10] =	vst v25;
	v16 =	vmul.f32 v21, v11;
	v15 =	vpop (erf);
	v4 =	vadd.f32 $2.857142980e-01, v4  }
0x119: {  	[tilespmem:$0x1FF00] =	vst v23;
	v11 =	vpop (erf);
	v7 =	vshra.s32 v18, $0x17;
	v18 =	vmul.f32 v15, v26;
	v2 =	vmul.f32 v2, v9  }
0x11a: {  	[tilespmem:$0x1FF30] =	vst v22;
	v15 =	vmul.f32 v11, v28;
	v11 =	vpop (erf);
	v26 =	vsel vm15, $0xFFFFFF82, v13;
	v4 =	vmul.f32 v4, v8  }
0x11b: {  	v19 =	vshra.s32 v34, $0x17;
	v12 =	vsel vm14, $0xFFFFFF82, v13;
	[tilespmem:$0x1FF20] =	vst v17;
	v21 =	vpop (erf);
	v2 =	vadd.f32 $4.000000060e-01, v2  }
0x11c: {  	[tilespmem:$0x1FF40] =	vst v16;
	v12 =	vadd.s32 v19, v12;
	v19 =	vmul.f32 v11, v29;
	v11 =	vpop (erf);
	v4 =	vadd.f32 $4.000000060e-01, v4  }
0x11d: {  	[tilespmem:$0x1FFB0] =	vst v14;
	v7 =	vadd.s32 v7, v26;
	v26 =	vpop (erf);
	v2 =	vmul.f32 v2, v9  }
0x11e: {  	[tilespmem:$0x1FF50] =	vst v18;
	v13 =	vmul.f32 v21, v56;
	v28 =	vpop (erf);
	v4 =	vmul.f32 v4, v8  }
0x11f: {  	[tilespmem:$0x1FF60] =	vst v15;
	v20 =	vmul.f32 v11, v57;
	v21 =	vmul.f32 v26, v59;
	v29 =	vpop (erf);
	v2 =	vadd.f32 $6.666666860e-01, v2  }
0x120: {  	[tilespmem:$0x1FF70] =	vst v19;
	v28 =	vmul.f32 v28, v61;
	v29 =	vmul.f32 v29, v62;
	v4 =	vadd.f32 $6.666666860e-01, v4  }
0x121: {  	v58 =	vadd.f32 v15, v18;
	v30 =	vld [tilespmem:s26+$0x10];
	[tilespmem:$0x1FF80] =	vst v13;
	v2 =	vmul.f32 v2, v9  }
0x122: {  	v31 =	vld [tilespmem:s26+$0x20];
	[tilespmem:$0x1FF90] =	vst v20;
	v61 =	vadd.f32 v21, v20;
	v9 =	vadd.f32 v29, v28;
	v4 =	vmul.f32 v4, v8  }
0x123: {  	v60 =	vadd.f32 v13, v19;
	v32 =	vld [tilespmem:s26+$0x30];
	v8 =	vcvt.s32.f32 v12;
	v2 =	vadd.f32 $2.000000000e+00, v2  }
0x124: {  	v33 =	vld [tilespmem:s26+$0x40];
	[tilespmem:$0x1FFA0] =	vst v21;
	v9 =	vadd.f32 v9, v61;
	v4 =	vadd.f32 $2.000000000e+00, v4  }
0x125: {  	s25 =	sadd.s32 $0x200, s31;
	v36 =	vld [tilespmem:s26+$0x70];
	v12 =	vmul.f32 $6.931471820e-01, v8;
	v8 =	vadd.f32 v60, v58;
	v2 =	vmul.f32 v2, v5  }
0x126: {  	v0 =	vadd.f32 v0, v0;
	v42 =	vld [tilespmem:s25+$0x0]  }
0x127: {  	v3 =	vmul.f32 v4, v3;
	v4 =	vadd.f32 v9, v8;
	v9 =	vadd.f32 v2, v12;
	v2 =	vld [tilespmem:$0x1FFC0]  }
0x128: {  	v56 =	vadd.f32 v25, v23;
	v11 =	vadd.f32 v55, v24;
	v44 =	vld [tilespmem:s25+$0x10]  }
0x129: {  	v57 =	vadd.f32 v22, v17;
	v59 =	vadd.f32 v14, v16;
	v48 =	vld [tilespmem:s25+$0x20]  }
0x12a: {  	v0 =	vmul.f32 $1.442695020e+00, v0;
	v1 =	vadd.f32 v1, v6;
	v51 =	vld [tilespmem:s25+$0x30]  }
0x12b: {  	v7 =	vcvt.s32.f32 v7;
	v11 =	vadd.f32 v56, v11;
	v39 =	vadd.f32 v59, v57  }
0x12c: {  	v27 =	vimm.s32 $0xFFFFFF81;
	(erf) = vpow2.f32 v0;
	v2 =	vadd.f32 v1, v2;
	v1 =	vld [tilespmem:$0x1FFE0]  }
0x12d: {  	v7 =	vmul.f32 $6.931471820e-01, v7;
	v6 =	vadd.f32 v39, v11;
	v39 =	vadd.f32 v36, v36  }
0x12e: {  	v45 =	vand.u32 $0x7FFFFF, v42;
	v46 =	vand.u32 $0x7FFFFF, v44;
	v47 =	vand.u32 $0x7FFFFF, v48  }
0x12f: {  	v49 =	vand.u32 $0x7FFFFF, v51;
	v42 =	vshra.s32 v42, $0x17;
	v44 =	vshra.s32 v44, $0x17;
	v5 =	vld [tilespmem:s25+$0x60]  }
0x130: {  	v45 =	vor.u32 $0x3F800000, v45;
	v46 =	vor.u32 $0x3F800000, v46;
	v47 =	vor.u32 $0x3F800000, v47;
	v8 =	vld [tilespmem:s25+$0x40]  }
0x131: {  	v49 =	vor.u32 $0x3F800000, v49;
	v39 =	vmul.f32 $1.442695020e+00, v39;
	v11 =	vadd.f32 v4, v1;
	v1 =	vld [tilespmem:$0x1FFF0]  }
0x132: {  	vm4 =	vgt.f32 v45, $1.414213540e+00;
	v0 =	vmul.f32 $5.000000000e-01, v46;
	v3 =	vadd.f32 v3, v7;
	v7 =	vld [tilespmem:s25+$0x50]  }
0x133: {  	vm3 =	vgt.f32 v46, $1.414213540e+00;
	vm2 =	vgt.f32 v47, $1.414213540e+00;
	vm1 =	vgt.f32 v49, $1.414213540e+00  }
0x134: {  	v34 =	vld [tilespmem:s26+$0x50];
	v0 =	vsel vm3, v0, v46;
	v53 =	vand.u32 $0x7FFFFF, v5;
	v2 =	vadd.f32 v10, v2  }
0x135: {  	v35 =	vld [tilespmem:s26+$0x60];
	v5 =	vshra.s32 v5, $0x17;
	v50 =	vand.u32 $0x7FFFFF, v8;
	v53 =	vor.u32 $0x3F800000, v53  }
0x136: {  	v8 =	vshra.s32 v8, $0x17;
	v4 =	vld [tilespmem:s25+$0x70];
	[tilespmem:$0x1FE10] =	vst v2;
	v2 =	vadd.f32 v6, v11;
	v12 =	vadd.f32 v63, v1  }
0x137: {  	v50 =	vor.u32 $0x3F800000, v50;
	vm14 =	vgt.f32 v53, $1.414213540e+00;
	v52 =	vand.u32 $0x7FFFFF, v7;
	v43 =	vld [tilespmem:s25+$0xFFFFFF00]  }
0x138: {  	vm0 =	vgt.f32 v50, $1.414213540e+00;
	v10 =	vadd.f32 v33, v33;
	[tilespmem:$0x1FE20] =	vst v2;
	v1 =	vld [tilespmem:$0x1FFD0];
	v2 =	vadd.f32 v37, v12  }
0x139: {  	v52 =	vor.u32 $0x3F800000, v52;
	v6 =	vadd.f32 v32, v32;
	v11 =	vadd.f32 v34, v34  }
0x13a: {  	v7 =	vshra.s32 v7, $0x17;
	vm15 =	vgt.f32 v52, $1.414213540e+00;
	v10 =	vmul.f32 $1.442695020e+00, v10;
	[tilespmem:$0x1FE30] =	vst v2  }
0x13b: {  	v6 =	vmul.f32 $1.442695020e+00, v6;
	v11 =	vmul.f32 $1.442695020e+00, v11;
	v62 =	vand.u32 $0x7FFFFF, v4;
	v41 =	vld [tilespmem:s25+$0xFFFFFF10]  }
0x13c: {  	v4 =	vshra.s32 v4, $0x17;
	v12 =	vadd.f32 v35, v35;
	v2 =	vadd.f32 v30, v30;
	v40 =	vld [tilespmem:s25+$0xFFFFFF20]  }
0x13d: {  	v54 =	vand.u32 $0x7FFFFF, v43;
	v1 =	vadd.f32 v3, v1;
	v3 =	vadd.f32 v31, v31;
	v38 =	vld [tilespmem:s25+$0xFFFFFF30]  }
0x13e: {  	v56 =	vor.u32 $0x3F800000, v62;
	v54 =	vor.u32 $0x3F800000, v54;
	v37 =	vld [tilespmem:s25+$0xFFFFFF40];
	v2 =	vmul.f32 $1.442695020e+00, v2  }
0x13f: {  	vm13 =	vgt.f32 v56, $1.414213540e+00;
	v12 =	vmul.f32 $1.442695020e+00, v12;
	v3 =	vmul.f32 $1.442695020e+00, v3  }
0x140: {  	vm12 =	vgt.f32 v54, $1.414213540e+00;
	(erf) = vpow2.f32 v2;
	v2 =	vmul.f32 $5.000000000e-01, v47  }
0x141: {  	v1 =	vadd.f32 v9, v1;
	(erf) = vpow2.f32 v3;
	v3 =	vmul.f32 $5.000000000e-01, v49  }
0x142: {  	v55 =	vand.u32 $0x7FFFFF, v41;
	v63 =	vand.u32 $0x7FFFFF, v40;
	v60 =	vand.u32 $0x7FFFFF, v38  }
0x143: {  	v61 =	vand.u32 $0x7FFFFF, v37;
	(erf) = vpow2.f32 v6;
	v6 =	vmul.f32 $5.000000000e-01, v50  }
0x144: {  	v47 =	vsel vm2, v2, v47;
	v55 =	vor.u32 $0x3F800000, v55;
	v57 =	vor.u32 $0x3F800000, v63  }
0x145: {  	v58 =	vor.u32 $0x3F800000, v60;
	v59 =	vor.u32 $0x3F800000, v61;
	v60 =	vmul.f32 $5.000000000e-01, v45  }
0x146: {  	(erf) = vpow2.f32 v10;
	v10 =	vmul.f32 $5.000000000e-01, v52;
	v3 =	vsel vm1, v3, v49  }
0x147: {  	v62 =	vadd.f32 $1.000000000e+00, v47;
	(erf) = vpow2.f32 v11;
	v11 =	vmul.f32 $5.000000000e-01, v53  }
0x148: {  	vm9 =	vgt.f32 v55, $1.414213540e+00;
	vm8 =	vgt.f32 v57, $1.414213540e+00;
	vm7 =	vgt.f32 v58, $1.414213540e+00  }
0x149: {  	vm6 =	vgt.f32 v59, $1.414213540e+00;
	v46 =	vmul.f32 $5.000000000e-01, v57;
	v61 =	vmul.f32 $5.000000000e-01, v58  }
0x14a: {  	v49 =	vmul.f32 $5.000000000e-01, v59;
	v50 =	vsel vm0, v6, v50;
	v6 =	vadd.f32 $1.000000000e+00, v0  }
0x14b: {  	v63 =	vadd.f32 $1.000000000e+00, v3;
	(erf) = vpow2.f32 v12;
	v45 =	vsel vm4, v60, v45  }
0x14c: {  	v15 =	vld [tilespmem:s25+$0xFFFFFF50];
	v12 =	vmul.f32 $5.000000000e-01, v56;
	v60 =	vmul.f32 $5.000000000e-01, v55;
	v2 =	vadd.f32 $1.000000000e+00, v45  }
0x14d: {  	v0 =	vadd.f32 $-1.000000000e+00, v0;
	(erf) = vpow2.f32 v39;
	v39 =	vmul.f32 $5.000000000e-01, v54  }
0x14e: {  	v10 =	vsel vm15, v10, v52;
	v11 =	vsel vm14, v11, v53;
	v12 =	vsel vm13, v12, v56  }
0x14f: {  	v56 =	vsel vm7, v61, v58;
	v58 =	vsel vm6, v49, v59;
	v52 =	vsel vm12, v39, v54  }
0x150: {  	(erf) = vrcp.f32 v2;
	v54 =	vsel vm9, v60, v55;
	v55 =	vsel vm8, v46, v57;
	v2 =	vpop (erf)  }
0x151: {  	v60 =	vadd.f32 $1.000000000e+00, v10;
	v57 =	vand.u32 $0x7FFFFF, v15;
	(erf) = vrcp.f32 v6;
	[tilespmem:$0x1FE40] =	vst v2;
	v2 =	vpop (erf)  }
0x152: {  	v10 =	vadd.f32 $-1.000000000e+00, v10;
	v6 =	vadd.f32 $1.000000000e+00, v50;
	(erf) = vrcp.f32 v62;
	[tilespmem:$0x1FE50] =	vst v2  }
0x153: {  	v59 =	vadd.f32 $1.000000000e+00, v52;
	v61 =	vadd.f32 $1.000000000e+00, v54;
	(erf) = vrcp.f32 v63;
	v2 =	vpop (erf);
	v13 =	vld [tilespmem:s25+$0xFFFFFF60]  }
0x154: {  	v62 =	vadd.f32 $1.000000000e+00, v11;
	v63 =	vadd.f32 $1.000000000e+00, v12;
	(erf) = vrcp.f32 v6;
	[tilespmem:$0x1FE60] =	vst v2  }
0x155: {  	(erf) = vrcp.f32 v60;
	v60 =	vor.u32 $0x3F800000, v57;
	v57 =	vadd.f32 $1.000000000e+00, v55;
	v39 =	vld [tilespmem:s25+$0xFFFFFF70]  }
0x156: {  	(erf) = vrcp.f32 v62;
	v62 =	vmul.f32 $5.000000000e-01, v60;
	vm10 =	vgt.f32 v60, $1.414213540e+00  }
0x157: {  	v2 =	vpop (erf);
	[tilespmem:$0x1FEC0] =	vst v1;
	v1 =	vadd.f32 $-1.000000000e+00, v45;
	(erf) = vrcp.f32 v63;
	v63 =	vadd.f32 $1.000000000e+00, v56  }
0x158: {  	[tilespmem:$0x1FE70] =	vst v2;
	v2 =	vpop (erf);
	(erf) = vrcp.f32 v59;
	v59 =	vsel vm10, v62, v60;
	v60 =	vand.u32 $0x7FFFFF, v13  }
0x159: {  	[tilespmem:$0x1FE80] =	vst v2;
	v2 =	vpop (erf);
	(erf) = vrcp.f32 v61;
	v62 =	vadd.f32 $1.000000000e+00, v59;
	v46 =	vor.u32 $0x3F800000, v60  }
0x15a: {  	[tilespmem:$0x1FE90] =	vst v2;
	v2 =	vpop (erf);
	(erf) = vrcp.f32 v57;
	v61 =	vand.u32 $0x7FFFFF, v39;
	v53 =	vmul.f32 $5.000000000e-01, v46  }
0x15b: {  	v57 =	vadd.f32 $1.000000000e+00, v58;
	v49 =	vor.u32 $0x3F800000, v61;
	vm11 =	vgt.f32 v46, $1.414213540e+00  }
0x15c: {  	[tilespmem:$0x1FEA0] =	vst v2;
	v2 =	vpop (erf);
	(erf) = vrcp.f32 v63;
	v60 =	vmul.f32 $5.000000000e-01, v49;
	v63 =	vsel vm11, v53, v46  }
0x15d: {  	vm5 =	vgt.f32 v49, $1.414213540e+00;
	v61 =	vpop (erf);
	(erf) = vrcp.f32 v57;
	v46 =	vadd.f32 $1.000000000e+00, v63  }
0x15e: {  	v60 =	vsel vm5, v60, v49;
	v49 =	vsel vm4, $0xFFFFFF82, v27;
	v53 =	vpop (erf);
	(erf) = vrcp.f32 v62  }
0x15f: {  	v62 =	vadd.f32 $1.000000000e+00, v60;
	v42 =	vadd.s32 v42, v49;
	v57 =	vpop (erf);
	(erf) = vrcp.f32 v46  }
0x160: {  	v46 =	vmul.f32 v61, v1;
	v1 =	vshra.s32 v48, $0x17;
	v61 =	vsel vm2, $0xFFFFFF82, v27  }
0x161: {  	v9 =	vpop (erf);
	(erf) = vrcp.f32 v62;
	v62 =	vadd.f32 $-1.000000000e+00, v47;
	v47 =	vmul.f32 v53, v0  }
0x162: {  	v0 =	vadd.f32 $-1.000000000e+00, v3;
	v3 =	vadd.f32 $-1.000000000e+00, v50;
	v26 =	vadd.s32 v1, v61  }
0x163: {  	v49 =	vsel vm3, $0xFFFFFF82, v27;
	v53 =	vpop (erf);
	v26 =	vcvt.s32.f32 v26;
	v45 =	vmul.f32 v57, v62  }
0x164: {  	v44 =	vadd.s32 v44, v49;
	v50 =	vmul.f32 v9, v0;
	v49 =	vmul.f32 v53, v3  }
0x165: {  	v57 =	vpop (erf);
	v9 =	vadd.f32 $-1.000000000e+00, v11;
	v3 =	vshra.s32 v51, $0x17;
	v62 =	vsel vm1, $0xFFFFFF82, v27  }
0x166: {  	v48 =	vmul.f32 v57, v10;
	v10 =	vadd.f32 $-1.000000000e+00, v52;
	v25 =	vadd.s32 v3, v62  }
0x167: {  	v12 =	vadd.f32 $-1.000000000e+00, v12;
	v26 =	vmul.f32 $6.931471820e-01, v26;
	v0 =	vpop (erf);
	v25 =	vcvt.s32.f32 v25  }
0x168: {  	v11 =	vpop (erf);
	v52 =	vmul.f32 v0, v9;
	v0 =	vadd.f32 $-1.000000000e+00, v54;
	v9 =	vadd.f32 $-1.000000000e+00, v55  }
0x169: {  	v57 =	vpop (erf);
	v53 =	vmul.f32 v11, v12;
	v11 =	vadd.f32 $-1.000000000e+00, v56;
	v12 =	vsel vm0, $0xFFFFFF82, v27  }
0x16a: {  	v51 =	vmul.f32 v57, v10;
	v10 =	vpop (erf);
	v24 =	vadd.s32 v8, v12;
	v12 =	vsel vm15, $0xFFFFFF82, v27  }
0x16b: {  	v25 =	vmul.f32 $6.931471820e-01, v25;
	v61 =	vpop (erf);
	v57 =	vmul.f32 v10, v0;
	v23 =	vadd.s32 v7, v12  }
0x16c: {  	v12 =	vmul.f32 v50, v50;
	v55 =	vmul.f32 v61, v9;
	v0 =	vpop (erf);
	v9 =	vadd.f32 $-1.000000000e+00, v59  }
0x16d: {  	v61 =	vmul.f32 v49, v49;
	v54 =	vmul.f32 v0, v11;
	v0 =	vadd.f32 $-1.000000000e+00, v58;
	v10 =	vpop (erf)  }
0x16e: {  	v56 =	vsel vm13, $0xFFFFFF82, v27;
	v23 =	vcvt.s32.f32 v23;
	v1 =	vmul.f32 $2.222222240e-01, v12;
	v62 =	vpop (erf)  }
0x16f: {  	v11 =	vadd.f32 $-1.000000000e+00, v63;
	v58 =	vmul.f32 v10, v0;
	v59 =	vmul.f32 v62, v9  }
0x170: {  	v9 =	vsel vm14, $0xFFFFFF82, v27;
	v10 =	vmul.f32 v47, v47;
	v1 =	vadd.f32 $2.857142980e-01, v1  }
0x171: {  	v23 =	vmul.f32 $6.931471820e-01, v23;
	v22 =	vadd.s32 v5, v9;
	v9 =	vmul.f32 v46, v46  }
0x172: {  	v56 =	vadd.s32 v4, v56;
	v0 =	vpop (erf);
	v4 =	vmul.f32 $2.222222240e-01, v10;
	v1 =	vmul.f32 v1, v12  }
0x173: {  	v43 =	vshra.s32 v43, $0x17;
	v22 =	vcvt.s32.f32 v22;
	v20 =	vmul.f32 v0, v11  }
0x174: {  	[tilespmem:$0x1FEB0] =	vst v2;
	v60 =	vadd.f32 $-1.000000000e+00, v60;
	v11 =	vmul.f32 v45, v45;
	v62 =	vmul.f32 $2.222222240e-01, v9  }
0x175: {  	v0 =	vmul.f32 $2.222222240e-01, v61;
	v2 =	vadd.f32 $2.857142980e-01, v4;
	v1 =	vadd.f32 $4.000000060e-01, v1  }
0x176: {  	v22 =	vmul.f32 $6.931471820e-01, v22;
	v63 =	vmul.f32 $2.222222240e-01, v11;
	v62 =	vadd.f32 $2.857142980e-01, v62  }
0x177: {  	v0 =	vadd.f32 $2.857142980e-01, v0;
	v4 =	vpop (erf);
	v2 =	vmul.f32 v2, v10;
	v1 =	vmul.f32 v1, v12  }
0x178: {  	v63 =	vadd.f32 $2.857142980e-01, v63;
	v19 =	vmul.f32 v4, v60;
	v60 =	vmul.f32 v62, v9  }
0x179: {  	v0 =	vmul.f32 v0, v61;
	v2 =	vadd.f32 $4.000000060e-01, v2;
	v1 =	vadd.f32 $6.666666860e-01, v1  }
0x17a: {  	v62 =	vmul.f32 v63, v11;
	v60 =	vadd.f32 $4.000000060e-01, v60;
	v63 =	vsel vm12, $0xFFFFFF82, v27  }
0x17b: {  	v43 =	vadd.s32 v43, v63;
	v63 =	vmul.f32 v48, v48;
	v16 =	vmul.f32 v1, v12  }
0x17c: {  	v2 =	vmul.f32 v2, v10;
	v62 =	vadd.f32 $4.000000060e-01, v62;
	v60 =	vmul.f32 v60, v9  }
0x17d: {  	v3 =	vadd.f32 $4.000000060e-01, v0;
	v0 =	vmul.f32 $2.222222240e-01, v63;
	v16 =	vadd.f32 $2.000000000e+00, v16  }
0x17e: {  	v2 =	vadd.f32 $6.666666860e-01, v2;
	v62 =	vmul.f32 v62, v11;
	v60 =	vadd.f32 $6.666666860e-01, v60  }
0x17f: {  	v12 =	vmul.f32 v51, v51;
	v0 =	vadd.f32 $2.857142980e-01, v0;
	v16 =	vmul.f32 v16, v50  }
0x180: {  	v60 =	vmul.f32 v60, v9;
	v9 =	vadd.f32 $6.666666860e-01, v62;
	v62 =	vmul.f32 v2, v10  }
0x181: {  	v40 =	vshra.s32 v40, $0x17;
	v2 =	vmul.f32 v3, v61;
	v1 =	vmul.f32 v0, v63  }
0x182: {  	v10 =	vsel vm9, $0xFFFFFF82, v27;
	v14 =	vmul.f32 v9, v11;
	v11 =	vmul.f32 v52, v52  }
0x183: {  	v9 =	vshra.s32 v41, $0x17;
	v2 =	vadd.f32 $6.666666860e-01, v2;
	v41 =	vmul.f32 v53, v53  }
0x184: {  	v21 =	vadd.s32 v9, v10;
	v10 =	vmul.f32 v57, v57;
	v0 =	vmul.f32 $2.222222240e-01, v11  }
0x185: {  	v38 =	vshra.s32 v38, $0x17;
	v61 =	vmul.f32 v2, v61;
	v2 =	vmul.f32 $2.222222240e-01, v12  }
0x186: {  	v3 =	vadd.f32 $4.000000060e-01, v1;
	v14 =	vadd.f32 $2.000000000e+00, v14;
	v1 =	vmul.f32 $2.222222240e-01, v10  }
0x187: {  	v21 =	vcvt.s32.f32 v21;
	v5 =	vadd.f32 $2.857142980e-01, v0;
	v2 =	vadd.f32 $2.857142980e-01, v2  }
0x188: {  	v3 =	vmul.f32 v3, v63;
	v0 =	vmul.f32 $2.222222240e-01, v41;
	v1 =	vadd.f32 $2.857142980e-01, v1  }
0x189: {  	v37 =	vshra.s32 v37, $0x17;
	v5 =	vmul.f32 v5, v11;
	v2 =	vmul.f32 v2, v12  }
0x18a: {  	v14 =	vmul.f32 v14, v45;
	v4 =	vadd.f32 $2.857142980e-01, v0;
	v1 =	vmul.f32 v1, v10  }
0x18b: {  	v21 =	vmul.f32 $6.931471820e-01, v21;
	v5 =	vadd.f32 $4.000000060e-01, v5;
	v2 =	vadd.f32 $4.000000060e-01, v2  }
0x18c: {  	v0 =	vadd.f32 $6.666666860e-01, v3;
	v3 =	vsel vm8, $0xFFFFFF82, v27;
	v1 =	vadd.f32 $4.000000060e-01, v1  }
0x18d: {  	v14 =	vadd.f32 v14, v26;
	v5 =	vmul.f32 v5, v11;
	v2 =	vmul.f32 v2, v12  }
0x18e: {  	v26 =	vcvt.s32.f32 v43;
	v18 =	vadd.s32 v40, v3;
	v1 =	vmul.f32 v1, v10  }
0x18f: {  	v40 =	vsel vm6, $0xFFFFFF82, v27;
	v5 =	vadd.f32 $6.666666860e-01, v5;
	v2 =	vadd.f32 $6.666666860e-01, v2  }
0x190: {  	v4 =	vmul.f32 v4, v41;
	v8 =	vmul.f32 v0, v63;
	v1 =	vadd.f32 $6.666666860e-01, v1  }
0x191: {  	v6 =	vmul.f32 v5, v11;
	v11 =	vmul.f32 v2, v12;
	v2 =	vshra.s32 v15, $0x17  }
0x192: {  	v12 =	vmul.f32 v55, v55;
	v7 =	vmul.f32 v1, v10;
	v10 =	vsel vm10, $0xFFFFFF82, v27  }
0x193: {  	v63 =	vsel vm7, $0xFFFFFF82, v27;
	v4 =	vadd.f32 $4.000000060e-01, v4;
	v10 =	vadd.s32 v2, v10  }
0x194: {  	v2 =	vshra.s32 v13, $0x17;
	v13 =	vmul.f32 v20, v20;
	v0 =	vmul.f32 $2.222222240e-01, v12  }
0x195: {  	v9 =	vadd.s32 v37, v40;
	v37 =	vmul.f32 v58, v58;
	v4 =	vmul.f32 v4, v41  }
0x196: {  	v40 =	vmul.f32 v19, v19;
	v3 =	vadd.f32 $2.857142980e-01, v0;
	v0 =	vmul.f32 $2.222222240e-01, v13  }
0x197: {  	v63 =	vadd.s32 v38, v63;
	v8 =	vadd.f32 $2.000000000e+00, v8;
	v4 =	vadd.f32 $6.666666860e-01, v4  }
0x198: {  	v38 =	vmul.f32 v59, v59;
	v15 =	vmul.f32 v54, v54;
	v0 =	vadd.f32 $2.857142980e-01, v0  }
0x199: {  	v16 =	vadd.f32 v16, v25;
	v8 =	vmul.f32 v8, v48;
	v5 =	vmul.f32 v4, v41  }
0x19a: {  	v41 =	vsel vm11, $0xFFFFFF82, v27;
	v1 =	vmul.f32 $2.222222240e-01, v15;
	v0 =	vmul.f32 v0, v13  }
0x19b: {  	v6 =	vadd.f32 $2.000000000e+00, v6;
	v17 =	vadd.s32 v2, v41;
	v41 =	vmul.f32 $2.222222240e-01, v37  }
0x19c: {  	v2 =	vmul.f32 $2.222222240e-01, v38;
	v4 =	vadd.f32 $2.857142980e-01, v1;
	v0 =	vadd.f32 $4.000000060e-01, v0  }
0x19d: {  	v11 =	vadd.f32 $2.000000000e+00, v11;
	v1 =	vmul.f32 $2.222222240e-01, v40;
	v6 =	vmul.f32 v6, v52  }
0x19e: {  	v7 =	vadd.f32 $2.000000000e+00, v7;
	v4 =	vmul.f32 v4, v15;
	v0 =	vmul.f32 v0, v13  }
0x19f: {  	v41 =	vadd.f32 $2.857142980e-01, v41;
	v3 =	vmul.f32 v3, v12;
	v1 =	vadd.f32 $2.857142980e-01, v1  }
0x1a0: {  	v11 =	vmul.f32 v11, v51;
	v4 =	vadd.f32 $4.000000060e-01, v4;
	v0 =	vadd.f32 $6.666666860e-01, v0  }
0x1a1: {  	v7 =	vmul.f32 v7, v57;
	v3 =	vadd.f32 $4.000000060e-01, v3;
	v1 =	vmul.f32 v1, v40  }
0x1a2: {  	v2 =	vadd.f32 $2.857142980e-01, v2;
	v4 =	vmul.f32 v4, v15;
	v0 =	vmul.f32 v0, v13  }
0x1a3: {  	v22 =	vadd.f32 v6, v22;
	v3 =	vmul.f32 v3, v12;
	v1 =	vadd.f32 $4.000000060e-01, v1  }
0x1a4: {  	v6 =	vcvt.s32.f32 v9;
	v4 =	vadd.f32 $6.666666860e-01, v4;
	v0 =	vadd.f32 $2.000000000e+00, v0  }
0x1a5: {  	v9 =	vmul.f32 $6.931471820e-01, v26;
	v3 =	vadd.f32 $6.666666860e-01, v3;
	v1 =	vmul.f32 v1, v40  }
0x1a6: {  	v21 =	vadd.f32 v7, v21;
	v4 =	vmul.f32 v4, v15;
	v7 =	vmul.f32 v0, v20;
	v0 =	vld [tilespmem:$0x1FEE0]  }
0x1a7: {  	v3 =	vmul.f32 v3, v12;
	v1 =	vadd.f32 $6.666666860e-01, v1;
	v15 =	vadd.f32 $2.000000000e+00, v62  }
0x1a8: {  	v62 =	vadd.f32 v8, v23;
	v23 =	vcvt.s32.f32 v63;
	v4 =	vadd.f32 $2.000000000e+00, v4  }
0x1a9: {  	v2 =	vmul.f32 v2, v38;
	v1 =	vmul.f32 v1, v40;
	v3 =	vadd.f32 $2.000000000e+00, v3  }
0x1aa: {  	v26 =	vadd.f32 v11, v9;
	v9 =	vmul.f32 $6.931471820e-01, v23;
	v4 =	vmul.f32 v4, v54  }
0x1ab: {  	v2 =	vadd.f32 $4.000000060e-01, v2;
	v3 =	vmul.f32 v3, v55;
	v55 =	vsel vm5, $0xFFFFFF82, v27;
	v27 =	vld [tilespmem:$0x1FED0];
	[tilespmem:s23+$0x0] =	vst v0  }
0x1ac: {  	v25 =	vadd.f32 $2.000000000e+00, v1;
	v1 =	vadd.f32 v4, v9;
	v4 =	vld [tilespmem:$0x1FEF0]  }
0x1ad: {  	v41 =	vmul.f32 v41, v37  }
0x1ae: {  	v2 =	vmul.f32 v2, v38  }
0x1af: {  	v41 =	vadd.f32 $4.000000060e-01, v41  }
0x1b0: {  	v2 =	vadd.f32 $6.666666860e-01, v2  }
0x1b1: {  	v41 =	vmul.f32 v41, v37;
	[tilespmem:s23+$0x10] =	vst v4  }
0x1b2: {  	v18 =	vcvt.s32.f32 v18;
	v2 =	vmul.f32 v2, v38;
	v9 =	vld [tilespmem:$0x1FF00]  }
0x1b3: {  	v41 =	vadd.f32 $6.666666860e-01, v41  }
0x1b4: {  	v18 =	vmul.f32 $6.931471820e-01, v18;
	v10 =	vcvt.s32.f32 v10;
	v2 =	vadd.f32 $2.000000000e+00, v2  }
0x1b5: {  	v24 =	vcvt.s32.f32 v24;
	v8 =	vld [tilespmem:s26+$0xFFFFFF00];
	v12 =	vmul.f32 v41, v37;
	v13 =	vadd.f32 $2.000000000e+00, v60  }
0x1b6: {  	v2 =	vmul.f32 v2, v59;
	v0 =	vadd.f32 v3, v18;
	v3 =	vmul.f32 $6.931471820e-01, v10  }
0x1b7: {  	v24 =	vmul.f32 $6.931471820e-01, v24;
	v13 =	vmul.f32 v13, v46;
	v46 =	vadd.f32 $2.000000000e+00, v61;
	[tilespmem:s23+$0x20] =	vst v9  }
0x1b8: {  	v15 =	vmul.f32 v15, v47;
	v12 =	vadd.f32 $2.000000000e+00, v12;
	v9 =	vadd.f32 v2, v3;
	v3 =	vld [tilespmem:$0x1FF10]  }
0x1b9: {  	v5 =	vadd.f32 $2.000000000e+00, v5;
	v60 =	vcvt.s32.f32 v56;
	v47 =	vmul.f32 v46, v49  }
0x1ba: {  	v6 =	vmul.f32 $6.931471820e-01, v6;
	v12 =	vmul.f32 v12, v58;
	v23 =	vadd.f32 v8, v8  }
0x1bb: {  	v5 =	vmul.f32 v5, v53;
	v61 =	vadd.f32 v47, v24;
	v24 =	vmul.f32 $6.931471820e-01, v60  }
0x1bc: {  	v11 =	vld [tilespmem:s26+$0xFFFFFF20];
	v10 =	vadd.f32 v12, v6;
	v12 =	vmul.f32 $1.442695020e+00, v23  }
0x1bd: {  	v5 =	vadd.f32 v5, v24;
	v24 =	vld [tilespmem:s26+$0xFFFFFF10];
	[tilespmem:s23+$0x30] =	vst v3  }
0x1be: {  	(erf) = vpow2.f32 v12;
	v12 =	vld [tilespmem:$0x1FF20]  }
0x1bf: {  	v20 =	vld [tilespmem:s26+$0xFFFFFF30];
	_ =	sdelay $0x3  }
0x1c0: {  	v23 =	vadd.f32 v24, v8;
	v8 =	vadd.f32 v24, v24;
	[tilespmem:s23+$0x40] =	vst v12  }
0x1c1: {  	v24 =	vadd.f32 v20, v11;
	v4 =	vmul.f32 v25, v19;
	v19 =	vadd.f32 v11, v11;
	v11 =	vld [tilespmem:$0x1FF30];
	_ =	sdelay $0x4  }
0x1c2: {  	[tilespmem:s23+$0x50] =	vst v11  }
0x1c3: {  	v12 =	vld [tilespmem:$0x1FF40];
	_ =	sdelay $0x1  }
0x1c4: {  	v54 =	vshra.s32 v39, $0x17  }
0x1c5: {  	v37 =	vadd.s32 v54, v55  }
0x1c6: {  	v2 =	vcvt.s32.f32 v17;
	v17 =	vcvt.s32.f32 v37  }
0x1c7: {  	[tilespmem:s23+$0x60] =	vst v12  }
0x1c8: {  	v11 =	vmul.f32 $6.931471820e-01, v17;
	v17 =	vld [tilespmem:$0x1FF50];
	_ =	sdelay $0x3  }
0x1c9: {  	v6 =	vld [tilespmem:s26+$0xFFFFFF40];
	v8 =	vmul.f32 $1.442695020e+00, v8  }
0x1ca: {  	v3 =	vld [tilespmem:s26+$0xFFFFFF50];
	[tilespmem:s23+$0xFFFFFF80] =	vst v17  }
0x1cb: {  	(erf) = vpow2.f32 v8;
	v8 =	vld [tilespmem:$0x1FF60];
	_ =	sdelay $0x3  }
0x1cc: {  	v2 =	vmul.f32 $6.931471820e-01, v2  }
0x1cd: {  	v25 =	vadd.f32 v3, v6;
	[tilespmem:s23+$0xFFFFFF90] =	vst v8  }
0x1ce: {  	v12 =	vadd.f32 v7, v2;
	v2 =	vadd.f32 v6, v6;
	v6 =	vld [tilespmem:$0x1FF70];
	_ =	sdelay $0x4  }
0x1cf: {  	[tilespmem:s23+$0xFFFFFFA0] =	vst v6  }
0x1d0: {  	v6 =	vld [tilespmem:$0x1FF80]  }
0x1d1: {  	v20 =	vadd.f32 v20, v20  }
0x1d2: {  	v7 =	vmul.f32 $1.442695020e+00, v19  }
0x1d3: {  	v11 =	vadd.f32 v4, v11;
	v4 =	vmul.f32 $1.442695020e+00, v20  }
0x1d4: {  	(erf) = vpow2.f32 v7;
	v2 =	vmul.f32 $1.442695020e+00, v2  }
0x1d5: {  	(erf) = vpow2.f32 v4;
	[tilespmem:s23+$0xFFFFFFB0] =	vst v6  }
0x1d6: {  	(erf) = vpow2.f32 v2;
	v2 =	vld [tilespmem:$0x1FF90];
	_ =	sdelay $0x3  }
0x1d7: {  	v63 =	vld [tilespmem:s26+$0xFFFFFF70];
	v3 =	vadd.f32 v3, v3  }
0x1d8: {  	v18 =	vld [tilespmem:s26+$0xFFFFFF60];
	[tilespmem:s23+$0xFFFFFFC0] =	vst v2  }
0x1d9: {  	v58 =	vcvt.s32.f32 v44;
	v6 =	vmul.f32 $1.442695020e+00, v3;
	v3 =	vld [tilespmem:$0x1FFA0]  }
0x1da: {  	v57 =	vcvt.s32.f32 v42  }
0x1db: {  	v38 =	vadd.f32 v34, v33;
	v59 =	vmul.f32 $6.931471820e-01, v58  }
0x1dc: {  	v40 =	vadd.f32 v36, v35;
	v51 =	vadd.f32 v30, v27;
	v30 =	vmul.f32 $6.931471820e-01, v57;
	[tilespmem:s23+$0xFFFFFFE0] =	vst v28  }
0x1dd: {  	v39 =	vadd.f32 v32, v31;
	v15 =	vadd.f32 v15, v59;
	[tilespmem:s23+$0xFFFFFFF0] =	vst v29  }
0x1de: {  	v13 =	vadd.f32 v13, v30;
	v27 =	vadd.f32 v63, v18;
	[tilespmem:s23+$0xFFFFFFD0] =	vst v3  }
0x1df: {  	v4 =	vadd.f32 v18, v18;
	v17 =	vsub.f32 $0.0e+00, v5;
	v5 =	vld [tilespmem:$0x1FFB0]  }
0x1e0: {  	v19 =	vadd.f32 v63, v63;
	v7 =	vsub.f32 $0.0e+00, v15  }
0x1e1: {  	v18 =	vsub.f32 $0.0e+00, v62;
	v4 =	vmul.f32 $1.442695020e+00, v4;
	v8 =	vsub.f32 $0.0e+00, v16  }
0x1e2: {  	v16 =	vsub.f32 $0.0e+00, v21;
	(erf) = vpow2.f32 v6;
	v6 =	vsub.f32 $0.0e+00, v61  }
0x1e3: {  	(erf) = vpow2.f32 v4;
	v4 =	vsub.f32 $0.0e+00, v22;
	v2 =	vsub.f32 $0.0e+00, v13  }
0x1e4: {  	s28 =	simm.s32 $0x2;
	s29 =	sadd.s32 $0x200, s26;
	s26 =	smov.u32 s23;
	v15 =	vmul.f32 $1.442695020e+00, v19;
	v3 =	vsub.f32 $0.0e+00, v14;
	[tilespmem:s23+$0x70] =	vst v5;
	v5 =	vsub.f32 $0.0e+00, v26  }
.LBB2_15:
0x1e5: {  	_ = 	snop  }
0x1e6: {  	v30 =	vsub.f32 $0.0e+00, v1;
	v32 =	vsub.f32 $0.0e+00, v9;
	v33 =	vmul.f32 v3, v3  }
0x1e7: {  	v34 =	vmul.f32 v8, v8;
	v12 =	vsub.f32 $0.0e+00, v12;
	v11 =	vsub.f32 $0.0e+00, v11  }
0x1e8: {  	v23 =	vadd.f32 v24, v23;
	v1 =	vmul.f32 v2, v2;
	v31 =	vmul.f32 v7, v7  }
0x1e9: {  	v13 =	vld [tilespmem:s29+$0x0];
	v21 =	vsub.f32 $0.0e+00, v0;
	v0 =	vmul.f32 v7, v2;
	(erf) = vpow2.f32 v15  }
0x1ea: {  	v24 =	vadd.f32 v27, v25;
	v19 =	vmul.f32 v18, v6;
	v43 =	vmul.f32 v17, v4  }
0x1eb: {  	v26 =	vpop (erf);
	v10 =	vsub.f32 $0.0e+00, v10;
	v35 =	vmul.f32 v16, v5;
	v25 =	vmul.f32 v6, v6  }
0x1ec: {  	v9 =	vpop (erf);
	v42 =	vmul.f32 v11, v12;
	v15 =	vmul.f32 v8, v3  }
0x1ed: {  	v20 =	vpop (erf);
	v36 =	vmul.f32 v30, v21;
	v41 =	vmul.f32 v32, v10  }
0x1ee: {  	v28 =	vpop (erf);
	[tilespmem:$0x1FBA0] =	vst v13;
	v14 =	vadd.f32 v13, v13;
	v13 =	vmul.f32 v43, v19;
	v0 =	vmul.f32 v15, v0  }
0x1ef: {  	v37 =	vadd.f32 v39, v51;
	v35 =	vmul.f32 v36, v35;
	v48 =	vmul.f32 v42, v41;
	v29 =	vpop (erf)  }
0x1f0: {  	v38 =	vadd.f32 v40, v38;
	v49 =	vmul.f32 v18, v18;
	v22 =	vpop (erf);
	v27 =	vmul.f32 v13, v0  }
0x1f1: {  	v50 =	vmul.f32 v4, v4;
	v35 =	vmul.f32 v48, v35;
	v19 =	vpop (erf)  }
0x1f2: {  	v0 =	vadd.f32 v38, v37;
	v51 =	vand.u32 $0x7FFFFF, v27;
	v15 =	vpop (erf);
	(erf) = vrcp.f32 v1  }
0x1f3: {  	v38 =	vor.u32 $0x3F800000, v51;
	v1 =	vand.u32 $0x7FFFFF, v35;
	(erf) = vrcp.f32 v31  }
0x1f4: {  	v52 =	vmul.f32 $5.000000000e-01, v38;
	v1 =	vor.u32 $0x3F800000, v1;
	(erf) = vrcp.f32 v33  }
0x1f5: {  	vm1 =	vgt.f32 v38, $1.414213540e+00;
	v53 =	vmul.f32 $5.000000000e-01, v1;
	(erf) = vrcp.f32 v34  }
0x1f6: {  	v31 =	vsel vm1, v52, v38;
	vm0 =	vgt.f32 v1, $1.414213540e+00;
	(erf) = vrcp.f32 v25  }
0x1f7: {  	v54 =	vadd.f32 $1.000000000e+00, v31;
	v25 =	vsel vm0, v53, v1;
	(erf) = vrcp.f32 v49  }
0x1f8: {  	v1 =	vadd.f32 v24, v23;
	v23 =	vadd.f32 $1.000000000e+00, v25;
	(erf) = vrcp.f32 v50  }
0x1f9: {  	v24 =	vmul.f32 v17, v17;
	(erf) = vrcp.f32 v54  }
0x1fa: {  	v13 =	vmul.f32 v5, v5;
	(erf) = vrcp.f32 v23  }
0x1fb: {  	v55 =	vmul.f32 v16, v16;
	v6 =	vadd.f32 v18, v6;
	v18 =	vpop (erf);
	(erf) = vrcp.f32 v24  }
0x1fc: {  	v24 =	vmul.f32 v21, v21;
	(erf) = vrcp.f32 v13  }
0x1fd: {  	v2 =	vadd.f32 v7, v2;
	v7 =	vpop (erf);
	v13 =	vmul.f32 v30, v30;
	(erf) = vrcp.f32 v55  }
0x1fe: {  	v56 =	vmul.f32 v10, v10;
	v3 =	vadd.f32 v8, v3;
	v8 =	vpop (erf);
	(erf) = vrcp.f32 v24  }
0x1ff: {  	v23 =	vpop (erf);
	v24 =	vmul.f32 v32, v32;
	(erf) = vrcp.f32 v13  }
0x200: {  	v4 =	vadd.f32 v17, v4;
	v17 =	vpop (erf);
	v13 =	vmul.f32 v12, v12;
	(erf) = vrcp.f32 v56  }
0x201: {  	v5 =	vadd.f32 v16, v5;
	v16 =	vpop (erf);
	(erf) = vrcp.f32 v24  }
0x202: {  	v2 =	vadd.f32 v3, v2;
	v3 =	vpop (erf);
	(erf) = vrcp.f32 v13;
	v13 =	vld [tilespmem:$0x1FE40];
	_ =	sdelay $0x2  }
0x203: {  	v10 =	vadd.f32 v32, v10;
	v12 =	vadd.f32 v11, v12;
	_ =	sdelay $0x1  }
0x204: {  	v18 =	vmul.f32 v18, v13;
	v13 =	vadd.f32 v12, v10;
	v10 =	vld [tilespmem:$0x1FE50];
	_ =	sdelay $0x4  }
0x205: {  	v7 =	vmul.f32 v7, v10;
	v10 =	vld [tilespmem:$0x1FE60];
	_ =	sdelay $0x4  }
0x206: {  	v8 =	vmul.f32 v8, v10;
	v10 =	vld [tilespmem:$0x1FE70];
	_ =	sdelay $0x4  }
0x207: {  	v59 =	vmul.f32 v23, v10;
	v10 =	vld [tilespmem:$0x1FE80];
	_ =	sdelay $0x2  }
0x208: {  	v24 =	vadd.f32 $-1.000000000e+00, v25;
	v57 =	vpop (erf)  }
0x209: {  	v4 =	vadd.f32 v4, v6;
	v6 =	vpop (erf)  }
0x20a: {  	v6 =	vmul.f32 v6, v24;
	v17 =	vmul.f32 v17, v10;
	v10 =	vld [tilespmem:$0x1FE90]  }
0x20b: {  	v31 =	vadd.f32 $-1.000000000e+00, v31;
	v21 =	vadd.f32 v30, v21;
	v11 =	vmul.f32 v11, v11;
	v25 =	vpop (erf)  }
0x20c: {  	v36 =	vmul.f32 v6, v6;
	v12 =	vpop (erf)  }
0x20d: {  	v5 =	vadd.f32 v21, v5;
	(erf) = vrcp.f32 v11;
	v11 =	vmul.f32 v57, v31;
	v58 =	vpop (erf)  }
0x20e: {  	s26 =	sadd.s32 $0x100, s26;
	v21 =	vld [tilespmem:$0x1FEB0];
	v9 =	vmul.f32 v58, v9;
	v23 =	vshra.s32 v27, $0x17;
	v27 =	vmul.f32 $2.222222240e-01, v36  }
0x20f: {  	v2 =	vadd.f32 v4, v2;
	v4 =	vmul.f32 v11, v11;
	[tilespmem:s26+$0x0] =	vst v18;
	v16 =	vmul.f32 v16, v10;
	v10 =	vld [tilespmem:$0x1FEA0]  }
0x210: {  	[tilespmem:s26+$0xFFFFFF90] =	vst v9;
	v27 =	vadd.f32 $2.857142980e-01, v27  }
0x211: {  	v62 =	vmul.f32 $2.222222240e-01, v4;
	[tilespmem:s26+$0x10] =	vst v7  }
0x212: {  	v60 =	vpop (erf);
	v24 =	vld [tilespmem:s29+$0x10];
	[tilespmem:s26+$0x20] =	vst v8;
	v54 =	vmul.f32 v27, v36  }
0x213: {  	v51 =	vmul.f32 v25, v21;
	v12 =	vmul.f32 v12, v26;
	v52 =	vadd.f32 $2.857142980e-01, v62;
	v63 =	vpop (erf);
	v38 =	vld [tilespmem:s29+$0x20];
	[tilespmem:s26+$0x30] =	vst v59  }
0x214: {  	v20 =	vmul.f32 v60, v20;
	v49 =	vpop (erf);
	v50 =	vld [tilespmem:s29+$0x30];
	v57 =	vadd.f32 $4.000000060e-01, v54;
	[tilespmem:s26+$0x40] =	vst v17;
	v3 =	vmul.f32 v3, v10  }
0x215: {  	v28 =	vmul.f32 v63, v28;
	v9 =	vadd.f32 v9, v12;
	v53 =	vpop (erf);
	v21 =	vld [tilespmem:s29+$0x40];
	[tilespmem:s26+$0x50] =	vst v16;
	v10 =	vimm.s32 $0xFFFFFF81  }
0x216: {  	v44 =	vpop (erf);
	v7 =	vadd.f32 v7, v18;
	v18 =	vmul.f32 v57, v36;
	v25 =	vld [tilespmem:s29+$0x50];
	v48 =	vsel vm1, $0xFFFFFF82, v10;
	[tilespmem:s26+$0x60] =	vst v3  }
0x217: {  	v55 =	vpop (erf);
	v8 =	vadd.f32 v59, v8;
	v37 =	vadd.s32 v23, v48;
	v23 =	vmul.f32 v52, v4;
	v27 =	vld [tilespmem:s29+$0x60]  }
0x218: {  	[tilespmem:s26+$0xFFFFFF80] =	vst v12;
	v12 =	vmul.f32 v55, v15;
	v15 =	vadd.f32 $6.666666860e-01, v18;
	v18 =	vadd.f32 v28, v20;
	v56 =	vld [tilespmem:s29+$0x70]  }
0x219: {  	s25 =	sadd.s32 $0x200, s25;
	v16 =	vadd.f32 v16, v17;
	[tilespmem:s26+$0x70] =	vst v51;
	v58 =	vadd.f32 $4.000000060e-01, v23;
	v23 =	vld [tilespmem:s29+$0xFFFFFF00]  }
0x21a: {  	v9 =	vadd.f32 v18, v9;
	v3 =	vadd.f32 v51, v3;
	[tilespmem:s26+$0xFFFFFFA0] =	vst v20;
	v18 =	vld [tilespmem:s25+$0x20]  }
0x21b: {  	v59 =	vld [tilespmem:s29+$0xFFFFFF10]  }
0x21c: {  	v7 =	vadd.f32 v8, v7;
	v3 =	vadd.f32 v3, v16;
	[tilespmem:s26+$0xFFFFFFB0] =	vst v28;
	v28 =	vld [tilespmem:s25+$0x50]  }
0x21d: {  	v29 =	vmul.f32 v49, v29;
	v22 =	vmul.f32 v53, v22;
	v60 =	vld [tilespmem:s29+$0xFFFFFF20]  }
0x21e: {  	v61 =	vshra.s32 v35, $0x17;
	v3 =	vadd.f32 v3, v7;
	v7 =	vld [tilespmem:$0x1FE10]  }
0x21f: {  	v19 =	vmul.f32 v44, v19;
	v26 =	vsel vm0, $0xFFFFFF82, v10;
	v20 =	vadd.f32 v22, v29;
	[tilespmem:s26+$0xFFFFFFC0] =	vst v29;
	v29 =	vld [tilespmem:s25+$0x60]  }
0x220: {  	v5 =	vadd.f32 v13, v5;
	v26 =	vadd.s32 v61, v26;
	v61 =	vld [tilespmem:s29+$0xFFFFFF30];
	[tilespmem:s26+$0xFFFFFFD0] =	vst v22  }
0x221: {  	v42 =	vadd.f32 v24, v24;
	v15 =	vmul.f32 v15, v36;
	v22 =	vcvt.s32.f32 v37;
	v62 =	vld [tilespmem:s29+$0xFFFFFF40];
	[tilespmem:s26+$0xFFFFFFE0] =	vst v19  }
0x222: {  	v43 =	vadd.f32 v38, v38;
	[tilespmem:$0x1FBD0] =	vst v50;
	v49 =	vadd.f32 v50, v50;
	v17 =	vmul.f32 v58, v4;
	v63 =	vld [tilespmem:s29+$0xFFFFFF50]  }
0x223: {  	v50 =	vadd.f32 v21, v21;
	v8 =	vadd.f32 $2.000000000e+00, v15;
	[tilespmem:s26+$0xFFFFFFF0] =	vst v12;
	v15 =	vmul.f32 $6.931471820e-01, v22;
	v22 =	vld [tilespmem:s25+$0x0]  }
0x224: {  	v17 =	vadd.f32 $6.666666860e-01, v17;
	v12 =	vadd.f32 v12, v19;
	v19 =	vld [tilespmem:s29+$0xFFFFFF60]  }
0x225: {  	v6 =	vmul.f32 v8, v6;
	v51 =	vadd.f32 v25, v25;
	v52 =	vadd.f32 v27, v27;
	v36 =	vld [tilespmem:s29+$0xFFFFFF70]  }
0x226: {  	v54 =	vadd.f32 v56, v56;
	v4 =	vmul.f32 v17, v4;
	v17 =	vcvt.s32.f32 v26;
	v26 =	vld [tilespmem:s25+$0x40]  }
0x227: {  	v53 =	vadd.f32 v23, v23;
	v13 =	vshra.s32 v18, $0x17;
	v41 =	vld [tilespmem:s25+$0xFFFFFF00];
	v55 =	vadd.f32 v59, v59  }
0x228: {  	[tilespmem:$0x1FBB0] =	vst v24;
	v18 =	vand.u32 $0x7FFFFF, v18;
	v44 =	vld [tilespmem:s25+$0xFFFFFF10];
	v12 =	vadd.f32 v12, v20;
	v5 =	vadd.f32 v5, v7  }
0x229: {  	[tilespmem:$0x1FC10] =	vst v56;
	v45 =	vld [tilespmem:s25+$0xFFFFFF20];
	v24 =	vshra.s32 v28, $0x17;
	v56 =	vadd.f32 v60, v60;
	v4 =	vadd.f32 $2.000000000e+00, v4  }
0x22a: {  	v46 =	vld [tilespmem:s25+$0xFFFFFF30];
	v28 =	vand.u32 $0x7FFFFF, v28;
	v57 =	vadd.f32 v61, v61;
	v8 =	vadd.f32 v12, v9  }
0x22b: {  	[tilespmem:$0x1FBC0] =	vst v38;
	v48 =	vld [tilespmem:s25+$0xFFFFFF50];
	v16 =	vmul.f32 $6.931471820e-01, v17;
	v2 =	vadd.f32 v2, v5;
	v58 =	vadd.f32 v62, v62  }
0x22c: {  	v37 =	vld [tilespmem:s25+$0x70];
	[tilespmem:$0x1FC40] =	vst v60;
	v12 =	vshra.s32 v29, $0x17;
	v9 =	vmul.f32 $1.442695020e+00, v52;
	v4 =	vmul.f32 v4, v11  }
0x22d: {  	v7 =	vld [tilespmem:$0x1FE20];
	[tilespmem:$0x1FC50] =	vst v61;
	v6 =	vadd.f32 v6, v16;
	v60 =	vadd.f32 v63, v63;
	v16 =	vshra.s32 v22, $0x17  }
0x22e: {  	v20 =	vld [tilespmem:s25+$0x30];
	[tilespmem:$0x1FC70] =	vst v63;
	v22 =	vand.u32 $0x7FFFFF, v22;
	v61 =	vadd.f32 v19, v19;
	v63 =	vadd.f32 v36, v36  }
0x22f: {  	[tilespmem:$0x1FBF0] =	vst v25;
	v25 =	vshra.s32 v26, $0x17;
	v30 =	vshra.s32 v41, $0x17;
	v38 =	vshra.s32 v44, $0x17  }
0x230: {  	[tilespmem:$0x1FC00] =	vst v27;
	v17 =	vld [tilespmem:s25+$0x10];
	v27 =	vshra.s32 v45, $0x17;
	v40 =	vshra.s32 v46, $0x17;
	v39 =	vshra.s32 v48, $0x17  }
0x231: {  	v26 =	vand.u32 $0x7FFFFF, v26;
	v41 =	vand.u32 $0x7FFFFF, v41;
	v5 =	vand.u32 $0x7FFFFF, v48  }
0x232: {  	v48 =	vor.u32 $0x3F800000, v22;
	v4 =	vadd.f32 v4, v15;
	v7 =	vadd.f32 v8, v7;
	v8 =	vld [tilespmem:$0x1FE30]  }
0x233: {  	[tilespmem:$0x1FBE0] =	vst v21;
	v21 =	vshra.s32 v20, $0x17;
	v15 =	vshra.s32 v37, $0x17;
	v20 =	vand.u32 $0x7FFFFF, v20  }
0x234: {  	v22 =	vor.u32 $0x3F800000, v5;
	vm8 =	vgt.f32 v48, $1.414213540e+00;
	v11 =	vmul.f32 $5.000000000e-01, v48  }
0x235: {  	[tilespmem:$0x1FC80] =	vst v19;
	v19 =	vshra.s32 v17, $0x17;
	v17 =	vand.u32 $0x7FFFFF, v17;
	vm1 =	vgt.f32 v22, $1.414213540e+00  }
0x236: {  	[tilespmem:$0x1FE10] =	vst v2;
	v32 =	vsel vm8, $0xFFFFFF82, v10;
	v2 =	vadd.f32 v3, v7;
	v3 =	vand.u32 $0x7FFFFF, v46  }
0x237: {  	v46 =	vor.u32 $0x3F800000, v20;
	v7 =	vmul.f32 $1.442695020e+00, v43;
	v1 =	vadd.f32 v1, v8;
	v8 =	vld [tilespmem:$0x1FEC0]  }
0x238: {  	vm6 =	vgt.f32 v46, $1.414213540e+00;
	[tilespmem:$0x1FE20] =	vst v2;
	v2 =	vand.u32 $0x7FFFFF, v45;
	v45 =	vor.u32 $0x3F800000, v18  }
0x239: {  	vm5 =	vgt.f32 v45, $1.414213540e+00;
	v0 =	vadd.f32 v0, v1;
	v1 =	vand.u32 $0x7FFFFF, v44  }
0x23a: {  	[tilespmem:$0x1FC20] =	vst v23;
	v44 =	vor.u32 $0x3F800000, v17;
	v17 =	vor.u32 $0x3F800000, v41;
	v41 =	vor.u32 $0x3F800000, v1  }
0x23b: {  	[tilespmem:$0x1FC30] =	vst v59;
	v1 =	vmul.f32 $1.442695020e+00, v42;
	v42 =	vor.u32 $0x3F800000, v2;
	v2 =	vmul.f32 $1.442695020e+00, v53  }
0x23c: {  	v47 =	vld [tilespmem:s25+$0xFFFFFF40];
	[tilespmem:$0x1FC60] =	vst v62;
	v52 =	vmul.f32 $5.000000000e-01, v46;
	v34 =	vsel vm5, $0xFFFFFF82, v10;
	v6 =	vadd.f32 v6, v8  }
0x23d: {  	v59 =	vld [tilespmem:s25+$0xFFFFFF60];
	v35 =	vsel vm6, $0xFFFFFF82, v10;
	v13 =	vadd.s32 v13, v34;
	[tilespmem:$0x1FD30] =	vst v2;
	v2 =	vmul.f32 $1.442695020e+00, v55  }
0x23e: {  	vm4 =	vgt.f32 v44, $1.414213540e+00;
	v23 =	vmul.f32 $5.000000000e-01, v44;
	[tilespmem:$0x1FE30] =	vst v0;
	v0 =	vadd.f32 v4, v6  }
0x23f: {  	v62 =	vld [tilespmem:s25+$0xFFFFFF70];
	vm14 =	vgt.f32 v17, $1.414213540e+00;
	v13 =	vcvt.s32.f32 v13;
	[tilespmem:$0x1FD40] =	vst v2;
	v2 =	vmul.f32 $1.442695020e+00, v56  }
0x240: {  	vm15 =	vgt.f32 v41, $1.414213540e+00;
	vm13 =	vgt.f32 v42, $1.414213540e+00;
	v33 =	vsel vm4, $0xFFFFFF82, v10;
	[tilespmem:$0x1FEC0] =	vst v0  }
0x241: {  	v8 =	vmul.f32 $1.442695020e+00, v50;
	v4 =	vand.u32 $0x7FFFFF, v47;
	v0 =	vshra.s32 v47, $0x17;
	[tilespmem:$0x1FD50] =	vst v2  }
0x242: {  	v20 =	vor.u32 $0x3F800000, v4;
	v2 =	vmul.f32 $1.442695020e+00, v57;
	[tilespmem:$0x1FB70] =	vst v0;
	v0 =	vshra.s32 v59, $0x17  }
0x243: {  	v6 =	vand.u32 $0x7FFFFF, v59;
	vm7 =	vgt.f32 v20, $1.414213540e+00;
	v59 =	vor.u32 $0x3F800000, v26;
	[tilespmem:$0x1FB80] =	vst v0  }
0x244: {  	v26 =	vor.u32 $0x3F800000, v6;
	v0 =	vshra.s32 v62, $0x17;
	[tilespmem:$0x1FD60] =	vst v2;
	v2 =	vmul.f32 $1.442695020e+00, v58  }
0x245: {  	v62 =	vand.u32 $0x7FFFFF, v62;
	vm0 =	vgt.f32 v59, $1.414213540e+00;
	[tilespmem:$0x1FB90] =	vst v0;
	v0 =	vand.u32 $0x7FFFFF, v29  }
0x246: {  	vm2 =	vgt.f32 v26, $1.414213540e+00;
	v47 =	vor.u32 $0x3F800000, v0;
	v0 =	vmul.f32 $1.442695020e+00, v14  }
0x247: {  	v29 =	vand.u32 $0x7FFFFF, v37;
	v37 =	vor.u32 $0x3F800000, v28;
	v28 =	vor.u32 $0x3F800000, v62  }
0x248: {  	v6 =	vsel vm0, $0xFFFFFF82, v10;
	v18 =	vor.u32 $0x3F800000, v29;
	(erf) = vpow2.f32 v0  }
0x249: {  	v29 =	vmul.f32 $1.442695020e+00, v49;
	v14 =	vor.u32 $0x3F800000, v3;
	(erf) = vpow2.f32 v1  }
0x24a: {  	v49 =	vmul.f32 $1.442695020e+00, v51;
	[tilespmem:$0x1FD70] =	vst v2;
	v2 =	vmul.f32 $1.442695020e+00, v60;
	vm9 =	vgt.f32 v37, $1.414213540e+00  }
0x24b: {  	[tilespmem:$0x1FC90] =	vst v36;
	vm3 =	vgt.f32 v28, $1.414213540e+00;
	vm12 =	vgt.f32 v47, $1.414213540e+00;
	vm11 =	vgt.f32 v18, $1.414213540e+00  }
0x24c: {  	vm10 =	vgt.f32 v14, $1.414213540e+00;
	v36 =	vsel vm9, $0xFFFFFF82, v10;
	[tilespmem:$0x1FD80] =	vst v2;
	v2 =	vmul.f32 $1.442695020e+00, v61  }
0x24d: {  	v5 =	vsel vm12, $0xFFFFFF82, v10;
	v4 =	vsel vm11, $0xFFFFFF82, v10;
	v3 =	vsel vm10, $0xFFFFFF82, v10  }
0x24e: {  	v0 =	vsel vm1, $0xFFFFFF82, v10;
	[tilespmem:$0x1FD90] =	vst v2;
	v2 =	vmul.f32 $1.442695020e+00, v63;
	(erf) = vpow2.f32 v7  }
0x24f: {  	v1 =	vsel vm3, $0xFFFFFF82, v10;
	v7 =	vsel vm14, $0xFFFFFF82, v10;
	(erf) = vpow2.f32 v29  }
0x250: {  	v29 =	vsel vm13, $0xFFFFFF82, v10;
	[tilespmem:$0x1FD20] =	vst v2;
	v2 =	vsel vm15, $0xFFFFFF82, v10;
	(erf) = vpow2.f32 v8  }
0x251: {  	v8 =	vsel vm7, $0xFFFFFF82, v10;
	(erf) = vpow2.f32 v49;
	v49 =	vsel vm2, $0xFFFFFF82, v10;
	v10 =	vpop (erf)  }
0x252: {  	v50 =	vmul.f32 $1.442695020e+00, v54;
	v57 =	vmul.f32 $5.000000000e-01, v17;
	[tilespmem:$0x1FE40] =	vst v10;
	v10 =	vpop (erf)  }
0x253: {  	v53 =	vmul.f32 $5.000000000e-01, v59;
	v58 =	vmul.f32 $5.000000000e-01, v41;
	[tilespmem:$0x1FE50] =	vst v10;
	v10 =	vld [tilespmem:$0x1FB70]  }
0x254: {  	v43 =	vmul.f32 $5.000000000e-01, v26;
	v62 =	vmul.f32 $5.000000000e-01, v20  }
0x255: {  	v51 =	vmul.f32 $5.000000000e-01, v45;
	v54 =	vmul.f32 $5.000000000e-01, v37  }
0x256: {  	v60 =	vmul.f32 $5.000000000e-01, v42;
	v31 =	vmul.f32 $5.000000000e-01, v28;
	v6 =	vadd.s32 v25, v6  }
0x257: {  	v26 =	vsel vm2, v43, v26;
	v55 =	vmul.f32 $5.000000000e-01, v47;
	v56 =	vmul.f32 $5.000000000e-01, v18  }
0x258: {  	v20 =	vsel vm7, v62, v20;
	v6 =	vcvt.s32.f32 v6;
	v8 =	vadd.s32 v10, v8;
	v10 =	vpop (erf)  }
0x259: {  	v61 =	vmul.f32 $5.000000000e-01, v14;
	v28 =	vsel vm3, v31, v28;
	v5 =	vadd.s32 v12, v5;
	[tilespmem:$0x1FE60] =	vst v10;
	v10 =	vld [tilespmem:$0x1FB80]  }
0x25a: {  	v4 =	vadd.s32 v15, v4;
	v3 =	vadd.s32 v40, v3;
	v0 =	vadd.s32 v39, v0  }
0x25b: {  	v40 =	vsel vm15, v58, v41;
	v6 =	vmul.f32 $6.931471820e-01, v6;
	v63 =	vmul.f32 $5.000000000e-01, v22  }
0x25c: {  	v41 =	vsel vm11, v56, v18;
	v5 =	vcvt.s32.f32 v5;
	v4 =	vcvt.s32.f32 v4  }
0x25d: {  	v14 =	vsel vm10, v61, v14;
	v3 =	vcvt.s32.f32 v3;
	(erf) = vpow2.f32 v9  }
0x25e: {  	v0 =	vcvt.s32.f32 v0;
	(erf) = vpow2.f32 v50;
	v15 =	vadd.s32 v10, v49;
	v10 =	vld [tilespmem:$0x1FB90]  }
0x25f: {  	v7 =	vadd.s32 v30, v7;
	v12 =	vadd.s32 v27, v29;
	v27 =	vsel vm9, v54, v37  }
0x260: {  	v29 =	vsel vm12, v55, v47;
	v22 =	vsel vm1, v63, v22;
	v7 =	vcvt.s32.f32 v7  }
0x261: {  	v2 =	vadd.s32 v38, v2;
	v12 =	vcvt.s32.f32 v12;
	v9 =	vadd.s32 v16, v32  }
0x262: {  	v16 =	vadd.s32 v19, v33;
	v19 =	vadd.s32 v21, v35;
	v21 =	vadd.s32 v24, v36  }
0x263: {  	v24 =	vsel vm6, v52, v46;
	v1 =	vadd.s32 v10, v1;
	v10 =	vsel vm8, v11, v48;
	v11 =	vpop (erf)  }
0x264: {  	v9 =	vcvt.s32.f32 v9;
	v16 =	vcvt.s32.f32 v16;
	[tilespmem:$0x1FE70] =	vst v11;
	v11 =	vsel vm4, v23, v44;
	v25 =	vpop (erf)  }
0x265: {  	v23 =	vsel vm5, v51, v45;
	v45 =	vadd.f32 $-1.000000000e+00, v10;
	v10 =	vadd.f32 $1.000000000e+00, v10;
	v55 =	vpop (erf)  }
0x266: {  	[tilespmem:$0x1FE80] =	vst v25;
	v25 =	vsel vm0, v53, v59;
	v59 =	vsel vm14, v57, v17;
	v46 =	vadd.f32 $-1.000000000e+00, v11;
	v17 =	vpop (erf)  }
0x267: {  	v9 =	vmul.f32 $6.931471820e-01, v9;
	v11 =	vadd.f32 $1.000000000e+00, v11;
	v47 =	vadd.f32 $-1.000000000e+00, v23;
	[tilespmem:$0x1FEA0] =	vst v17;
	v17 =	vpop (erf)  }
0x268: {  	(erf) = vrcp.f32 v10;
	v10 =	vadd.f32 $1.000000000e+00, v24;
	[tilespmem:$0x1FEB0] =	vst v17;
	v17 =	vadd.f32 $1.000000000e+00, v23  }
0x269: {  	v23 =	vadd.f32 $-1.000000000e+00, v24;
	v24 =	vadd.f32 $-1.000000000e+00, v25;
	(erf) = vrcp.f32 v11  }
0x26a: {  	v11 =	vadd.f32 $1.000000000e+00, v25;
	v25 =	vadd.f32 $-1.000000000e+00, v27;
	(erf) = vrcp.f32 v17  }
0x26b: {  	v27 =	vadd.f32 $1.000000000e+00, v27;
	(erf) = vrcp.f32 v10;
	v10 =	vmul.f32 $6.931471820e-01, v16  }
0x26c: {  	[tilespmem:$0x1FCA0] =	vst v9;
	v9 =	vadd.f32 $1.000000000e+00, v29;
	(erf) = vrcp.f32 v11;
	v11 =	vmul.f32 $6.931471820e-01, v13  }
0x26d: {  	v21 =	vcvt.s32.f32 v21;
	[tilespmem:$0x1FCB0] =	vst v10;
	v10 =	vadd.f32 $1.000000000e+00, v41;
	(erf) = vrcp.f32 v27  }
0x26e: {  	v19 =	vcvt.s32.f32 v19;
	[tilespmem:$0x1FCC0] =	vst v11;
	v11 =	vadd.f32 $1.000000000e+00, v59;
	(erf) = vrcp.f32 v9  }
0x26f: {  	v44 =	vsel vm13, v60, v42;
	(erf) = vrcp.f32 v10;
	v10 =	vmul.f32 $6.931471820e-01, v21  }
0x270: {  	[tilespmem:$0x1FCE0] =	vst v6;
	v9 =	vadd.f32 $1.000000000e+00, v40;
	(erf) = vrcp.f32 v11;
	v11 =	vmul.f32 $6.931471820e-01, v5  }
0x271: {  	v2 =	vcvt.s32.f32 v2;
	v6 =	vadd.f32 $1.000000000e+00, v44;
	v13 =	vmul.f32 $6.931471820e-01, v19;
	[tilespmem:$0x1FCF0] =	vst v10  }
0x272: {  	v5 =	vpop (erf);
	v10 =	vadd.f32 $1.000000000e+00, v14;
	(erf) = vrcp.f32 v9;
	[tilespmem:$0x1FD00] =	vst v11;
	v11 =	vmul.f32 $6.931471820e-01, v4  }
0x273: {  	v18 =	vmul.f32 $6.931471820e-01, v7;
	[tilespmem:$0x1FCD0] =	vst v13;
	v13 =	vadd.f32 $1.000000000e+00, v20;
	(erf) = vrcp.f32 v6;
	v4 =	vpop (erf)  }
0x274: {  	v8 =	vcvt.s32.f32 v8;
	(erf) = vrcp.f32 v10;
	v7 =	vpop (erf);
	[tilespmem:$0x1FD10] =	vst v11;
	v11 =	vadd.f32 $1.000000000e+00, v22  }
0x275: {  	v15 =	vcvt.s32.f32 v15;
	v19 =	vadd.f32 $1.000000000e+00, v26;
	(erf) = vrcp.f32 v13;
	v9 =	vpop (erf)  }
0x276: {  	v17 =	vmul.f32 $6.931471820e-01, v2;
	v2 =	vadd.f32 $1.000000000e+00, v28;
	v6 =	vpop (erf);
	(erf) = vrcp.f32 v11  }
0x277: {  	v54 =	vmul.f32 $6.931471820e-01, v15;
	v10 =	vpop (erf);
	(erf) = vrcp.f32 v19  }
0x278: {  	v1 =	vcvt.s32.f32 v1;
	(erf) = vrcp.f32 v2;
	v11 =	vpop (erf)  }
0x279: {  	v53 =	vmul.f32 $6.931471820e-01, v8;
	[tilespmem:$0x1FE90] =	vst v55;
	v55 =	vmul.f32 $6.931471820e-01, v0;
	v0 =	vpop (erf)  }
0x27a: {  	v16 =	vmul.f32 $6.931471820e-01, v12;
	v12 =	vadd.f32 $-1.000000000e+00, v59;
	v59 =	vmul.f32 v5, v45;
	v5 =	vpop (erf)  }
0x27b: {  	v56 =	vmul.f32 $6.931471820e-01, v1;
	v13 =	vadd.f32 $-1.000000000e+00, v40;
	v60 =	vmul.f32 v7, v47;
	v7 =	vpop (erf)  }
0x27c: {  	v2 =	vmul.f32 v4, v46;
	v4 =	vmul.f32 v9, v23;
	v9 =	vpop (erf)  }
0x27d: {  	v8 =	vadd.f32 $-1.000000000e+00, v41;
	v1 =	vmul.f32 v6, v24;
	v6 =	vmul.f32 v10, v25;
	v10 =	vpop (erf)  }
0x27e: {  	v14 =	vadd.f32 $-1.000000000e+00, v14;
	v19 =	vadd.f32 $-1.000000000e+00, v20;
	v61 =	vmul.f32 v5, v12;
	v12 =	vpop (erf)  }
0x27f: {  	v15 =	vadd.f32 $-1.000000000e+00, v44;
	v42 =	vmul.f32 v59, v59;
	v7 =	vmul.f32 v7, v13;
	v13 =	vpop (erf)  }
0x280: {  	v5 =	vmul.f32 v10, v14;
	v10 =	vadd.f32 $-1.000000000e+00, v28;
	v62 =	vmul.f32 v12, v19;
	v12 =	vpop (erf)  }
0x281: {  	v8 =	vmul.f32 v0, v8;
	v0 =	vmul.f32 v9, v15;
	v9 =	vpop (erf)  }
0x282: {  	v57 =	vmul.f32 v9, v10;
	v9 =	vld [tilespmem:$0x1FBA0]  }
0x283: {  	v52 =	vmul.f32 $6.931471820e-01, v3;
	v3 =	vadd.f32 $-1.000000000e+00, v29;
	v30 =	vmul.f32 $2.222222240e-01, v42;
	v10 =	vld [tilespmem:$0x1FBB0]  }
0x284: {  	v29 =	vmul.f32 v60, v60  }
0x285: {  	v30 =	vadd.f32 $2.857142980e-01, v30;
	v3 =	vmul.f32 v11, v3;
	v11 =	vadd.f32 $-1.000000000e+00, v22  }
0x286: {  	v48 =	vmul.f32 $2.222222240e-01, v29;
	v22 =	vmul.f32 v1, v1  }
0x287: {  	v30 =	vmul.f32 v30, v42;
	v15 =	vadd.f32 $-1.000000000e+00, v26;
	v63 =	vmul.f32 v13, v11;
	v13 =	vld [tilespmem:$0x1FBD0]  }
0x288: {  	v41 =	vmul.f32 v2, v2;
	v20 =	vmul.f32 v4, v4;
	v51 =	vadd.f32 v10, v9;
	v9 =	vld [tilespmem:$0x1FBC0]  }
0x289: {  	v32 =	vadd.f32 $2.857142980e-01, v48;
	v58 =	vmul.f32 v12, v15;
	v12 =	vmul.f32 v7, v7  }
0x28a: {  	v50 =	vmul.f32 $2.222222240e-01, v22;
	v30 =	vadd.f32 $4.000000060e-01, v30;
	v31 =	vmul.f32 $2.222222240e-01, v41  }
0x28b: {  	v49 =	vmul.f32 $2.222222240e-01, v20;
	v44 =	vmul.f32 $2.222222240e-01, v12  }
0x28c: {  	v23 =	vld [tilespmem:$0x1FBF0];
	v32 =	vmul.f32 v32, v29;
	v34 =	vadd.f32 $2.857142980e-01, v50;
	v30 =	vmul.f32 v30, v42  }
0x28d: {  	v14 =	vmul.f32 v8, v8;
	v44 =	vadd.f32 $2.857142980e-01, v44;
	v39 =	vadd.f32 v13, v9;
	v13 =	vld [tilespmem:$0x1FBE0]  }
0x28e: {  	v31 =	vadd.f32 $2.857142980e-01, v31;
	v19 =	vmul.f32 v3, v3;
	v26 =	vmul.f32 v0, v0  }
0x28f: {  	v33 =	vadd.f32 $2.857142980e-01, v49;
	v34 =	vmul.f32 v34, v22;
	v44 =	vmul.f32 v44, v12  }
0x290: {  	v32 =	vadd.f32 $4.000000060e-01, v32;
	v11 =	vmul.f32 v61, v61;
	v37 =	vmul.f32 $2.222222240e-01, v14  }
0x291: {  	v24 =	vld [tilespmem:$0x1FC10];
	v28 =	vmul.f32 v5, v5;
	v31 =	vmul.f32 v31, v41;
	v44 =	vadd.f32 $4.000000060e-01, v44  }
0x292: {  	v33 =	vmul.f32 v33, v20;
	v37 =	vadd.f32 $2.857142980e-01, v37;
	v38 =	vadd.f32 v23, v13;
	v23 =	vld [tilespmem:$0x1FC00]  }
0x293: {  	v32 =	vmul.f32 v32, v29;
	v44 =	vmul.f32 v44, v12  }
0x294: {  	v30 =	vadd.f32 $6.666666860e-01, v30;
	v15 =	vmul.f32 v6, v6;
	v37 =	vmul.f32 v37, v14  }
0x295: {  	v36 =	vmul.f32 $2.222222240e-01, v19;
	v45 =	vmul.f32 $2.222222240e-01, v26;
	v44 =	vadd.f32 $6.666666860e-01, v44  }
0x296: {  	v34 =	vadd.f32 $4.000000060e-01, v34;
	v30 =	vmul.f32 v30, v42;
	v37 =	vadd.f32 $4.000000060e-01, v37  }
0x297: {  	v36 =	vadd.f32 $2.857142980e-01, v36;
	v12 =	vmul.f32 v44, v12;
	v40 =	vadd.f32 v24, v23;
	v23 =	vld [tilespmem:$0x1FC20]  }
0x298: {  	v43 =	vmul.f32 $2.222222240e-01, v11;
	v31 =	vadd.f32 $4.000000060e-01, v31;
	v37 =	vmul.f32 v37, v14;
	v24 =	vld [tilespmem:$0x1FC30]  }
0x299: {  	v33 =	vadd.f32 $4.000000060e-01, v33;
	v36 =	vmul.f32 v36, v19;
	v12 =	vadd.f32 $2.000000000e+00, v12  }
0x29a: {  	v32 =	vadd.f32 $6.666666860e-01, v32;
	v21 =	vmul.f32 v58, v58;
	v37 =	vadd.f32 $6.666666860e-01, v37  }
0x29b: {  	v31 =	vmul.f32 v31, v41;
	v36 =	vadd.f32 $4.000000060e-01, v36;
	v7 =	vmul.f32 v12, v7;
	v12 =	vld [tilespmem:$0x1FCA0]  }
0x29c: {  	v25 =	vld [tilespmem:$0x1FC50];
	v35 =	vmul.f32 $2.222222240e-01, v15;
	v30 =	vadd.f32 $2.000000000e+00, v30;
	v14 =	vmul.f32 v37, v14  }
0x29d: {  	v31 =	vadd.f32 $6.666666860e-01, v31;
	v36 =	vmul.f32 v36, v19;
	v23 =	vadd.f32 v24, v23;
	v24 =	vld [tilespmem:$0x1FC40]  }
0x29e: {  	v45 =	vadd.f32 $2.857142980e-01, v45;
	v30 =	vmul.f32 v30, v59;
	v14 =	vadd.f32 $2.000000000e+00, v14  }
0x29f: {  	v43 =	vadd.f32 $2.857142980e-01, v43;
	v31 =	vmul.f32 v31, v41;
	v36 =	vadd.f32 $6.666666860e-01, v36  }
0x2a0: {  	v33 =	vmul.f32 v33, v20;
	v8 =	vmul.f32 v14, v8;
	v14 =	vadd.f32 v30, v12;
	v12 =	vld [tilespmem:$0x1FCB0]  }
0x2a1: {  	v27 =	vld [tilespmem:$0x1FC70];
	v35 =	vadd.f32 $2.857142980e-01, v35;
	v31 =	vadd.f32 $2.000000000e+00, v31;
	v19 =	vmul.f32 v36, v19  }
0x2a2: {  	v34 =	vmul.f32 v34, v22;
	v33 =	vadd.f32 $6.666666860e-01, v33;
	v24 =	vadd.f32 v25, v24;
	v25 =	vld [tilespmem:$0x1FC60]  }
0x2a3: {  	v49 =	vmul.f32 $2.222222240e-01, v21;
	v2 =	vmul.f32 v31, v2;
	v19 =	vadd.f32 $2.000000000e+00, v19  }
0x2a4: {  	v45 =	vmul.f32 v45, v26;
	v34 =	vadd.f32 $6.666666860e-01, v34;
	v20 =	vmul.f32 v33, v20  }
0x2a5: {  	v35 =	vmul.f32 v35, v15;
	v3 =	vmul.f32 v19, v3;
	v19 =	vadd.f32 v2, v12;
	v12 =	vld [tilespmem:$0x1FCD0]  }
0x2a6: {  	v46 =	vld [tilespmem:$0x1FC90];
	v43 =	vmul.f32 v43, v11;
	v49 =	vadd.f32 $2.857142980e-01, v49;
	v20 =	vadd.f32 $2.000000000e+00, v20  }
0x2a7: {  	v22 =	vmul.f32 v34, v22;
	v35 =	vadd.f32 $4.000000060e-01, v35;
	v25 =	vadd.f32 v27, v25;
	v27 =	vld [tilespmem:$0x1FC80]  }
0x2a8: {  	v45 =	vadd.f32 $4.000000060e-01, v45;
	v49 =	vmul.f32 v49, v21;
	v4 =	vmul.f32 v20, v4  }
0x2a9: {  	v43 =	vadd.f32 $4.000000060e-01, v43;
	v35 =	vmul.f32 v35, v15;
	v9 =	vmul.f32 v63, v63  }
0x2aa: {  	v10 =	vmul.f32 v62, v62;
	v22 =	vadd.f32 $2.000000000e+00, v22;
	v4 =	vadd.f32 v4, v12;
	v12 =	vld [tilespmem:$0x1FCE0]  }
0x2ab: {  	v49 =	vadd.f32 $4.000000060e-01, v49;
	v35 =	vadd.f32 $6.666666860e-01, v35;
	v48 =	vmul.f32 $2.222222240e-01, v9  }
0x2ac: {  	v13 =	vmul.f32 v57, v57;
	v27 =	vadd.f32 v46, v27;
	v46 =	vmul.f32 $2.222222240e-01, v28  }
0x2ad: {  	v1 =	vmul.f32 v22, v1;
	v49 =	vmul.f32 v49, v21;
	v48 =	vadd.f32 $2.857142980e-01, v48  }
0x2ae: {  	v15 =	vmul.f32 v35, v15;
	v50 =	vmul.f32 $2.222222240e-01, v13;
	v46 =	vadd.f32 $2.857142980e-01, v46  }
0x2af: {  	v49 =	vadd.f32 $6.666666860e-01, v49;
	v48 =	vmul.f32 v48, v9;
	v20 =	vadd.f32 v1, v12;
	v1 =	vld [tilespmem:$0x1FCF0]  }
0x2b0: {  	v15 =	vadd.f32 $2.000000000e+00, v15;
	v50 =	vadd.f32 $2.857142980e-01, v50;
	v46 =	vmul.f32 v46, v28  }
0x2b1: {  	v47 =	vmul.f32 $2.222222240e-01, v10;
	v21 =	vmul.f32 v49, v21;
	v48 =	vadd.f32 $4.000000060e-01, v48  }
0x2b2: {  	v6 =	vmul.f32 v15, v6;
	v50 =	vmul.f32 v50, v13;
	v46 =	vadd.f32 $4.000000060e-01, v46  }
0x2b3: {  	v45 =	vmul.f32 v45, v26;
	v15 =	vadd.f32 $2.000000000e+00, v21;
	v48 =	vmul.f32 v48, v9  }
0x2b4: {  	v50 =	vadd.f32 $4.000000060e-01, v50;
	v21 =	vadd.f32 v6, v1;
	v1 =	vld [tilespmem:$0x1FD00];
	v46 =	vmul.f32 v46, v28  }
0x2b5: {  	v43 =	vmul.f32 v43, v11;
	v47 =	vadd.f32 $2.857142980e-01, v47;
	v48 =	vadd.f32 $6.666666860e-01, v48  }
0x2b6: {  	v45 =	vadd.f32 $6.666666860e-01, v45;
	v50 =	vmul.f32 v50, v13;
	v46 =	vadd.f32 $6.666666860e-01, v46  }
0x2b7: {  	v43 =	vadd.f32 $6.666666860e-01, v43;
	v47 =	vmul.f32 v47, v10;
	v9 =	vmul.f32 v48, v9  }
0x2b8: {  	v26 =	vmul.f32 v45, v26;
	v50 =	vadd.f32 $6.666666860e-01, v50;
	v28 =	vmul.f32 v46, v28  }
0x2b9: {  	v11 =	vmul.f32 v43, v11;
	v9 =	vadd.f32 $2.000000000e+00, v9;
	v22 =	vadd.f32 v3, v1;
	v1 =	vld [tilespmem:$0x1FD10]  }
0x2ba: {  	v26 =	vadd.f32 $2.000000000e+00, v26;
	v13 =	vmul.f32 v50, v13;
	v28 =	vadd.f32 $2.000000000e+00, v28  }
0x2bb: {  	v47 =	vadd.f32 $4.000000060e-01, v47;
	v11 =	vadd.f32 $2.000000000e+00, v11;
	v6 =	vmul.f32 v9, v63  }
0x2bc: {  	v0 =	vmul.f32 v26, v0;
	v13 =	vadd.f32 $2.000000000e+00, v13;
	v2 =	vmul.f32 v28, v5  }
0x2bd: {  	v11 =	vmul.f32 v11, v61;
	v9 =	vadd.f32 v6, v55;
	v3 =	vmul.f32 v15, v58  }
0x2be: {  	v6 =	vld [tilespmem:$0x1FD30];
	v26 =	vadd.f32 v8, v1;
	v1 =	vadd.f32 v2, v52;
	v2 =	vmul.f32 v13, v57  }
0x2bf: {  	v29 =	vmul.f32 v32, v29;
	v12 =	vadd.f32 v3, v54;
	v3 =	vld [tilespmem:$0x1FD50]  }
0x2c0: {  	v47 =	vmul.f32 v47, v10;
	v28 =	vadd.f32 v11, v18;
	v11 =	vadd.f32 v2, v56;
	v2 =	vld [tilespmem:$0x1FD40]  }
0x2c1: {  	v29 =	vadd.f32 $2.000000000e+00, v29;
	v5 =	vld [tilespmem:$0x1FCC0]  }
0x2c2: {  	v47 =	vadd.f32 $6.666666860e-01, v47;
	v8 =	vsub.f32 $0.0e+00, v4;
	v4 =	vld [tilespmem:$0x1FD60]  }
0x2c3: {  	v29 =	vmul.f32 v29, v60  }
0x2c4: {  	v10 =	vmul.f32 v47, v10;
	(erf) = vpow2.f32 v6  }
0x2c5: {  	(erf) = vpow2.f32 v2  }
0x2c6: {  	v10 =	vadd.f32 $2.000000000e+00, v10;
	v5 =	vadd.f32 v29, v5;
	(erf) = vpow2.f32 v3  }
0x2c7: {  	(erf) = vpow2.f32 v4;
	v4 =	vld [tilespmem:$0x1FD70]  }
0x2c8: {  	s28 =	sadd.s32 $0x2, s28;
	v10 =	vmul.f32 v10, v62;
	v3 =	vsub.f32 $0.0e+00, v5;
	v5 =	vld [tilespmem:$0x1FD80]  }
0x2c9: {  	p4 =	slt.u32 s28, $0x3E;
	v0 =	vadd.f32 v0, v16;
	v13 =	vld [tilespmem:$0x1FD90]  }
.Ltmp5:
0x2ca: {  	v10 =	vadd.f32 v10, v53;
	v6 =	vsub.f32 $0.0e+00, v20;
	(pc) =	sbr.rel @p4 .LBB2_15-.Ltmp5, $4  }
0x2cb: {  	v18 =	vsub.f32 $0.0e+00, v21;
	v29 =	vadd.f32 v7, v17  }
0x2cc: {  	v7 =	vsub.f32 $0.0e+00, v19;
	v17 =	vsub.f32 $0.0e+00, v26;
	(erf) = vpow2.f32 v4  }
0x2cd: {  	v16 =	vsub.f32 $0.0e+00, v29;
	v2 =	vsub.f32 $0.0e+00, v14;
	(erf) = vpow2.f32 v5  }
0x2ce: {  	s29 =	sadd.s32 $0x200, s29;
	v15 =	vld [tilespmem:$0x1FD20];
	v4 =	vsub.f32 $0.0e+00, v22;
	v5 =	vsub.f32 $0.0e+00, v28;
	(erf) = vpow2.f32 v13  }
0x2cf: {  	v13 =	vsub.f32 $0.0e+00, v0;
	v14 =	vsub.f32 $0.0e+00, v1;
	v1 =	vmul.f32 v2, v2  }
0x2d0: {  	v10 =	vsub.f32 $0.0e+00, v10;
	v53 =	vmul.f32 v7, v7;
	v19 =	vmul.f32 v3, v3  }
0x2d1: {  	v9 =	vsub.f32 $0.0e+00, v9;
	v20 =	vmul.f32 v8, v8;
	v0 =	vmul.f32 v7, v2  }
0x2d2: {  	v12 =	vsub.f32 $0.0e+00, v12;
	v21 =	vmul.f32 v8, v3;
	v22 =	vmul.f32 v18, v6  }
0x2d3: {  	v11 =	vsub.f32 $0.0e+00, v11;
	v59 =	vmul.f32 v6, v6;
	v26 =	vmul.f32 v17, v4  }
0x2d4: {  	v28 =	vmul.f32 v16, v5;
	v29 =	vmul.f32 v14, v13  }
0x2d5: {  	v30 =	vmul.f32 v9, v10;
	v31 =	vmul.f32 v11, v12  }
0x2d6: {  	v0 =	vmul.f32 v21, v0;
	v54 =	vmul.f32 v26, v22  }
0x2d7: {  	v56 =	vmul.f32 v29, v28;
	v57 =	vmul.f32 v31, v30  }
0x2d8: {  	v60 =	vmul.f32 v18, v18;
	v21 =	vmul.f32 v54, v0  }
0x2d9: {  	v58 =	vadd.f32 v27, v25;
	(erf) = vpow2.f32 v15;
	v26 =	vmul.f32 v57, v56  }
0x2da: {  	v61 =	vmul.f32 v4, v4;
	(erf) = vrcp.f32 v1;
	v62 =	vand.u32 $0x7FFFFF, v21  }
0x2db: {  	v29 =	vpop (erf);
	(erf) = vrcp.f32 v53;
	v1 =	vand.u32 $0x7FFFFF, v26;
	v28 =	vor.u32 $0x3F800000, v62  }
0x2dc: {  	v15 =	vpop (erf);
	(erf) = vrcp.f32 v19;
	v1 =	vor.u32 $0x3F800000, v1;
	v63 =	vmul.f32 $5.000000000e-01, v28  }
0x2dd: {  	v19 =	vpop (erf);
	(erf) = vrcp.f32 v20;
	vm1 =	vgt.f32 v28, $1.414213540e+00;
	v33 =	vmul.f32 $5.000000000e-01, v1  }
0x2de: {  	v20 =	vpop (erf);
	(erf) = vrcp.f32 v59;
	vm0 =	vgt.f32 v1, $1.414213540e+00;
	v28 =	vsel vm1, v63, v28  }
0x2df: {  	v25 =	vpop (erf);
	(erf) = vrcp.f32 v60;
	v34 =	vsel vm0, v33, v1;
	v35 =	vadd.f32 $1.000000000e+00, v28  }
0x2e0: {  	v27 =	vpop (erf);
	(erf) = vrcp.f32 v61;
	v36 =	vadd.f32 $1.000000000e+00, v34  }
0x2e1: {  	v22 =	vpop (erf);
	(erf) = vrcp.f32 v35  }
0x2e2: {  	v2 =	vadd.f32 v7, v2;
	v7 =	vpop (erf);
	(erf) = vrcp.f32 v36  }
0x2e3: {  	v55 =	vadd.f32 v40, v38;
	v40 =	vpop (erf)  }
0x2e4: {  	v42 =	vpop (erf)  }
0x2e5: {  	v3 =	vadd.f32 v8, v3;
	v44 =	vpop (erf)  }
0x2e6: {  	v46 =	vpop (erf)  }
0x2e7: {  	v6 =	vadd.f32 v18, v6;
	v48 =	vpop (erf)  }
0x2e8: {  	v32 =	vadd.f32 v39, v51;
	v37 =	vmul.f32 v17, v17;
	v39 =	vmul.f32 v16, v16;
	v50 =	vpop (erf)  }
0x2e9: {  	v38 =	vmul.f32 v5, v5;
	v4 =	vadd.f32 v17, v4;
	v2 =	vadd.f32 v3, v2;
	v3 =	vpop (erf)  }
0x2ea: {  	v5 =	vadd.f32 v16, v5;
	v41 =	vmul.f32 v13, v13;
	v51 =	vadd.f32 $-1.000000000e+00, v34;
	v52 =	vpop (erf)  }
0x2eb: {  	v43 =	vmul.f32 v14, v14;
	v45 =	vmul.f32 v10, v10;
	v4 =	vadd.f32 v4, v6;
	v6 =	vpop (erf)  }
0x2ec: {  	v13 =	vadd.f32 v14, v13;
	v47 =	vmul.f32 v9, v9;
	v53 =	vld [tilespmem:$0x1FE40];
	v6 =	vmul.f32 v6, v51  }
0x2ed: {  	v9 =	vadd.f32 v9, v10;
	v49 =	vmul.f32 v12, v12;
	v12 =	vadd.f32 v11, v12;
	v54 =	vld [tilespmem:$0x1FE50]  }
0x2ee: {  	v5 =	vadd.f32 v13, v5;
	v0 =	vadd.f32 v55, v32;
	v55 =	vld [tilespmem:$0x1FE60];
	v13 =	vmul.f32 v6, v6  }
0x2ef: {  	v23 =	vadd.f32 v24, v23;
	v11 =	vmul.f32 v11, v11;
	(erf) = vrcp.f32 v37  }
0x2f0: {  	v9 =	vadd.f32 v12, v9;
	v56 =	vld [tilespmem:$0x1FE70];
	(erf) = vrcp.f32 v38;
	v61 =	vmul.f32 $2.222222240e-01, v13  }
0x2f1: {  	v2 =	vadd.f32 v4, v2;
	v57 =	vld [tilespmem:$0x1FE80];
	v18 =	vmul.f32 v40, v53;
	(erf) = vrcp.f32 v39  }
0x2f2: {  	v12 =	vmul.f32 v42, v54;
	(erf) = vrcp.f32 v41;
	v24 =	vadd.f32 $2.857142980e-01, v61  }
0x2f3: {  	v60 =	vshra.s32 v26, $0x17;
	v36 =	vld [tilespmem:$0x1FE90];
	v8 =	vmul.f32 v44, v55;
	(erf) = vrcp.f32 v43  }
0x2f4: {  	s0 =	sadd.s32 $0x100, s26;
	v1 =	vadd.f32 v58, v23;
	v37 =	vld [tilespmem:$0x1FEA0];
	(erf) = vrcp.f32 v45;
	v24 =	vmul.f32 v24, v13  }
0x2f5: {  	v28 =	vadd.f32 $-1.000000000e+00, v28;
	v40 =	vld [tilespmem:$0x1FEB0];
	[tilespmem:s0+$0x0] =	vst v18;
	v14 =	vmul.f32 v46, v56;
	(erf) = vrcp.f32 v47  }
0x2f6: {  	[tilespmem:s0+$0x10] =	vst v12;
	v10 =	vmul.f32 v48, v57;
	(erf) = vrcp.f32 v49;
	v24 =	vadd.f32 $4.000000060e-01, v24  }
0x2f7: {  	v58 =	vshra.s32 v21, $0x17;
	[tilespmem:s0+$0x20] =	vst v8;
	(erf) = vrcp.f32 v11;
	v11 =	vmul.f32 v52, v28  }
0x2f8: {  	v33 =	vimm.s32 $0xFFFFFF81;
	v16 =	vmul.f32 v50, v36;
	[tilespmem:s0+$0x30] =	vst v14;
	v59 =	vpop (erf);
	v24 =	vmul.f32 v24, v13  }
0x2f9: {  	v42 =	vsel vm0, $0xFFFFFF82, v33;
	v3 =	vmul.f32 v3, v37;
	[tilespmem:s0+$0x40] =	vst v10;
	v4 =	vmul.f32 v11, v11;
	v63 =	vpop (erf)  }
0x2fa: {  	[tilespmem:s0+$0x50] =	vst v16;
	v21 =	vmul.f32 v59, v40;
	v39 =	vpop (erf);
	v28 =	vmul.f32 v63, v29;
	v52 =	vadd.f32 $6.666666860e-01, v24  }
0x2fb: {  	v23 =	vadd.s32 v60, v42;
	[tilespmem:s0+$0x60] =	vst v3;
	v62 =	vmul.f32 $2.222222240e-01, v4;
	v41 =	vpop (erf);
	v15 =	vmul.f32 v39, v15  }
0x2fc: {  	v46 =	vadd.f32 v14, v8;
	v43 =	vpop (erf);
	v19 =	vmul.f32 v41, v19;
	[tilespmem:s0+$0xFFFFFF80] =	vst v28;
	v8 =	vmul.f32 v52, v13  }
0x2fd: {  	v51 =	vadd.f32 v21, v3;
	v26 =	vadd.f32 $2.857142980e-01, v62;
	v44 =	vpop (erf);
	v20 =	vmul.f32 v43, v20;
	[tilespmem:s0+$0xFFFFFF90] =	vst v15  }
0x2fe: {  	v3 =	vcvt.s32.f32 v23;
	v45 =	vpop (erf);
	v25 =	vmul.f32 v44, v25;
	[tilespmem:s0+$0xFFFFFFA0] =	vst v19;
	v8 =	vadd.f32 $2.000000000e+00, v8  }
0x2ff: {  	v26 =	vmul.f32 v26, v4;
	v27 =	vmul.f32 v45, v27;
	[tilespmem:s0+$0xFFFFFFB0] =	vst v20  }
0x300: {  	v3 =	vmul.f32 $6.931471820e-01, v3;
	[tilespmem:s0+$0xFFFFFFC0] =	vst v25;
	v6 =	vmul.f32 v8, v6  }
0x301: {  	v26 =	vadd.f32 $4.000000060e-01, v26;
	[tilespmem:s0+$0xFFFFFFD0] =	vst v27  }
0x302: {  	v3 =	vadd.f32 v6, v3;
	v6 =	vld [tilespmem:$0x1FE10]  }
0x303: {  	v5 =	vadd.f32 v9, v5;
	v47 =	vpop (erf);
	v26 =	vmul.f32 v26, v4  }
0x304: {  	v18 =	vadd.f32 v12, v18;
	v50 =	vadd.f32 v15, v28;
	v49 =	vpop (erf)  }
0x305: {  	v12 =	vmul.f32 v47, v22;
	v7 =	vmul.f32 v49, v7;
	v53 =	vadd.f32 $6.666666860e-01, v26  }
0x306: {  	v38 =	vsel vm1, $0xFFFFFF82, v33;
	v54 =	vadd.f32 v20, v19;
	v55 =	vadd.f32 v27, v25  }
0x307: {  	v56 =	vadd.f32 v7, v12;
	v4 =	vmul.f32 v53, v4;
	v5 =	vadd.f32 v5, v6;
	v6 =	vld [tilespmem:$0x1FE20];
	[tilespmem:s0+$0xFFFFFFE0] =	vst v12  }
0x308: {  	v17 =	vadd.s32 v58, v38;
	v48 =	vadd.f32 v16, v10;
	v10 =	vadd.f32 v54, v50;
	v62 =	vld [tilespmem:$0x1FE30]  }
0x309: {  	v17 =	vcvt.s32.f32 v17;
	v59 =	vadd.f32 v56, v55;
	v4 =	vadd.f32 $2.000000000e+00, v4;
	v63 =	vld [tilespmem:$0x1FEC0]  }
0x30a: {  	v57 =	vadd.f32 v46, v18;
	v58 =	vadd.f32 v51, v48  }
0x30b: {  	v17 =	vmul.f32 $6.931471820e-01, v17;
	v60 =	vadd.f32 v59, v10;
	v4 =	vmul.f32 v4, v11  }
0x30c: {  	v61 =	vadd.f32 v58, v57  }
0x30d: {  	v4 =	vadd.f32 v4, v17;
	v6 =	vadd.f32 v60, v6  }
0x30e: {  	v1 =	vadd.f32 v1, v62;
	v3 =	vadd.f32 v3, v63  }
0x30f: {  	[tilespmem:s0+$0xFFFFFFF0] =	vst v7;
	v5 =	vadd.f32 v2, v5;
	v2 =	vadd.f32 v61, v6  }
0x310: {  	[tilespmem:s0+$0x70] =	vst v21;
	v0 =	vadd.f32 v0, v1;
	v1 =	vadd.f32 v4, v3  }
0x311: {  	p4 =	seq.s32 s24, $0x8  }
.Ltmp6:
0x312: {  	_ = 	snop;
	(pc) =	sbr.rel @!p4 .LBB2_8-.Ltmp6, $2  }
0x313: {  	_ =	sdelay $0x2  }
0x314: {  	p2 =	por !p2, !p2;
	s23 =	sadd.s32 $0x2000, s23;
	p3 =	por !p3, !p3  }
0x315: {  	(xrf2) =	vadd.scan.msk.f32 $0xffff, v5  }
0x316: {  	(xrf2) =	vadd.scan.msk.f32 $0xffff, v1  }
0x317: {  	(xrf2) =	vadd.scan.msk.f32 $0xffff, v2  }
0x318: {  	(xrf2) =	vadd.scan.msk.f32 $0xffff, v0;
	_ =	sdelay $0x6  }
0x319: {  	v0, _, _ =	vpop (xrf2)  }
0x31a: {  	v1, _, _ =	vpop (xrf2)  }
0x31b: {  	v2, _, _ =	vpop (xrf2)  }
0x31c: {  	v3, _, _ =	vpop (xrf2)  }
0x31d: {  	v3 =	vbroadcast v3, $0xF  }
0x31e: {  	vm0 =	vcmask $0xF0C;
	v2 =	vbroadcast v2, $0xF  }
0x31f: {  	vm12 =	vcmask $0x3F0C;
	v1 =	vbroadcast v1, $0xF;
	v3 =	vnsel vm0, $0x0, v3  }
0x320: {  	vm13 =	vcmask $0x3F08;
	v0 =	vbroadcast v0, $0xF;
	v2 =	vsel vm12, v3, v2  }
0x321: {  	vm14 =	vcmask $0x3F04;
	v1 =	vsel vm13, v2, v1  }
0x322: {  	v0 =	vsel vm14, v1, v0  }
0x323: {  	[tilespmem:$0x18000] =	vst v0  }
0x324: {  	s0 =	simm.s32 $0x18000;
	[bflag:$0x0] =	sbarrier.arrive $0xFFFF  }
0x325: {  	[spmem:s11] =	stream.linear.scatter [tilespmem:s0], [sflag:$0x6], $0x10, $0x38;
	[tilespmem:$0x18190] =	vst v63  }
0x326: {  	_ =	swait.ge [sflag:s14], $0x10  }
0x327: {  	[sflag:s14] =	ssyncset.done $0x0  }
0x328: {  	[sflag:s14] =	ssyncadd.s32 $0xFFFFFFF0  }
0x329: {  	[bflag:$0x0] =	sbarrier.arrive $0xFFFF  }
0x32a: {  	[tilespmem:s15], [sflag:$0x6] =	stream.linear.gather [spmem:s13], $0x100, $0x38;
	[tilespmem:$0x18190] =	vst v63  }
0x32b: {  	_ =	swait.ge [sflag:s14], $0x100  }
0x32c: {  	[sflag:s14] =	ssyncset.done $0x0  }
0x32d: {  	[sflag:s14] =	ssyncadd.s32 $0xFFFFFF00  }
0x32e: {  	v0 =	vld [tilespmem:$0x18080];
	_ =	sdelay $0x1  }
0x32f: {  	v1 =	vld [tilespmem:$0x18090];
	_ =	sdelay $0x1  }
0x330: {  	v2 =	vld [tilespmem:$0x180A0]  }
0x331: {  	v0 =	vadd.f32 $0.0e+00, v0  }
0x332: {  	v3 =	vld [tilespmem:$0x180B0]  }
0x333: {  	v0 =	vadd.f32 v1, v0  }
0x334: {  	v1 =	vld [tilespmem:$0x180C0]  }
0x335: {  	v0 =	vadd.f32 v2, v0  }
0x336: {  	v2 =	vld [tilespmem:$0x180D0]  }
0x337: {  	v0 =	vadd.f32 v3, v0  }
0x338: {  	v3 =	vld [tilespmem:$0x180E0]  }
0x339: {  	v0 =	vadd.f32 v1, v0  }
0x33a: {  	v1 =	vld [tilespmem:$0x180F0]  }
0x33b: {  	v0 =	vadd.f32 v2, v0  }
0x33c: {  	v2 =	vld [tilespmem:$0x18100]  }
0x33d: {  	v0 =	vadd.f32 v3, v0  }
0x33e: {  	v3 =	vld [tilespmem:$0x18110]  }
0x33f: {  	v0 =	vadd.f32 v1, v0  }
0x340: {  	v1 =	vld [tilespmem:$0x18120]  }
0x341: {  	v0 =	vadd.f32 v2, v0  }
0x342: {  	v2 =	vld [tilespmem:$0x18130]  }
0x343: {  	v0 =	vadd.f32 v3, v0  }
0x344: {  	v3 =	vld [tilespmem:$0x18140]  }
0x345: {  	v0 =	vadd.f32 v1, v0  }
0x346: {  	v1 =	vld [tilespmem:$0x18150]  }
0x347: {  	v0 =	vadd.f32 v2, v0  }
0x348: {  	v2 =	vld [tilespmem:$0x18160]  }
0x349: {  	v0 =	vadd.f32 v3, v0  }
0x34a: {  	v3 =	vld [tilespmem:$0x18170]  }
0x34b: {  	v0 =	vadd.f32 v1, v0;
	_ =	sdelay $0x1  }
0x34c: {  	v0 =	vadd.f32 v2, v0;
	_ =	sdelay $0x1  }
0x34d: {  	v0 =	vadd.f32 v3, v0;
	_ =	sdelay $0x1  }
0x34e: {  	s3 =	simm.s32 @!p0 $0x0;
	s12 =	simm.s32 @!p0 $0x18000;
	s0 =	sadd.s32 @!p0 s6, s21;
	[tilespmem:$0x18000] =	vst @!p0 v0  }
0x34f: {  	[hbm4b:s0+s3] =	stream.linear.scatter @!p0 [tilespmem:s12], [sflag:$0x6], $0x80, $0x38;
	[tilespmem:$0x18190] =	vst v63  }
0x350: {  	vm15 =	vcmask $0x70C;
	s0 =	simm.s32 @!p0 $0x6  }
0x351: {  	v0 =	vsel vm15, $0x0, v0;
	_ =	swait.ge @!p0 [sflag:s0], $0x80  }
0x352: {  	(xrf2) =	vadd.scan.msk.f32 $0xffff, v0;
	_ =	sdelay $0x9  }
0x353: {  	v0, _, _ =	vpop (xrf2)  }
0x354: {  	v0 =	vbroadcast v0, $0xF;
	_ =	sdelay $0x1  }
0x355: {  	(erf) = vrcp.f32 v0;
	_ =	sdelay $0x7  }
0x356: {  	[sflag:s0] =	ssyncset.done @!p0 $0x0  }
0x357: {  	s22 =	simm.s32 $0x40;
	s21 =	simm.s32 $0x0;
	[sflag:s0] =	ssyncadd.s32 @!p0 $0xFFFFFF80;
	v0 =	vpop (erf)  }
.LBB2_18:
0x358: {  	v1 =	vmov s22;
	_ =	sdelay $0x3  }
0x359: {  	s23 =	simm.s32 $0x0  }
0x35a: {  	v2 =	vld.idx.msk [tilespmem:v1+s23+$0xFFFFFFC0 ss:$0x1], $0xffff;
	_ =	sdelay $0x4  }
0x35b: {  	v2 =	vmul.f32 v2, v0;
	_ =	sdelay $0x1  }
0x35c: {  	[tilespmem:v1+s23+$0xFFFFFFC0 ss:$0x1] =	vst.idx.msk $0xffff, v2  }
0x35d: {  	v2 =	vld.idx.msk [tilespmem:v1+s23+$0xFFFFFFD0 ss:$0x1], $0xffff;
	_ =	sdelay $0x4  }
0x35e: {  	v2 =	vmul.f32 v2, v0;
	_ =	sdelay $0x1  }
0x35f: {  	[tilespmem:v1+s23+$0xFFFFFFD0 ss:$0x1] =	vst.idx.msk $0xffff, v2  }
0x360: {  	v2 =	vld.idx.msk [tilespmem:v1+s23+$0xFFFFFFE0 ss:$0x1], $0xffff;
	_ =	sdelay $0x4  }
0x361: {  	v2 =	vmul.f32 v2, v0;
	_ =	sdelay $0x1  }
0x362: {  	[tilespmem:v1+s23+$0xFFFFFFE0 ss:$0x1] =	vst.idx.msk $0xffff, v2  }
0x363: {  	v2 =	vld.idx.msk [tilespmem:v1+s23+$0xFFFFFFF0 ss:$0x1], $0xffff;
	_ =	sdelay $0x4  }
0x364: {  	v2 =	vmul.f32 v2, v0;
	_ =	sdelay $0x1  }
0x365: {  	[tilespmem:v1+s23+$0xFFFFFFF0 ss:$0x1] =	vst.idx.msk $0xffff, v2  }
0x366: {  	v2 =	vld.idx.msk [tilespmem:v1+s23+$0x0 ss:$0x1], $0xffff;
	_ =	sdelay $0x4  }
0x367: {  	v2 =	vmul.f32 v2, v0;
	_ =	sdelay $0x1  }
0x368: {  	[tilespmem:v1+s23+$0x0 ss:$0x1] =	vst.idx.msk $0xffff, v2  }
0x369: {  	v2 =	vld.idx.msk [tilespmem:v1+s23+$0x10 ss:$0x1], $0xffff;
	_ =	sdelay $0x4  }
0x36a: {  	v2 =	vmul.f32 v2, v0;
	_ =	sdelay $0x1  }
0x36b: {  	[tilespmem:v1+s23+$0x10 ss:$0x1] =	vst.idx.msk $0xffff, v2  }
0x36c: {  	v2 =	vld.idx.msk [tilespmem:v1+s23+$0x20 ss:$0x1], $0xffff;
	_ =	sdelay $0x4  }
0x36d: {  	v2 =	vmul.f32 v2, v0;
	_ =	sdelay $0x1  }
0x36e: {  	[tilespmem:v1+s23+$0x20 ss:$0x1] =	vst.idx.msk $0xffff, v2  }
0x36f: {  	v2 =	vld.idx.msk [tilespmem:v1+s23+$0x30 ss:$0x1], $0xffff;
	_ =	sdelay $0x4  }
0x370: {  	s24 =	simm.s32 $0x200;
	s25 =	simm.s32 $0x400;
	v2 =	vmul.f32 v2, v0  }
.LBB2_19:
0x371: {  	p2 =	sne.s32 s25, $0x7E00  }
0x372: {  	[tilespmem:v1+s23+$0x30 ss:$0x1] =	vst.idx.msk $0xffff, v2;
	s23 =	sshra.s32 s24, $0x2;
	s24 =	smov.u32 s25;
	s25 =	sadd.s32 $0x200, s25  }
0x373: {  	v2 =	vld.idx.msk [tilespmem:v1+s23+$0xFFFFFFC0 ss:$0x1], $0xffff;
	_ =	sdelay $0x5  }
0x374: {  	v2 =	vmul.f32 v2, v0;
	_ =	sdelay $0x1  }
0x375: {  	[tilespmem:v1+s23+$0xFFFFFFC0 ss:$0x1] =	vst.idx.msk $0xffff, v2  }
0x376: {  	v2 =	vld.idx.msk [tilespmem:v1+s23+$0xFFFFFFD0 ss:$0x1], $0xffff;
	_ =	sdelay $0x5  }
0x377: {  	v2 =	vmul.f32 v2, v0;
	_ =	sdelay $0x1  }
0x378: {  	[tilespmem:v1+s23+$0xFFFFFFD0 ss:$0x1] =	vst.idx.msk $0xffff, v2  }
0x379: {  	v2 =	vld.idx.msk [tilespmem:v1+s23+$0xFFFFFFE0 ss:$0x1], $0xffff;
	_ =	sdelay $0x5  }
0x37a: {  	v2 =	vmul.f32 v2, v0;
	_ =	sdelay $0x1  }
0x37b: {  	[tilespmem:v1+s23+$0xFFFFFFE0 ss:$0x1] =	vst.idx.msk $0xffff, v2  }
0x37c: {  	v2 =	vld.idx.msk [tilespmem:v1+s23+$0xFFFFFFF0 ss:$0x1], $0xffff;
	_ =	sdelay $0x5  }
0x37d: {  	v2 =	vmul.f32 v2, v0;
	_ =	sdelay $0x1  }
0x37e: {  	[tilespmem:v1+s23+$0xFFFFFFF0 ss:$0x1] =	vst.idx.msk $0xffff, v2  }
0x37f: {  	v2 =	vld.idx.msk [tilespmem:v1+s23+$0x0 ss:$0x1], $0xffff;
	_ =	sdelay $0x5  }
0x380: {  	v2 =	vmul.f32 v2, v0;
	_ =	sdelay $0x1  }
0x381: {  	[tilespmem:v1+s23+$0x0 ss:$0x1] =	vst.idx.msk $0xffff, v2  }
0x382: {  	v2 =	vld.idx.msk [tilespmem:v1+s23+$0x10 ss:$0x1], $0xffff;
	_ =	sdelay $0x5  }
0x383: {  	v2 =	vmul.f32 v2, v0;
	_ =	sdelay $0x1  }
0x384: {  	[tilespmem:v1+s23+$0x10 ss:$0x1] =	vst.idx.msk $0xffff, v2  }
0x385: {  	v2 =	vld.idx.msk [tilespmem:v1+s23+$0x20 ss:$0x1], $0xffff;
	_ =	sdelay $0x5  }
0x386: {  	v2 =	vmul.f32 v2, v0;
	_ =	sdelay $0x1  }
0x387: {  	[tilespmem:v1+s23+$0x20 ss:$0x1] =	vst.idx.msk $0xffff, v2  }
0x388: {  	v2 =	vld.idx.msk [tilespmem:v1+s23+$0x30 ss:$0x1], $0xffff;
	_ =	sdelay $0x1  }
.Ltmp7:
0x389: {  	(pc) =	sbr.rel @p2 .LBB2_19-.Ltmp7, $2  }
0x38a: {  	_ =	sdelay $0x2  }
0x38b: {  	v2 =	vmul.f32 v2, v0  }
0x38c: {  	_ =	sdelay $0x3  }
0x38d: {  	s0 =	sshra.s32 s24, $0x2;
	[tilespmem:v1+s23+$0x30 ss:$0x1] =	vst.idx.msk $0xffff, v2  }
0x38e: {  	v2 =	vld.idx.msk [tilespmem:v1+s0+$0xFFFFFFC0 ss:$0x1], $0xffff;
	_ =	sdelay $0x4  }
0x38f: {  	v2 =	vmul.f32 v2, v0;
	_ =	sdelay $0x1  }
0x390: {  	[tilespmem:v1+s0+$0xFFFFFFC0 ss:$0x1] =	vst.idx.msk $0xffff, v2  }
0x391: {  	v2 =	vld.idx.msk [tilespmem:v1+s0+$0xFFFFFFD0 ss:$0x1], $0xffff;
	_ =	sdelay $0x4  }
0x392: {  	v2 =	vmul.f32 v2, v0;
	_ =	sdelay $0x1  }
0x393: {  	[tilespmem:v1+s0+$0xFFFFFFD0 ss:$0x1] =	vst.idx.msk $0xffff, v2  }
0x394: {  	v2 =	vld.idx.msk [tilespmem:v1+s0+$0xFFFFFFE0 ss:$0x1], $0xffff;
	_ =	sdelay $0x4  }
0x395: {  	v2 =	vmul.f32 v2, v0;
	_ =	sdelay $0x1  }
0x396: {  	[tilespmem:v1+s0+$0xFFFFFFE0 ss:$0x1] =	vst.idx.msk $0xffff, v2  }
0x397: {  	v2 =	vld.idx.msk [tilespmem:v1+s0+$0xFFFFFFF0 ss:$0x1], $0xffff;
	_ =	sdelay $0x4  }
0x398: {  	v2 =	vmul.f32 v2, v0;
	_ =	sdelay $0x1  }
0x399: {  	[tilespmem:v1+s0+$0xFFFFFFF0 ss:$0x1] =	vst.idx.msk $0xffff, v2  }
0x39a: {  	v2 =	vld.idx.msk [tilespmem:v1+s0+$0x0 ss:$0x1], $0xffff;
	_ =	sdelay $0x4  }
0x39b: {  	v2 =	vmul.f32 v2, v0;
	_ =	sdelay $0x1  }
0x39c: {  	[tilespmem:v1+s0+$0x0 ss:$0x1] =	vst.idx.msk $0xffff, v2  }
0x39d: {  	v2 =	vld.idx.msk [tilespmem:v1+s0+$0x10 ss:$0x1], $0xffff;
	_ =	sdelay $0x4  }
0x39e: {  	v2 =	vmul.f32 v2, v0;
	_ =	sdelay $0x1  }
0x39f: {  	[tilespmem:v1+s0+$0x10 ss:$0x1] =	vst.idx.msk $0xffff, v2  }
0x3a0: {  	v2 =	vld.idx.msk [tilespmem:v1+s0+$0x20 ss:$0x1], $0xffff;
	_ =	sdelay $0x4  }
0x3a1: {  	v2 =	vmul.f32 v2, v0;
	_ =	sdelay $0x1  }
0x3a2: {  	[tilespmem:v1+s0+$0x20 ss:$0x1] =	vst.idx.msk $0xffff, v2  }
0x3a3: {  	v2 =	vld.idx.msk [tilespmem:v1+s0+$0x30 ss:$0x1], $0xffff;
	_ =	sdelay $0x1  }
0x3a4: {  	s3 =	sshll.u32 s21, $0xD;
	s21 =	sadd.s32 $0x1, s21  }
0x3a5: {  	s12 =	sadd.s32 s7, s3;
	p2 =	sne.s32 s21, $0x8  }
.Ltmp8:
0x3a6: {  	s12 =	sshll.u32 s12, $0x2;
	(pc) =	sbr.rel @p2 .LBB2_18-.Ltmp8, $4  }
0x3a7: {  	s12 =	sor.u32 s20, s12;
	v2 =	vmul.f32 v2, v0  }
0x3a8: {  	s12 =	sshrl.u32 s12, $0x3  }
0x3a9: {  	s22 =	sadd.s32 $0x2000, s22;
	s31 =	sadd.s32 s5, s12;
	[tilespmem:v1+s0+$0x30 ss:$0x1] =	vst.idx.msk $0xffff, v2  }
0x3aa: {  	[hbm4b:s31+s16] =	stream.strided.scatter [tilespmem:s3], [sflag:$0x5], $0x2000, s17, s16, $0x38;
	[tilespmem:$0x18190] =	vst v63  }
0x3ab: {  	_ =	swait.ge [sflag:s18], $0x2000  }
0x3ac: {  	[sflag:s18] =	ssyncset.done $0x0  }
0x3ad: {  	[sflag:s18] =	ssyncadd.s32 $0xFFFFE000  }
0x3ae: {  	_ =	swait.ge [sflag:s18], $0x2000  }
0x3af: {  	[sflag:s18] =	ssyncset.done $0x0  }
0x3b0: {  	[sflag:s18] =	ssyncadd.s32 $0xFFFFE000  }
0x3b1: {  	_ =	swait.ge [sflag:s18], $0x2000  }
0x3b2: {  	[sflag:s18] =	ssyncset.done $0x0  }
0x3b3: {  	[sflag:s18] =	ssyncadd.s32 $0xFFFFE000  }
0x3b4: {  	_ =	swait.ge [sflag:s18], $0x2000  }
0x3b5: {  	[sflag:s18] =	ssyncset.done $0x0  }
0x3b6: {  	[sflag:s18] =	ssyncadd.s32 $0xFFFFE000  }
0x3b7: {  	_ =	swait.ge [sflag:s18], $0x2000  }
0x3b8: {  	[sflag:s18] =	ssyncset.done $0x0  }
0x3b9: {  	[sflag:s18] =	ssyncadd.s32 $0xFFFFE000  }
0x3ba: {  	_ =	swait.ge [sflag:s18], $0x2000  }
0x3bb: {  	[sflag:s18] =	ssyncset.done $0x0  }
0x3bc: {  	[sflag:s18] =	ssyncadd.s32 $0xFFFFE000  }
0x3bd: {  	_ =	swait.ge [sflag:s18], $0x2000  }
.Ltmp9:
0x3be: {  	[sflag:s18] =	ssyncset.done $0x0;
	(pc) =	sbr.rel @p1 .LBB2_2-.Ltmp9, $4  }
0x3bf: {  	[sflag:s18] =	ssyncadd.s32 $0xFFFFE000  }
0x3c0: {  	_ =	swait.ge [sflag:s18], $0x2000  }
0x3c1: {  	[sflag:s18] =	ssyncset.done $0x0  }
0x3c2: {  	s0 =	simm.s32 $0x1;
	p2 =	por $0x0, $0x0;
	[sflag:s18] =	ssyncadd.s32 $0xFFFFE000  }
0x3c3: {  	s3 =	rddreg [dreg:$0x6]  }
0x3c4: {  	s0 =	rddreg [dreg:$0x5];
	s3 =	sadd.s32 $0x1, s3  }
0x3c5: {  	p1 =	sne.s32 s3, s0  }
.Ltmp10:
0x3c6: {  	_ = 	snop;
	(pc) =	sbr.rel @p1 .LBB2_1-.Ltmp10, $1  }
0x3c7: {  	_ =	sdelay $0x3  }
0x3c8: {  	_ =	sfence.sel $0x180000  }
0x3c9: {  	[bflag:$0x0] =	sbarrier.arrive $0xFFFF  }
0x3ca: {  	_ =	strace $0x90000047  }
0x3cb: {  	[bflag:$0x2] =	sbarrier.arrive $0xFFFF  }
0x3cc: {  	s0 =	rddreg [dreg:$0x4]  }
0x3cd: {  	s0 =	sadd.s32 @!p0 $0x100000, s0  }
0x3ce: {  	[sflag:s0] =	ssyncadd.tile.s32 @!p0 $0x1;
	_ =	shalt  }
.Lfunc_end2:
_tile_overlayer_lowered:
.L_overlay_start_2:
0x3cf: {  	(tag) =	ssettag $0x2  }
0x3d0: {  	s0 =	rddreg [dreg:$0x0];
	s2 =	stileid.u32  }
0x3d1: {  	s1 =	rddreg [dreg:$0x1];
	p0 =	sne.s32 s2, $0x0  }
0x3d2: {  	s3 =	rddreg [dreg:$0x2];
	[bflag:$0x3] =	sbarrier.arrive $0xFFFF;
	s2 =	simm.s32 @!p0 $0x1C06  }
0x3d3: {  	[timem:s3], [sflag:s2] =	dma.local @!p0 [hbm:s0], s1  }
0x3d4: {  	s0 =	simm.s32 @!p0 $0x6  }
0x3d5: {  	_ =	swait.ge @!p0 [sflag:s0], s1  }
0x3d6: {  	s1 =	ssub.s32 @!p0 $0x0, s1;
	[sflag:s0] =	ssyncset.done @!p0 $0x0  }
0x3d7: {  	[sflag:s0] =	ssyncadd.s32 @!p0 s1  }
0x3d8: {  	[bflag:$0x3] =	sbarrier.arrive $0xFFFF  }
0x3d9: {  	_ =	shalt  }

</sc_bundles>
